<compile_context>
chip_gen: v7x
topology: tpu7x:2x2x1
jax: 0.10.2.dev20260603
libtpu: 0.0.44.dev20260713+nightly
codegen_flags: <defaults>
</compile_context>

<pallas_src>
import functools

import jax
import jax.numpy as jnp
from jax import lax
from jax.experimental import pallas as pl
from jax.experimental.pallas import tpu as pltpu
from jax.experimental.pallas import tpu_sc as plsc

_LANES = 16
_CH = 128
_NSLOT = 4
_PAD = 129


@functools.cache
def _build(batch, seq, embed, vocab):
    info = plsc.get_sparse_core_info()
    nw = info.num_cores * info.num_subcores
    assert batch % nw == 0 and seq == _NSLOT * _CH and embed == 64
    rows_per_w = batch // nw
    nch = rows_per_w * _NSLOT
    st_n = seq // _CH
    ecols = embed // _LANES

    mesh = plsc.VectorSubcoreMesh(core_axis_name="c", subcore_axis_name="s")

    @functools.partial(
        pl.kernel,
        out_type=jax.ShapeDtypeStruct((batch, 8, st_n, 8, _CH), jnp.float32),
        mesh=mesh,
        compiler_params=pltpu.CompilerParams(
            use_tc_tiling_on_sc=False, needs_layout_passes=False
        ),
        scratch_types=(
            [pltpu.VMEM((seq, embed), jnp.float32)]
            + [pltpu.VMEM((_CH,), jnp.int32) for _ in range(_NSLOT)]
            + [pltpu.VMEM((_CH, 64), jnp.float32) for _ in range(_NSLOT)]
            + [pltpu.VMEM((8, 8, _PAD), jnp.float32) for _ in range(_NSLOT)]
            + [pltpu.SemaphoreType.DMA for _ in range(3 * _NSLOT)]
        ),
    )
    def embed_kernel(ids_hbm, tok_hbm, pos_hbm, out_hbm, pos_v, *scratch):
        idx = scratch[:_NSLOT]
        g = scratch[_NSLOT : 2 * _NSLOT]
        ot = scratch[2 * _NSLOT : 3 * _NSLOT]
        sems = scratch[3 * _NSLOT :]
        isem = sems[:_NSLOT]
        gsem = sems[_NSLOT : 2 * _NSLOT]
        osem = sems[2 * _NSLOT : 3 * _NSLOT]

        wid = lax.axis_index("s") * info.num_cores + lax.axis_index("c")
        row0 = wid * rows_per_w
        pltpu.sync_copy(pos_hbm, pos_v)

        def fire_idx(row, c, s):
            pltpu.async_copy(ids_hbm.at[row, pl.ds(c * _CH, _CH)], idx[s], isem[s])

        def wait_idx(s):
            pltpu.make_async_copy(ids_hbm.at[0, pl.ds(0, _CH)], idx[s], isem[s]).wait()

        def fire_gather(s):
            pltpu.async_copy(tok_hbm.at[idx[s]], g[s], gsem[s])

        def wait_gather(s):
            pltpu.make_async_copy(tok_hbm.at[pl.ds(0, _CH)], g[s], gsem[s]).wait()

        def fire_store(row, s):
            pltpu.async_copy(
                ot[s].at[:, :, pl.ds(0, _CH)], out_hbm.at[row, :, s, :, :], osem[s]
            )

        def wait_store(s):
            pltpu.make_async_copy(
                ot[s].at[:, :, pl.ds(0, _CH)], out_hbm.at[0, :, 0, :, :], osem[s]
            ).wait()

        for s in range(3):
            fire_idx(row0, s, s)
        wait_idx(0)
        fire_gather(0)
        wait_idx(1)
        fire_gather(1)

        iota = lax.iota(jnp.int32, _LANES)
        etv = [lax.shift_right_logical(iota + 16 * j, 3) for j in range(ecols)]
        e8v = [lax.bitwise_and(iota + 16 * j, 7) for j in range(ecols)]

        def group_body(kk, carry):
            row = row0 + kk
            for b in range(_NSLOT):
                k = kk * _NSLOT + b
                wait_gather(b)

                s3 = (b + 3) % _NSLOT

                @pl.when(k < nch - 3)
                def _():
                    fire_idx(row + (b + 3) // _NSLOT, (b + 3) % _NSLOT, s3)

                s2 = (b + 2) % _NSLOT

                @pl.when(k < nch - 2)
                def _():
                    @pl.when(k >= 2)
                    def _():
                        wait_store(s2)

                    wait_idx(s2)
                    fire_gather(s2)

                poff = b * _CH

                @plsc.parallel_loop(0, _CH, 1, unroll=8)
                def _(l):
                    sv = jnp.full((_LANES,), l, jnp.int32)
                    for j in range(ecols):
                        sl = pl.ds(j * _LANES, _LANES)
                        v = g[b][l, sl] + pos_v[poff + l, sl]
                        plsc.store_scatter(ot[b], [etv[j], e8v[j], sv], v)
                fire_store(row, b)
            return carry

        lax.fori_loop(0, rows_per_w, group_body, 0)
        for s in range(_NSLOT):
            wait_store(s)

    return embed_kernel


def kernel(input_ids, token_table, position_table):
    batch, seq = input_ids.shape
    vocab, embed = token_table.shape
    fn = _build(batch, seq, embed, vocab)
    out5 = fn(input_ids, token_table, position_table)
    return out5.transpose(0, 2, 4, 1, 3).reshape(batch, seq, embed)

# --- scband reference (transcript-rebuilt; emitter-appended) ---
"""Pipeline reference for scband-text-embedding-82360292868447 (READ-ONLY COPY).

The authoritative reference and input builder live on the scoring server;
editing this copy changes nothing except your own understanding.
"""

import jax, jax.numpy as jnp
import numpy as np

VOCAB = 1000000
EMBED = 64
MAX_POS = 512
BATCH = 4096
SEQ = 512

def setup_inputs(seed: int = 0) -> dict:
    key = jax.random.key(seed)
    k1, k2, k3 = jax.random.split(key, 3)
    input_ids = jax.random.randint(k1, (BATCH, SEQ), 0, VOCAB, dtype=jnp.int64 if jax.config.jax_enable_x64 else jnp.int32).astype(jnp.int32)
    token_table = (jax.random.normal(k2, (VOCAB, EMBED), dtype=jnp.float32) * 0.02)
    position_table = (jax.random.normal(k3, (MAX_POS, EMBED), dtype=jnp.float32) * 0.02)
    return {"input_ids": input_ids, "token_table": token_table, "position_table": position_table}

def reference(input_ids, token_table, position_table):
    seq_length = input_ids.shape[1]
    position_ids = jnp.arange(seq_length, dtype=jnp.int32)
    position_ids = jnp.broadcast_to(position_ids[None, :], input_ids.shape)
    token_embeds = jnp.take(token_table, input_ids, axis=0)
    position_embeds = jnp.take(position_table, position_ids, axis=0)
    embeddings = token_embeds + position_embeds
    # dropout p=0.0 -> identity
    return embeddings

if __name__ == "__main__":
    import jax
    _d = setup_inputs()
    print(jax.jit(kernel)(*tuple(_d.values())))

</pallas_src>

<mosaic_0001>
#map = affine_map<(d0, d1) -> (0, 0)>
#map1 = affine_map<(d0, d1) -> (0, 0, 0, 0, 0)>
module attributes {stable_mosaic.version = 14 : i64} {
  func.func @embed_kernel(%arg0: i32, %arg1: i32, %arg2: memref<4096x512xi32, #tpu.memory_space<hbm>>, %arg3: memref<1000000x64xf32, #tpu.memory_space<hbm>>, %arg4: memref<512x64xf32, #tpu.memory_space<hbm>>, %arg5: memref<4096x8x4x8x128xf32, #tpu.memory_space<hbm>>, %arg6: memref<512x64xf32, #tpu.memory_space<vmem>>, %arg7: memref<128xi32, #tpu.memory_space<vmem>>, %arg8: memref<128xi32, #tpu.memory_space<vmem>>, %arg9: memref<128xi32, #tpu.memory_space<vmem>>, %arg10: memref<128xi32, #tpu.memory_space<vmem>>, %arg11: memref<128x64xf32, #tpu.memory_space<vmem>>, %arg12: memref<128x64xf32, #tpu.memory_space<vmem>>, %arg13: memref<128x64xf32, #tpu.memory_space<vmem>>, %arg14: memref<128x64xf32, #tpu.memory_space<vmem>>, %arg15: memref<8x8x129xf32, #tpu.memory_space<vmem>>, %arg16: memref<8x8x129xf32, #tpu.memory_space<vmem>>, %arg17: memref<8x8x129xf32, #tpu.memory_space<vmem>>, %arg18: memref<8x8x129xf32, #tpu.memory_space<vmem>>, %arg19: memref<!tpu.dma_semaphore, #tpu.memory_space<semaphore_mem>>, %arg20: memref<!tpu.dma_semaphore, #tpu.memory_space<semaphore_mem>>, %arg21: memref<!tpu.dma_semaphore, #tpu.memory_space<semaphore_mem>>, %arg22: memref<!tpu.dma_semaphore, #tpu.memory_space<semaphore_mem>>, %arg23: memref<!tpu.dma_semaphore, #tpu.memory_space<semaphore_mem>>, %arg24: memref<!tpu.dma_semaphore, #tpu.memory_space<semaphore_mem>>, %arg25: memref<!tpu.dma_semaphore, #tpu.memory_space<semaphore_mem>>, %arg26: memref<!tpu.dma_semaphore, #tpu.memory_space<semaphore_mem>>, %arg27: memref<!tpu.dma_semaphore, #tpu.memory_space<semaphore_mem>>, %arg28: memref<!tpu.dma_semaphore, #tpu.memory_space<semaphore_mem>>, %arg29: memref<!tpu.dma_semaphore, #tpu.memory_space<semaphore_mem>>, %arg30: memref<!tpu.dma_semaphore, #tpu.memory_space<semaphore_mem>>) attributes {dimension_semantics = [#tpu.dimension_semantics<core_parallel>, #tpu.dimension_semantics<subcore_parallel>], iteration_bounds = array<i64: 2, 16>, scalar_prefetch = 0 : i64, scratch_operands = 25 : i64, tpu.core_type = #tpu.core_type<sc_vector_subcore>, window_params = [{transform_indices = #map}, {transform_indices = #map}, {transform_indices = #map}, {transform_indices = #map1}]} {
    %mul3A = arith.constant 2 : i32
    %mul3A_0 = arith.muli %arg1, %mul3A : i32
    %add3A = arith.addi %mul3A_0, %arg0 : i32
    %mul3A_1 = arith.constant 128 : i32
    %mul3A_2 = arith.muli %add3A, %mul3A_1 : i32
    "tpu.region"() ({
      %run_scoped3A = tpu.sem_alloc : memref<!tpu.dma_semaphore, #tpu.memory_space<semaphore_mem>>
      tpu.enqueue_dma source(%arg4 : memref<512x64xf32, #tpu.memory_space<hbm>>) target(%arg6 : memref<512x64xf32, #tpu.memory_space<vmem>>) target_semaphore(%run_scoped3A : memref<!tpu.dma_semaphore, #tpu.memory_space<semaphore_mem>>)
      tpu.wait_dma2 semaphore(%run_scoped3A : memref<!tpu.dma_semaphore, #tpu.memory_space<semaphore_mem>>) src(%arg4 : memref<512x64xf32, #tpu.memory_space<hbm>>) dst(%arg6 : memref<512x64xf32, #tpu.memory_space<vmem>>)
      tpu.yield
    }) : () -> ()
    %dma_start3A = arith.constant 0 : i32
    %dma_start3A_3 = tpu.memref_slice %arg2[%mul3A_2, %dma_start3A] : memref<4096x512xi32, #tpu.memory_space<hbm>> -> memref<1x128xi32, #tpu.memory_space<hbm>>
    %dma_start3A_4 = tpu.memref_squeeze %dma_start3A_3 : memref<1x128xi32, #tpu.memory_space<hbm>> -> memref<128xi32, #tpu.memory_space<hbm>>
    %dma_start3A_5 = arith.constant 0 : i32
    %dma_start3A_6 = tpu.memref_slice %arg2[%mul3A_2, %dma_start3A_5] : memref<4096x512xi32, #tpu.memory_space<hbm>> -> memref<1x128xi32, #tpu.memory_space<hbm>>
    %dma_start3A_7 = tpu.memref_squeeze %dma_start3A_6 : memref<1x128xi32, #tpu.memory_space<hbm>> -> memref<128xi32, #tpu.memory_space<hbm>>
    tpu.enqueue_dma source(%dma_start3A_7 : memref<128xi32, #tpu.memory_space<hbm>>) target(%arg7 : memref<128xi32, #tpu.memory_space<vmem>>) target_semaphore(%arg19 : memref<!tpu.dma_semaphore, #tpu.memory_space<semaphore_mem>>)
    %dma_start3A_8 = arith.constant 128 : i32
    %dma_start3A_9 = tpu.memref_slice %arg2[%mul3A_2, %dma_start3A_8] : memref<4096x512xi32, #tpu.memory_space<hbm>> -> memref<1x128xi32, #tpu.memory_space<hbm>>
    %dma_start3A_10 = tpu.memref_squeeze %dma_start3A_9 : memref<1x128xi32, #tpu.memory_space<hbm>> -> memref<128xi32, #tpu.memory_space<hbm>>
    %dma_start3A_11 = arith.constant 128 : i32
    %dma_start3A_12 = tpu.memref_slice %arg2[%mul3A_2, %dma_start3A_11] : memref<4096x512xi32, #tpu.memory_space<hbm>> -> memref<1x128xi32, #tpu.memory_space<hbm>>
    %dma_start3A_13 = tpu.memref_squeeze %dma_start3A_12 : memref<1x128xi32, #tpu.memory_space<hbm>> -> memref<128xi32, #tpu.memory_space<hbm>>
    tpu.enqueue_dma source(%dma_start3A_13 : memref<128xi32, #tpu.memory_space<hbm>>) target(%arg8 : memref<128xi32, #tpu.memory_space<vmem>>) target_semaphore(%arg20 : memref<!tpu.dma_semaphore, #tpu.memory_space<semaphore_mem>>)
    %dma_start3A_14 = arith.constant 256 : i32
    %dma_start3A_15 = tpu.memref_slice %arg2[%mul3A_2, %dma_start3A_14] : memref<4096x512xi32, #tpu.memory_space<hbm>> -> memref<1x128xi32, #tpu.memory_space<hbm>>
    %dma_start3A_16 = tpu.memref_squeeze %dma_start3A_15 : memref<1x128xi32, #tpu.memory_space<hbm>> -> memref<128xi32, #tpu.memory_space<hbm>>
    %dma_start3A_17 = arith.constant 256 : i32
    %dma_start3A_18 = tpu.memref_slice %arg2[%mul3A_2, %dma_start3A_17] : memref<4096x512xi32, #tpu.memory_space<hbm>> -> memref<1x128xi32, #tpu.memory_space<hbm>>
    %dma_start3A_19 = tpu.memref_squeeze %dma_start3A_18 : memref<1x128xi32, #tpu.memory_space<hbm>> -> memref<128xi32, #tpu.memory_space<hbm>>
    tpu.enqueue_dma source(%dma_start3A_19 : memref<128xi32, #tpu.memory_space<hbm>>) target(%arg9 : memref<128xi32, #tpu.memory_space<vmem>>) target_semaphore(%arg21 : memref<!tpu.dma_semaphore, #tpu.memory_space<semaphore_mem>>)
    %dma_wait3A = arith.constant 0 : i32
    %dma_wait3A_20 = arith.constant 0 : i32
    %dma_wait3A_21 = tpu.memref_slice %arg2[%dma_wait3A, %dma_wait3A_20] : memref<4096x512xi32, #tpu.memory_space<hbm>> -> memref<1x128xi32, #tpu.memory_space<hbm>>
    %dma_wait3A_22 = tpu.memref_squeeze %dma_wait3A_21 : memref<1x128xi32, #tpu.memory_space<hbm>> -> memref<128xi32, #tpu.memory_space<hbm>>
    %dma_wait3A_23 = arith.constant 0 : i32
    %dma_wait3A_24 = tpu.memref_slice %arg2[%dma_wait3A, %dma_wait3A_23] : memref<4096x512xi32, #tpu.memory_space<hbm>> -> memref<1x128xi32, #tpu.memory_space<hbm>>
    %dma_wait3A_25 = tpu.memref_squeeze %dma_wait3A_24 : memref<1x128xi32, #tpu.memory_space<hbm>> -> memref<128xi32, #tpu.memory_space<hbm>>
    tpu.wait_dma2 semaphore(%arg19 : memref<!tpu.dma_semaphore, #tpu.memory_space<semaphore_mem>>) src(%dma_wait3A_25 : memref<128xi32, #tpu.memory_space<hbm>>) dst(%arg7 : memref<128xi32, #tpu.memory_space<vmem>>)
    %dma_start3A_26 = arith.constant 0 : i32
    %dma_start3A_27 = arith.constant 0 : i32
    %dma_start3A_28 = tpu.memref_slice %arg3[%dma_start3A_26, %dma_start3A_27] : memref<1000000x64xf32, #tpu.memory_space<hbm>> -> memref<1000000x64xf32, #tpu.memory_space<hbm>>
    tpu.enqueue_indirect_dma source(%dma_start3A_28 : memref<1000000x64xf32, #tpu.memory_space<hbm>>) target(%arg11 : memref<128x64xf32, #tpu.memory_space<vmem>>) offsets(%arg7 : memref<128xi32, #tpu.memory_space<vmem>>) semaphore(%arg23 : memref<!tpu.dma_semaphore, #tpu.memory_space<semaphore_mem>>)
    %dma_wait3A_29 = arith.constant 0 : i32
    %dma_wait3A_30 = arith.constant 0 : i32
    %dma_wait3A_31 = tpu.memref_slice %arg2[%dma_wait3A_29, %dma_wait3A_30] : memref<4096x512xi32, #tpu.memory_space<hbm>> -> memref<1x128xi32, #tpu.memory_space<hbm>>
    %dma_wait3A_32 = tpu.memref_squeeze %dma_wait3A_31 : memref<1x128xi32, #tpu.memory_space<hbm>> -> memref<128xi32, #tpu.memory_space<hbm>>
    %dma_wait3A_33 = arith.constant 0 : i32
    %dma_wait3A_34 = tpu.memref_slice %arg2[%dma_wait3A_29, %dma_wait3A_33] : memref<4096x512xi32, #tpu.memory_space<hbm>> -> memref<1x128xi32, #tpu.memory_space<hbm>>
    %dma_wait3A_35 = tpu.memref_squeeze %dma_wait3A_34 : memref<1x128xi32, #tpu.memory_space<hbm>> -> memref<128xi32, #tpu.memory_space<hbm>>
    tpu.wait_dma2 semaphore(%arg20 : memref<!tpu.dma_semaphore, #tpu.memory_space<semaphore_mem>>) src(%dma_wait3A_35 : memref<128xi32, #tpu.memory_space<hbm>>) dst(%arg8 : memref<128xi32, #tpu.memory_space<vmem>>)
    %dma_start3A_36 = arith.constant 0 : i32
    %dma_start3A_37 = arith.constant 0 : i32
    %dma_start3A_38 = tpu.memref_slice %arg3[%dma_start3A_36, %dma_start3A_37] : memref<1000000x64xf32, #tpu.memory_space<hbm>> -> memref<1000000x64xf32, #tpu.memory_space<hbm>>
    tpu.enqueue_indirect_dma source(%dma_start3A_38 : memref<1000000x64xf32, #tpu.memory_space<hbm>>) target(%arg12 : memref<128x64xf32, #tpu.memory_space<vmem>>) offsets(%arg8 : memref<128xi32, #tpu.memory_space<vmem>>) semaphore(%arg24 : memref<!tpu.dma_semaphore, #tpu.memory_space<semaphore_mem>>)
    %iota3A = tpu.iota {dimensions = array<i32: 0>} : vector<16xi32>
    %add3A_39 = arith.constant 0 : i32
    %add3A_40 = vector.broadcast %add3A_39 : i32 to vector<16xi32>
    %add3A_41 = arith.addi %iota3A, %add3A_40 : vector<16xi32>
    %shift_right_logical3A = arith.constant 3 : i32
    %shift_right_logical3A_42 = vector.broadcast %shift_right_logical3A : i32 to vector<16xi32>
    %shift_right_logical3A_43 = arith.shrui %add3A_41, %shift_right_logical3A_42 : vector<16xi32>
    %add3A_44 = arith.constant 16 : i32
    %add3A_45 = vector.broadcast %add3A_44 : i32 to vector<16xi32>
    %add3A_46 = arith.addi %iota3A, %add3A_45 : vector<16xi32>
    %shift_right_logical3A_47 = arith.constant 3 : i32
    %shift_right_logical3A_48 = vector.broadcast %shift_right_logical3A_47 : i32 to vector<16xi32>
    %shift_right_logical3A_49 = arith.shrui %add3A_46, %shift_right_logical3A_48 : vector<16xi32>
    %add3A_50 = arith.constant 32 : i32
    %add3A_51 = vector.broadcast %add3A_50 : i32 to vector<16xi32>
    %add3A_52 = arith.addi %iota3A, %add3A_51 : vector<16xi32>
    %shift_right_logical3A_53 = arith.constant 3 : i32
    %shift_right_logical3A_54 = vector.broadcast %shift_right_logical3A_53 : i32 to vector<16xi32>
    %shift_right_logical3A_55 = arith.shrui %add3A_52, %shift_right_logical3A_54 : vector<16xi32>
    %add3A_56 = arith.constant 48 : i32
    %add3A_57 = vector.broadcast %add3A_56 : i32 to vector<16xi32>
    %add3A_58 = arith.addi %iota3A, %add3A_57 : vector<16xi32>
    %shift_right_logical3A_59 = arith.constant 3 : i32
    %shift_right_logical3A_60 = vector.broadcast %shift_right_logical3A_59 : i32 to vector<16xi32>
    %shift_right_logical3A_61 = arith.shrui %add3A_58, %shift_right_logical3A_60 : vector<16xi32>
    %add3A_62 = arith.constant 0 : i32
    %add3A_63 = vector.broadcast %add3A_62 : i32 to vector<16xi32>
    %add3A_64 = arith.addi %iota3A, %add3A_63 : vector<16xi32>
    %and3A = arith.constant 7 : i32
    %and3A_65 = vector.broadcast %and3A : i32 to vector<16xi32>
    %and3A_66 = arith.andi %add3A_64, %and3A_65 : vector<16xi32>
    %add3A_67 = arith.constant 16 : i32
    %add3A_68 = vector.broadcast %add3A_67 : i32 to vector<16xi32>
    %add3A_69 = arith.addi %iota3A, %add3A_68 : vector<16xi32>
    %and3A_70 = arith.constant 7 : i32
    %and3A_71 = vector.broadcast %and3A_70 : i32 to vector<16xi32>
    %and3A_72 = arith.andi %add3A_69, %and3A_71 : vector<16xi32>
    %add3A_73 = arith.constant 32 : i32
    %add3A_74 = vector.broadcast %add3A_73 : i32 to vector<16xi32>
    %add3A_75 = arith.addi %iota3A, %add3A_74 : vector<16xi32>
    %and3A_76 = arith.constant 7 : i32
    %and3A_77 = vector.broadcast %and3A_76 : i32 to vector<16xi32>
    %and3A_78 = arith.andi %add3A_75, %and3A_77 : vector<16xi32>
    %add3A_79 = arith.constant 48 : i32
    %add3A_80 = vector.broadcast %add3A_79 : i32 to vector<16xi32>
    %add3A_81 = arith.addi %iota3A, %add3A_80 : vector<16xi32>
    %and3A_82 = arith.constant 7 : i32
    %and3A_83 = vector.broadcast %and3A_82 : i32 to vector<16xi32>
    %and3A_84 = arith.andi %add3A_81, %and3A_83 : vector<16xi32>
    %scan3A = arith.constant 0 : i32
    %scan3A_85 = arith.constant 0 : i32
    %scan3A_86 = arith.constant 128 : i32
    %scan3A_87 = arith.addi %scan3A_85, %scan3A_86 : i32
    %scan3A_88 = arith.constant 1 : i32
    scf.for %scan3A_170 = %scan3A_85 to %scan3A_87 step %scan3A_88  : i32 {
      %add3A_171 = arith.addi %mul3A_2, %scan3A_170 : i32
      %mul3A_172 = arith.constant 4 : i32
      %mul3A_173 = arith.muli %scan3A_170, %mul3A_172 : i32
      %add3A_174 = arith.constant 0 : i32
      %add3A_175 = arith.addi %mul3A_173, %add3A_174 : i32
      %dma_wait3A_176 = arith.constant 0 : i32
      %dma_wait3A_177 = arith.constant 0 : i32
      %dma_wait3A_178 = tpu.memref_slice %arg3[%dma_wait3A_176, %dma_wait3A_177] : memref<1000000x64xf32, #tpu.memory_space<hbm>> -> memref<128x64xf32, #tpu.memory_space<hbm>>
      %dma_wait3A_179 = arith.constant 0 : i32
      %dma_wait3A_180 = arith.constant 0 : i32
      %dma_wait3A_181 = tpu.memref_slice %arg3[%dma_wait3A_179, %dma_wait3A_180] : memref<1000000x64xf32, #tpu.memory_space<hbm>> -> memref<128x64xf32, #tpu.memory_space<hbm>>
      tpu.wait_dma2 semaphore(%arg23 : memref<!tpu.dma_semaphore, #tpu.memory_space<semaphore_mem>>) src(%dma_wait3A_181 : memref<128x64xf32, #tpu.memory_space<hbm>>) dst(%arg11 : memref<128x64xf32, #tpu.memory_space<vmem>>)
      %lt3A = arith.constant 509 : i32
      %lt3A_182 = arith.cmpi slt, %add3A_175, %lt3A : i32
      %convert_element_type3A = arith.extui %lt3A_182 : i1 to i32
      %cond3A = arith.constant 0 : i32
      %cond3A_183 = arith.cmpi ne, %convert_element_type3A, %cond3A : i32
      scf.if %cond3A_183 {
        %add3A_336 = arith.constant 0 : i32
        %add3A_337 = arith.addi %add3A_171, %add3A_336 : i32
        %dma_start3A_338 = arith.constant 384 : i32
        %dma_start3A_339 = tpu.memref_slice %arg2[%add3A_337, %dma_start3A_338] : memref<4096x512xi32, #tpu.memory_space<hbm>> -> memref<1x128xi32, #tpu.memory_space<hbm>>
        %dma_start3A_340 = tpu.memref_squeeze %dma_start3A_339 : memref<1x128xi32, #tpu.memory_space<hbm>> -> memref<128xi32, #tpu.memory_space<hbm>>
        %dma_start3A_341 = arith.constant 384 : i32
        %dma_start3A_342 = tpu.memref_slice %arg2[%add3A_337, %dma_start3A_341] : memref<4096x512xi32, #tpu.memory_space<hbm>> -> memref<1x128xi32, #tpu.memory_space<hbm>>
        %dma_start3A_343 = tpu.memref_squeeze %dma_start3A_342 : memref<1x128xi32, #tpu.memory_space<hbm>> -> memref<128xi32, #tpu.memory_space<hbm>>
        tpu.enqueue_dma source(%dma_start3A_343 : memref<128xi32, #tpu.memory_space<hbm>>) target(%arg10 : memref<128xi32, #tpu.memory_space<vmem>>) target_semaphore(%arg22 : memref<!tpu.dma_semaphore, #tpu.memory_space<semaphore_mem>>)
      } else {
      }
      %lt3A_184 = arith.constant 510 : i32
      %lt3A_185 = arith.cmpi slt, %add3A_175, %lt3A_184 : i32
      %convert_element_type3A_186 = arith.extui %lt3A_185 : i1 to i32
      %cond3A_187 = arith.constant 0 : i32
      %cond3A_188 = arith.cmpi ne, %convert_element_type3A_186, %cond3A_187 : i32
      scf.if %cond3A_188 {
        %ge3A = arith.constant 2 : i32
        %ge3A_336 = arith.cmpi sge, %add3A_175, %ge3A : i32
        %convert_element_type3A_337 = arith.extui %ge3A_336 : i1 to i32
        %cond3A_338 = arith.constant 0 : i32
        %cond3A_339 = arith.cmpi ne, %convert_element_type3A_337, %cond3A_338 : i32
        scf.if %cond3A_339 {
          %dma_wait3A_350 = arith.constant 0 : i32
          %dma_wait3A_351 = arith.constant 0 : i32
          %dma_wait3A_352 = arith.constant 0 : i32
          %dma_wait3A_353 = arith.constant 0 : i32
          %dma_wait3A_354 = arith.constant 0 : i32
          %dma_wait3A_355 = tpu.memref_slice %arg17[%dma_wait3A_352, %dma_wait3A_353, %dma_wait3A_354] : memref<8x8x129xf32, #tpu.memory_space<vmem>> -> memref<8x8x128xf32, #tpu.memory_space<vmem>>
          %dma_wait3A_356 = arith.constant 0 : i32
          %dma_wait3A_357 = arith.constant 0 : i32
          %dma_wait3A_358 = arith.constant 0 : i32
          %dma_wait3A_359 = tpu.memref_slice %arg5[%dma_wait3A_350, %dma_wait3A_356, %dma_wait3A_351, %dma_wait3A_357, %dma_wait3A_358] : memref<4096x8x4x8x128xf32, #tpu.memory_space<hbm>> -> memref<1x8x1x8x128xf32, #tpu.memory_space<hbm>>
          %dma_wait3A_360 = tpu.memref_squeeze %dma_wait3A_359 : memref<1x8x1x8x128xf32, #tpu.memory_space<hbm>> -> memref<8x8x128xf32, #tpu.memory_space<hbm>>
          %dma_wait3A_361 = arith.constant 0 : i32
          %dma_wait3A_362 = arith.constant 0 : i32
          %dma_wait3A_363 = arith.constant 0 : i32
          %dma_wait3A_364 = tpu.memref_slice %arg5[%dma_wait3A_350, %dma_wait3A_361, %dma_wait3A_351, %dma_wait3A_362, %dma_wait3A_363] : memref<4096x8x4x8x128xf32, #tpu.memory_space<hbm>> -> memref<1x8x1x8x128xf32, #tpu.memory_space<hbm>>
          %dma_wait3A_365 = tpu.memref_squeeze %dma_wait3A_364 : memref<1x8x1x8x128xf32, #tpu.memory_space<hbm>> -> memref<8x8x128xf32, #tpu.memory_space<hbm>>
          %dma_wait3A_366 = arith.constant 0 : i32
          %dma_wait3A_367 = arith.constant 0 : i32
          %dma_wait3A_368 = arith.constant 0 : i32
          %dma_wait3A_369 = tpu.memref_slice %arg17[%dma_wait3A_366, %dma_wait3A_367, %dma_wait3A_368] : memref<8x8x129xf32, #tpu.memory_space<vmem>> -> memref<8x8x128xf32, #tpu.memory_space<vmem>>
          tpu.wait_dma2 semaphore(%arg29 : memref<!tpu.dma_semaphore, #tpu.memory_space<semaphore_mem>>) src(%dma_wait3A_369 : memref<8x8x128xf32, #tpu.memory_space<vmem>>) dst(%dma_wait3A_365 : memref<8x8x128xf32, #tpu.memory_space<hbm>>)
        } else {
        }
        %dma_wait3A_340 = arith.constant 0 : i32
        %dma_wait3A_341 = arith.constant 0 : i32
        %dma_wait3A_342 = tpu.memref_slice %arg2[%dma_wait3A_340, %dma_wait3A_341] : memref<4096x512xi32, #tpu.memory_space<hbm>> -> memref<1x128xi32, #tpu.memory_space<hbm>>
        %dma_wait3A_343 = tpu.memref_squeeze %dma_wait3A_342 : memref<1x128xi32, #tpu.memory_space<hbm>> -> memref<128xi32, #tpu.memory_space<hbm>>
        %dma_wait3A_344 = arith.constant 0 : i32
        %dma_wait3A_345 = tpu.memref_slice %arg2[%dma_wait3A_340, %dma_wait3A_344] : memref<4096x512xi32, #tpu.memory_space<hbm>> -> memref<1x128xi32, #tpu.memory_space<hbm>>
        %dma_wait3A_346 = tpu.memref_squeeze %dma_wait3A_345 : memref<1x128xi32, #tpu.memory_space<hbm>> -> memref<128xi32, #tpu.memory_space<hbm>>
        tpu.wait_dma2 semaphore(%arg21 : memref<!tpu.dma_semaphore, #tpu.memory_space<semaphore_mem>>) src(%dma_wait3A_346 : memref<128xi32, #tpu.memory_space<hbm>>) dst(%arg9 : memref<128xi32, #tpu.memory_space<vmem>>)
        %dma_start3A_347 = arith.constant 0 : i32
        %dma_start3A_348 = arith.constant 0 : i32
        %dma_start3A_349 = tpu.memref_slice %arg3[%dma_start3A_347, %dma_start3A_348] : memref<1000000x64xf32, #tpu.memory_space<hbm>> -> memref<1000000x64xf32, #tpu.memory_space<hbm>>
        tpu.enqueue_indirect_dma source(%dma_start3A_349 : memref<1000000x64xf32, #tpu.memory_space<hbm>>) target(%arg13 : memref<128x64xf32, #tpu.memory_space<vmem>>) offsets(%arg9 : memref<128xi32, #tpu.memory_space<vmem>>) semaphore(%arg25 : memref<!tpu.dma_semaphore, #tpu.memory_space<semaphore_mem>>)
      } else {
      }
      %parallel_loop3A = arith.constant 0 : i32
      %parallel_loop3A_189 = arith.constant 128 : i32
      %parallel_loop3A_190 = arith.constant 1 : i32
      scf.for %parallel_loop3A_336 = %parallel_loop3A to %parallel_loop3A_189 step %parallel_loop3A_190  : i32 {
        %parallel_loop3A_337 = vector.broadcast %parallel_loop3A_336 : i32 to vector<16xi32>
        %parallel_loop3A_338 = arith.index_cast %parallel_loop3A_336 : i32 to index
        %parallel_loop3A_339 = arith.constant 0 : index
        %parallel_loop3A_340 = tpu.vector_load %arg11[%parallel_loop3A_338, %parallel_loop3A_339] {strides = array<i32>} : memref<128x64xf32, #tpu.memory_space<vmem>>, vector<16xf32>,
        %parallel_loop3A_341 = arith.constant 0 : i32
        %parallel_loop3A_342 = arith.addi %parallel_loop3A_341, %parallel_loop3A_336 : i32
        %parallel_loop3A_343 = arith.index_cast %parallel_loop3A_342 : i32 to index
        %parallel_loop3A_344 = arith.constant 0 : index
        %parallel_loop3A_345 = tpu.vector_load %arg6[%parallel_loop3A_343, %parallel_loop3A_344] {strides = array<i32>} : memref<512x64xf32, #tpu.memory_space<vmem>>, vector<16xf32>,
        %parallel_loop3A_346 = arith.addf %parallel_loop3A_340, %parallel_loop3A_345 : vector<16xf32>
        tpu.vector_store_idx %arg15[%shift_right_logical3A_43, %and3A_66, %parallel_loop3A_337], %parallel_loop3A_346 : memref<8x8x129xf32, #tpu.memory_space<vmem>>[vector<16xi32>, vector<16xi32>, vector<16xi32>], vector<16xf32>,
        %parallel_loop3A_347 = arith.index_cast %parallel_loop3A_336 : i32 to index
        %parallel_loop3A_348 = arith.constant 16 : index
        %parallel_loop3A_349 = tpu.vector_load %arg11[%parallel_loop3A_347, %parallel_loop3A_348] {strides = array<i32>} : memref<128x64xf32, #tpu.memory_space<vmem>>, vector<16xf32>,
        %parallel_loop3A_350 = arith.constant 0 : i32
        %parallel_loop3A_351 = arith.addi %parallel_loop3A_350, %parallel_loop3A_336 : i32
        %parallel_loop3A_352 = arith.index_cast %parallel_loop3A_351 : i32 to index
        %parallel_loop3A_353 = arith.constant 16 : index
        %parallel_loop3A_354 = tpu.vector_load %arg6[%parallel_loop3A_352, %parallel_loop3A_353] {strides = array<i32>} : memref<512x64xf32, #tpu.memory_space<vmem>>, vector<16xf32>,
        %parallel_loop3A_355 = arith.addf %parallel_loop3A_349, %parallel_loop3A_354 : vector<16xf32>
        tpu.vector_store_idx %arg15[%shift_right_logical3A_49, %and3A_72, %parallel_loop3A_337], %parallel_loop3A_355 : memref<8x8x129xf32, #tpu.memory_space<vmem>>[vector<16xi32>, vector<16xi32>, vector<16xi32>], vector<16xf32>,
        %parallel_loop3A_356 = arith.index_cast %parallel_loop3A_336 : i32 to index
        %parallel_loop3A_357 = arith.constant 32 : index
        %parallel_loop3A_358 = tpu.vector_load %arg11[%parallel_loop3A_356, %parallel_loop3A_357] {strides = array<i32>} : memref<128x64xf32, #tpu.memory_space<vmem>>, vector<16xf32>,
        %parallel_loop3A_359 = arith.constant 0 : i32
        %parallel_loop3A_360 = arith.addi %parallel_loop3A_359, %parallel_loop3A_336 : i32
        %parallel_loop3A_361 = arith.index_cast %parallel_loop3A_360 : i32 to index
        %parallel_loop3A_362 = arith.constant 32 : index
        %parallel_loop3A_363 = tpu.vector_load %arg6[%parallel_loop3A_361, %parallel_loop3A_362] {strides = array<i32>} : memref<512x64xf32, #tpu.memory_space<vmem>>, vector<16xf32>,
        %parallel_loop3A_364 = arith.addf %parallel_loop3A_358, %parallel_loop3A_363 : vector<16xf32>
        tpu.vector_store_idx %arg15[%shift_right_logical3A_55, %and3A_78, %parallel_loop3A_337], %parallel_loop3A_364 : memref<8x8x129xf32, #tpu.memory_space<vmem>>[vector<16xi32>, vector<16xi32>, vector<16xi32>], vector<16xf32>,
        %parallel_loop3A_365 = arith.index_cast %parallel_loop3A_336 : i32 to index
        %parallel_loop3A_366 = arith.constant 48 : index
        %parallel_loop3A_367 = tpu.vector_load %arg11[%parallel_loop3A_365, %parallel_loop3A_366] {strides = array<i32>} : memref<128x64xf32, #tpu.memory_space<vmem>>, vector<16xf32>,
        %parallel_loop3A_368 = arith.constant 0 : i32
        %parallel_loop3A_369 = arith.addi %parallel_loop3A_368, %parallel_loop3A_336 : i32
        %parallel_loop3A_370 = arith.index_cast %parallel_loop3A_369 : i32 to index
        %parallel_loop3A_371 = arith.constant 48 : index
        %parallel_loop3A_372 = tpu.vector_load %arg6[%parallel_loop3A_370, %parallel_loop3A_371] {strides = array<i32>} : memref<512x64xf32, #tpu.memory_space<vmem>>, vector<16xf32>,
        %parallel_loop3A_373 = arith.addf %parallel_loop3A_367, %parallel_loop3A_372 : vector<16xf32>
        tpu.vector_store_idx %arg15[%shift_right_logical3A_61, %and3A_84, %parallel_loop3A_337], %parallel_loop3A_373 : memref<8x8x129xf32, #tpu.memory_space<vmem>>[vector<16xi32>, vector<16xi32>, vector<16xi32>], vector<16xf32>,
      } {sc.loop_unroll_factor = 8 : i64, sc.parallel_access}
      %dma_start3A_191 = arith.constant 0 : i32
      %dma_start3A_192 = arith.constant 0 : i32
      %dma_start3A_193 = arith.constant 0 : i32
      %dma_start3A_194 = arith.constant 0 : i32
      %dma_start3A_195 = tpu.memref_slice %arg15[%dma_start3A_192, %dma_start3A_193, %dma_start3A_194] : memref<8x8x129xf32, #tpu.memory_space<vmem>> -> memref<8x8x128xf32, #tpu.memory_space<vmem>>
      %dma_start3A_196 = arith.constant 0 : i32
      %dma_start3A_197 = arith.constant 0 : i32
      %dma_start3A_198 = arith.constant 0 : i32
      %dma_start3A_199 = tpu.memref_slice %arg5[%add3A_171, %dma_start3A_196, %dma_start3A_191, %dma_start3A_197, %dma_start3A_198] : memref<4096x8x4x8x128xf32, #tpu.memory_space<hbm>> -> memref<1x8x1x8x128xf32, #tpu.memory_space<hbm>>
      %dma_start3A_200 = tpu.memref_squeeze %dma_start3A_199 : memref<1x8x1x8x128xf32, #tpu.memory_space<hbm>> -> memref<8x8x128xf32, #tpu.memory_space<hbm>>
      %dma_start3A_201 = arith.constant 0 : i32
      %dma_start3A_202 = arith.constant 0 : i32
      %dma_start3A_203 = arith.constant 0 : i32
      %dma_start3A_204 = tpu.memref_slice %arg5[%add3A_171, %dma_start3A_201, %dma_start3A_191, %dma_start3A_202, %dma_start3A_203] : memref<4096x8x4x8x128xf32, #tpu.memory_space<hbm>> -> memref<1x8x1x8x128xf32, #tpu.memory_space<hbm>>
      %dma_start3A_205 = tpu.memref_squeeze %dma_start3A_204 : memref<1x8x1x8x128xf32, #tpu.memory_space<hbm>> -> memref<8x8x128xf32, #tpu.memory_space<hbm>>
      %dma_start3A_206 = arith.constant 0 : i32
      %dma_start3A_207 = arith.constant 0 : i32
      %dma_start3A_208 = arith.constant 0 : i32
      %dma_start3A_209 = tpu.memref_slice %arg15[%dma_start3A_206, %dma_start3A_207, %dma_start3A_208] : memref<8x8x129xf32, #tpu.memory_space<vmem>> -> memref<8x8x128xf32, #tpu.memory_space<vmem>>
      tpu.enqueue_dma source(%dma_start3A_209 : memref<8x8x128xf32, #tpu.memory_space<vmem>>) target(%dma_start3A_205 : memref<8x8x128xf32, #tpu.memory_space<hbm>>) target_semaphore(%arg27 : memref<!tpu.dma_semaphore, #tpu.memory_space<semaphore_mem>>)
      %mul3A_210 = arith.constant 4 : i32
      %mul3A_211 = arith.muli %scan3A_170, %mul3A_210 : i32
      %add3A_212 = arith.constant 1 : i32
      %add3A_213 = arith.addi %mul3A_211, %add3A_212 : i32
      %dma_wait3A_214 = arith.constant 0 : i32
      %dma_wait3A_215 = arith.constant 0 : i32
      %dma_wait3A_216 = tpu.memref_slice %arg3[%dma_wait3A_214, %dma_wait3A_215] : memref<1000000x64xf32, #tpu.memory_space<hbm>> -> memref<128x64xf32, #tpu.memory_space<hbm>>
      %dma_wait3A_217 = arith.constant 0 : i32
      %dma_wait3A_218 = arith.constant 0 : i32
      %dma_wait3A_219 = tpu.memref_slice %arg3[%dma_wait3A_217, %dma_wait3A_218] : memref<1000000x64xf32, #tpu.memory_space<hbm>> -> memref<128x64xf32, #tpu.memory_space<hbm>>
      tpu.wait_dma2 semaphore(%arg24 : memref<!tpu.dma_semaphore, #tpu.memory_space<semaphore_mem>>) src(%dma_wait3A_219 : memref<128x64xf32, #tpu.memory_space<hbm>>) dst(%arg12 : memref<128x64xf32, #tpu.memory_space<vmem>>)
      %lt3A_220 = arith.constant 509 : i32
      %lt3A_221 = arith.cmpi slt, %add3A_213, %lt3A_220 : i32
      %convert_element_type3A_222 = arith.extui %lt3A_221 : i1 to i32
      %cond3A_223 = arith.constant 0 : i32
      %cond3A_224 = arith.cmpi ne, %convert_element_type3A_222, %cond3A_223 : i32
      scf.if %cond3A_224 {
        %add3A_336 = arith.constant 1 : i32
        %add3A_337 = arith.addi %add3A_171, %add3A_336 : i32
        %dma_start3A_338 = arith.constant 0 : i32
        %dma_start3A_339 = tpu.memref_slice %arg2[%add3A_337, %dma_start3A_338] : memref<4096x512xi32, #tpu.memory_space<hbm>> -> memref<1x128xi32, #tpu.memory_space<hbm>>
        %dma_start3A_340 = tpu.memref_squeeze %dma_start3A_339 : memref<1x128xi32, #tpu.memory_space<hbm>> -> memref<128xi32, #tpu.memory_space<hbm>>
        %dma_start3A_341 = arith.constant 0 : i32
        %dma_start3A_342 = tpu.memref_slice %arg2[%add3A_337, %dma_start3A_341] : memref<4096x512xi32, #tpu.memory_space<hbm>> -> memref<1x128xi32, #tpu.memory_space<hbm>>
        %dma_start3A_343 = tpu.memref_squeeze %dma_start3A_342 : memref<1x128xi32, #tpu.memory_space<hbm>> -> memref<128xi32, #tpu.memory_space<hbm>>
        tpu.enqueue_dma source(%dma_start3A_343 : memref<128xi32, #tpu.memory_space<hbm>>) target(%arg7 : memref<128xi32, #tpu.memory_space<vmem>>) target_semaphore(%arg19 : memref<!tpu.dma_semaphore, #tpu.memory_space<semaphore_mem>>)
      } else {
      }
      %lt3A_225 = arith.constant 510 : i32
      %lt3A_226 = arith.cmpi slt, %add3A_213, %lt3A_225 : i32
      %convert_element_type3A_227 = arith.extui %lt3A_226 : i1 to i32
      %cond3A_228 = arith.constant 0 : i32
      %cond3A_229 = arith.cmpi ne, %convert_element_type3A_227, %cond3A_228 : i32
      scf.if %cond3A_229 {
        %ge3A = arith.constant 2 : i32
        %ge3A_336 = arith.cmpi sge, %add3A_213, %ge3A : i32
        %convert_element_type3A_337 = arith.extui %ge3A_336 : i1 to i32
        %cond3A_338 = arith.constant 0 : i32
        %cond3A_339 = arith.cmpi ne, %convert_element_type3A_337, %cond3A_338 : i32
        scf.if %cond3A_339 {
          %dma_wait3A_350 = arith.constant 0 : i32
          %dma_wait3A_351 = arith.constant 0 : i32
          %dma_wait3A_352 = arith.constant 0 : i32
          %dma_wait3A_353 = arith.constant 0 : i32
          %dma_wait3A_354 = arith.constant 0 : i32
          %dma_wait3A_355 = tpu.memref_slice %arg18[%dma_wait3A_352, %dma_wait3A_353, %dma_wait3A_354] : memref<8x8x129xf32, #tpu.memory_space<vmem>> -> memref<8x8x128xf32, #tpu.memory_space<vmem>>
          %dma_wait3A_356 = arith.constant 0 : i32
          %dma_wait3A_357 = arith.constant 0 : i32
          %dma_wait3A_358 = arith.constant 0 : i32
          %dma_wait3A_359 = tpu.memref_slice %arg5[%dma_wait3A_350, %dma_wait3A_356, %dma_wait3A_351, %dma_wait3A_357, %dma_wait3A_358] : memref<4096x8x4x8x128xf32, #tpu.memory_space<hbm>> -> memref<1x8x1x8x128xf32, #tpu.memory_space<hbm>>
          %dma_wait3A_360 = tpu.memref_squeeze %dma_wait3A_359 : memref<1x8x1x8x128xf32, #tpu.memory_space<hbm>> -> memref<8x8x128xf32, #tpu.memory_space<hbm>>
          %dma_wait3A_361 = arith.constant 0 : i32
          %dma_wait3A_362 = arith.constant 0 : i32
          %dma_wait3A_363 = arith.constant 0 : i32
          %dma_wait3A_364 = tpu.memref_slice %arg5[%dma_wait3A_350, %dma_wait3A_361, %dma_wait3A_351, %dma_wait3A_362, %dma_wait3A_363] : memref<4096x8x4x8x128xf32, #tpu.memory_space<hbm>> -> memref<1x8x1x8x128xf32, #tpu.memory_space<hbm>>
          %dma_wait3A_365 = tpu.memref_squeeze %dma_wait3A_364 : memref<1x8x1x8x128xf32, #tpu.memory_space<hbm>> -> memref<8x8x128xf32, #tpu.memory_space<hbm>>
          %dma_wait3A_366 = arith.constant 0 : i32
          %dma_wait3A_367 = arith.constant 0 : i32
          %dma_wait3A_368 = arith.constant 0 : i32
          %dma_wait3A_369 = tpu.memref_slice %arg18[%dma_wait3A_366, %dma_wait3A_367, %dma_wait3A_368] : memref<8x8x129xf32, #tpu.memory_space<vmem>> -> memref<8x8x128xf32, #tpu.memory_space<vmem>>
          tpu.wait_dma2 semaphore(%arg30 : memref<!tpu.dma_semaphore, #tpu.memory_space<semaphore_mem>>) src(%dma_wait3A_369 : memref<8x8x128xf32, #tpu.memory_space<vmem>>) dst(%dma_wait3A_365 : memref<8x8x128xf32, #tpu.memory_space<hbm>>)
        } else {
        }
        %dma_wait3A_340 = arith.constant 0 : i32
        %dma_wait3A_341 = arith.constant 0 : i32
        %dma_wait3A_342 = tpu.memref_slice %arg2[%dma_wait3A_340, %dma_wait3A_341] : memref<4096x512xi32, #tpu.memory_space<hbm>> -> memref<1x128xi32, #tpu.memory_space<hbm>>
        %dma_wait3A_343 = tpu.memref_squeeze %dma_wait3A_342 : memref<1x128xi32, #tpu.memory_space<hbm>> -> memref<128xi32, #tpu.memory_space<hbm>>
        %dma_wait3A_344 = arith.constant 0 : i32
        %dma_wait3A_345 = tpu.memref_slice %arg2[%dma_wait3A_340, %dma_wait3A_344] : memref<4096x512xi32, #tpu.memory_space<hbm>> -> memref<1x128xi32, #tpu.memory_space<hbm>>
        %dma_wait3A_346 = tpu.memref_squeeze %dma_wait3A_345 : memref<1x128xi32, #tpu.memory_space<hbm>> -> memref<128xi32, #tpu.memory_space<hbm>>
        tpu.wait_dma2 semaphore(%arg22 : memref<!tpu.dma_semaphore, #tpu.memory_space<semaphore_mem>>) src(%dma_wait3A_346 : memref<128xi32, #tpu.memory_space<hbm>>) dst(%arg10 : memref<128xi32, #tpu.memory_space<vmem>>)
        %dma_start3A_347 = arith.constant 0 : i32
        %dma_start3A_348 = arith.constant 0 : i32
        %dma_start3A_349 = tpu.memref_slice %arg3[%dma_start3A_347, %dma_start3A_348] : memref<1000000x64xf32, #tpu.memory_space<hbm>> -> memref<1000000x64xf32, #tpu.memory_space<hbm>>
        tpu.enqueue_indirect_dma source(%dma_start3A_349 : memref<1000000x64xf32, #tpu.memory_space<hbm>>) target(%arg14 : memref<128x64xf32, #tpu.memory_space<vmem>>) offsets(%arg10 : memref<128xi32, #tpu.memory_space<vmem>>) semaphore(%arg26 : memref<!tpu.dma_semaphore, #tpu.memory_space<semaphore_mem>>)
      } else {
      }
      %parallel_loop3A_230 = arith.constant 0 : i32
      %parallel_loop3A_231 = arith.constant 128 : i32
      %parallel_loop3A_232 = arith.constant 1 : i32
      scf.for %parallel_loop3A_336 = %parallel_loop3A_230 to %parallel_loop3A_231 step %parallel_loop3A_232  : i32 {
        %parallel_loop3A_337 = vector.broadcast %parallel_loop3A_336 : i32 to vector<16xi32>
        %parallel_loop3A_338 = arith.index_cast %parallel_loop3A_336 : i32 to index
        %parallel_loop3A_339 = arith.constant 0 : index
        %parallel_loop3A_340 = tpu.vector_load %arg12[%parallel_loop3A_338, %parallel_loop3A_339] {strides = array<i32>} : memref<128x64xf32, #tpu.memory_space<vmem>>, vector<16xf32>,
        %parallel_loop3A_341 = arith.constant 128 : i32
        %parallel_loop3A_342 = arith.addi %parallel_loop3A_341, %parallel_loop3A_336 : i32
        %parallel_loop3A_343 = arith.index_cast %parallel_loop3A_342 : i32 to index
        %parallel_loop3A_344 = arith.constant 0 : index
        %parallel_loop3A_345 = tpu.vector_load %arg6[%parallel_loop3A_343, %parallel_loop3A_344] {strides = array<i32>} : memref<512x64xf32, #tpu.memory_space<vmem>>, vector<16xf32>,
        %parallel_loop3A_346 = arith.addf %parallel_loop3A_340, %parallel_loop3A_345 : vector<16xf32>
        tpu.vector_store_idx %arg16[%shift_right_logical3A_43, %and3A_66, %parallel_loop3A_337], %parallel_loop3A_346 : memref<8x8x129xf32, #tpu.memory_space<vmem>>[vector<16xi32>, vector<16xi32>, vector<16xi32>], vector<16xf32>,
        %parallel_loop3A_347 = arith.index_cast %parallel_loop3A_336 : i32 to index
        %parallel_loop3A_348 = arith.constant 16 : index
        %parallel_loop3A_349 = tpu.vector_load %arg12[%parallel_loop3A_347, %parallel_loop3A_348] {strides = array<i32>} : memref<128x64xf32, #tpu.memory_space<vmem>>, vector<16xf32>,
        %parallel_loop3A_350 = arith.constant 128 : i32
        %parallel_loop3A_351 = arith.addi %parallel_loop3A_350, %parallel_loop3A_336 : i32
        %parallel_loop3A_352 = arith.index_cast %parallel_loop3A_351 : i32 to index
        %parallel_loop3A_353 = arith.constant 16 : index
        %parallel_loop3A_354 = tpu.vector_load %arg6[%parallel_loop3A_352, %parallel_loop3A_353] {strides = array<i32>} : memref<512x64xf32, #tpu.memory_space<vmem>>, vector<16xf32>,
        %parallel_loop3A_355 = arith.addf %parallel_loop3A_349, %parallel_loop3A_354 : vector<16xf32>
        tpu.vector_store_idx %arg16[%shift_right_logical3A_49, %and3A_72, %parallel_loop3A_337], %parallel_loop3A_355 : memref<8x8x129xf32, #tpu.memory_space<vmem>>[vector<16xi32>, vector<16xi32>, vector<16xi32>], vector<16xf32>,
        %parallel_loop3A_356 = arith.index_cast %parallel_loop3A_336 : i32 to index
        %parallel_loop3A_357 = arith.constant 32 : index
        %parallel_loop3A_358 = tpu.vector_load %arg12[%parallel_loop3A_356, %parallel_loop3A_357] {strides = array<i32>} : memref<128x64xf32, #tpu.memory_space<vmem>>, vector<16xf32>,
        %parallel_loop3A_359 = arith.constant 128 : i32
        %parallel_loop3A_360 = arith.addi %parallel_loop3A_359, %parallel_loop3A_336 : i32
        %parallel_loop3A_361 = arith.index_cast %parallel_loop3A_360 : i32 to index
        %parallel_loop3A_362 = arith.constant 32 : index
        %parallel_loop3A_363 = tpu.vector_load %arg6[%parallel_loop3A_361, %parallel_loop3A_362] {strides = array<i32>} : memref<512x64xf32, #tpu.memory_space<vmem>>, vector<16xf32>,
        %parallel_loop3A_364 = arith.addf %parallel_loop3A_358, %parallel_loop3A_363 : vector<16xf32>
        tpu.vector_store_idx %arg16[%shift_right_logical3A_55, %and3A_78, %parallel_loop3A_337], %parallel_loop3A_364 : memref<8x8x129xf32, #tpu.memory_space<vmem>>[vector<16xi32>, vector<16xi32>, vector<16xi32>], vector<16xf32>,
        %parallel_loop3A_365 = arith.index_cast %parallel_loop3A_336 : i32 to index
        %parallel_loop3A_366 = arith.constant 48 : index
        %parallel_loop3A_367 = tpu.vector_load %arg12[%parallel_loop3A_365, %parallel_loop3A_366] {strides = array<i32>} : memref<128x64xf32, #tpu.memory_space<vmem>>, vector<16xf32>,
        %parallel_loop3A_368 = arith.constant 128 : i32
        %parallel_loop3A_369 = arith.addi %parallel_loop3A_368, %parallel_loop3A_336 : i32
        %parallel_loop3A_370 = arith.index_cast %parallel_loop3A_369 : i32 to index
        %parallel_loop3A_371 = arith.constant 48 : index
        %parallel_loop3A_372 = tpu.vector_load %arg6[%parallel_loop3A_370, %parallel_loop3A_371] {strides = array<i32>} : memref<512x64xf32, #tpu.memory_space<vmem>>, vector<16xf32>,
        %parallel_loop3A_373 = arith.addf %parallel_loop3A_367, %parallel_loop3A_372 : vector<16xf32>
        tpu.vector_store_idx %arg16[%shift_right_logical3A_61, %and3A_84, %parallel_loop3A_337], %parallel_loop3A_373 : memref<8x8x129xf32, #tpu.memory_space<vmem>>[vector<16xi32>, vector<16xi32>, vector<16xi32>], vector<16xf32>,
      } {sc.loop_unroll_factor = 8 : i64, sc.parallel_access}
      %dma_start3A_233 = arith.constant 1 : i32
      %dma_start3A_234 = arith.constant 0 : i32
      %dma_start3A_235 = arith.constant 0 : i32
      %dma_start3A_236 = arith.constant 0 : i32
      %dma_start3A_237 = tpu.memref_slice %arg16[%dma_start3A_234, %dma_start3A_235, %dma_start3A_236] : memref<8x8x129xf32, #tpu.memory_space<vmem>> -> memref<8x8x128xf32, #tpu.memory_space<vmem>>
      %dma_start3A_238 = arith.constant 0 : i32
      %dma_start3A_239 = arith.constant 0 : i32
      %dma_start3A_240 = arith.constant 0 : i32
      %dma_start3A_241 = tpu.memref_slice %arg5[%add3A_171, %dma_start3A_238, %dma_start3A_233, %dma_start3A_239, %dma_start3A_240] : memref<4096x8x4x8x128xf32, #tpu.memory_space<hbm>> -> memref<1x8x1x8x128xf32, #tpu.memory_space<hbm>>
      %dma_start3A_242 = tpu.memref_squeeze %dma_start3A_241 : memref<1x8x1x8x128xf32, #tpu.memory_space<hbm>> -> memref<8x8x128xf32, #tpu.memory_space<hbm>>
      %dma_start3A_243 = arith.constant 0 : i32
      %dma_start3A_244 = arith.constant 0 : i32
      %dma_start3A_245 = arith.constant 0 : i32
      %dma_start3A_246 = tpu.memref_slice %arg5[%add3A_171, %dma_start3A_243, %dma_start3A_233, %dma_start3A_244, %dma_start3A_245] : memref<4096x8x4x8x128xf32, #tpu.memory_space<hbm>> -> memref<1x8x1x8x128xf32, #tpu.memory_space<hbm>>
      %dma_start3A_247 = tpu.memref_squeeze %dma_start3A_246 : memref<1x8x1x8x128xf32, #tpu.memory_space<hbm>> -> memref<8x8x128xf32, #tpu.memory_space<hbm>>
      %dma_start3A_248 = arith.constant 0 : i32
      %dma_start3A_249 = arith.constant 0 : i32
      %dma_start3A_250 = arith.constant 0 : i32
      %dma_start3A_251 = tpu.memref_slice %arg16[%dma_start3A_248, %dma_start3A_249, %dma_start3A_250] : memref<8x8x129xf32, #tpu.memory_space<vmem>> -> memref<8x8x128xf32, #tpu.memory_space<vmem>>
      tpu.enqueue_dma source(%dma_start3A_251 : memref<8x8x128xf32, #tpu.memory_space<vmem>>) target(%dma_start3A_247 : memref<8x8x128xf32, #tpu.memory_space<hbm>>) target_semaphore(%arg28 : memref<!tpu.dma_semaphore, #tpu.memory_space<semaphore_mem>>)
      %mul3A_252 = arith.constant 4 : i32
      %mul3A_253 = arith.muli %scan3A_170, %mul3A_252 : i32
      %add3A_254 = arith.constant 2 : i32
      %add3A_255 = arith.addi %mul3A_253, %add3A_254 : i32
      %dma_wait3A_256 = arith.constant 0 : i32
      %dma_wait3A_257 = arith.constant 0 : i32
      %dma_wait3A_258 = tpu.memref_slice %arg3[%dma_wait3A_256, %dma_wait3A_257] : memref<1000000x64xf32, #tpu.memory_space<hbm>> -> memref<128x64xf32, #tpu.memory_space<hbm>>
      %dma_wait3A_259 = arith.constant 0 : i32
      %dma_wait3A_260 = arith.constant 0 : i32
      %dma_wait3A_261 = tpu.memref_slice %arg3[%dma_wait3A_259, %dma_wait3A_260] : memref<1000000x64xf32, #tpu.memory_space<hbm>> -> memref<128x64xf32, #tpu.memory_space<hbm>>
      tpu.wait_dma2 semaphore(%arg25 : memref<!tpu.dma_semaphore, #tpu.memory_space<semaphore_mem>>) src(%dma_wait3A_261 : memref<128x64xf32, #tpu.memory_space<hbm>>) dst(%arg13 : memref<128x64xf32, #tpu.memory_space<vmem>>)
      %lt3A_262 = arith.constant 509 : i32
      %lt3A_263 = arith.cmpi slt, %add3A_255, %lt3A_262 : i32
      %convert_element_type3A_264 = arith.extui %lt3A_263 : i1 to i32
      %cond3A_265 = arith.constant 0 : i32
      %cond3A_266 = arith.cmpi ne, %convert_element_type3A_264, %cond3A_265 : i32
      scf.if %cond3A_266 {
        %add3A_336 = arith.constant 1 : i32
        %add3A_337 = arith.addi %add3A_171, %add3A_336 : i32
        %dma_start3A_338 = arith.constant 128 : i32
        %dma_start3A_339 = tpu.memref_slice %arg2[%add3A_337, %dma_start3A_338] : memref<4096x512xi32, #tpu.memory_space<hbm>> -> memref<1x128xi32, #tpu.memory_space<hbm>>
        %dma_start3A_340 = tpu.memref_squeeze %dma_start3A_339 : memref<1x128xi32, #tpu.memory_space<hbm>> -> memref<128xi32, #tpu.memory_space<hbm>>
        %dma_start3A_341 = arith.constant 128 : i32
        %dma_start3A_342 = tpu.memref_slice %arg2[%add3A_337, %dma_start3A_341] : memref<4096x512xi32, #tpu.memory_space<hbm>> -> memref<1x128xi32, #tpu.memory_space<hbm>>
        %dma_start3A_343 = tpu.memref_squeeze %dma_start3A_342 : memref<1x128xi32, #tpu.memory_space<hbm>> -> memref<128xi32, #tpu.memory_space<hbm>>
        tpu.enqueue_dma source(%dma_start3A_343 : memref<128xi32, #tpu.memory_space<hbm>>) target(%arg8 : memref<128xi32, #tpu.memory_space<vmem>>) target_semaphore(%arg20 : memref<!tpu.dma_semaphore, #tpu.memory_space<semaphore_mem>>)
      } else {
      }
      %lt3A_267 = arith.constant 510 : i32
      %lt3A_268 = arith.cmpi slt, %add3A_255, %lt3A_267 : i32
      %convert_element_type3A_269 = arith.extui %lt3A_268 : i1 to i32
      %cond3A_270 = arith.constant 0 : i32
      %cond3A_271 = arith.cmpi ne, %convert_element_type3A_269, %cond3A_270 : i32
      scf.if %cond3A_271 {
        %ge3A = arith.constant 2 : i32
        %ge3A_336 = arith.cmpi sge, %add3A_255, %ge3A : i32
        %convert_element_type3A_337 = arith.extui %ge3A_336 : i1 to i32
        %cond3A_338 = arith.constant 0 : i32
        %cond3A_339 = arith.cmpi ne, %convert_element_type3A_337, %cond3A_338 : i32
        scf.if %cond3A_339 {
          %dma_wait3A_350 = arith.constant 0 : i32
          %dma_wait3A_351 = arith.constant 0 : i32
          %dma_wait3A_352 = arith.constant 0 : i32
          %dma_wait3A_353 = arith.constant 0 : i32
          %dma_wait3A_354 = arith.constant 0 : i32
          %dma_wait3A_355 = tpu.memref_slice %arg15[%dma_wait3A_352, %dma_wait3A_353, %dma_wait3A_354] : memref<8x8x129xf32, #tpu.memory_space<vmem>> -> memref<8x8x128xf32, #tpu.memory_space<vmem>>
          %dma_wait3A_356 = arith.constant 0 : i32
          %dma_wait3A_357 = arith.constant 0 : i32
          %dma_wait3A_358 = arith.constant 0 : i32
          %dma_wait3A_359 = tpu.memref_slice %arg5[%dma_wait3A_350, %dma_wait3A_356, %dma_wait3A_351, %dma_wait3A_357, %dma_wait3A_358] : memref<4096x8x4x8x128xf32, #tpu.memory_space<hbm>> -> memref<1x8x1x8x128xf32, #tpu.memory_space<hbm>>
          %dma_wait3A_360 = tpu.memref_squeeze %dma_wait3A_359 : memref<1x8x1x8x128xf32, #tpu.memory_space<hbm>> -> memref<8x8x128xf32, #tpu.memory_space<hbm>>
          %dma_wait3A_361 = arith.constant 0 : i32
          %dma_wait3A_362 = arith.constant 0 : i32
          %dma_wait3A_363 = arith.constant 0 : i32
          %dma_wait3A_364 = tpu.memref_slice %arg5[%dma_wait3A_350, %dma_wait3A_361, %dma_wait3A_351, %dma_wait3A_362, %dma_wait3A_363] : memref<4096x8x4x8x128xf32, #tpu.memory_space<hbm>> -> memref<1x8x1x8x128xf32, #tpu.memory_space<hbm>>
          %dma_wait3A_365 = tpu.memref_squeeze %dma_wait3A_364 : memref<1x8x1x8x128xf32, #tpu.memory_space<hbm>> -> memref<8x8x128xf32, #tpu.memory_space<hbm>>
          %dma_wait3A_366 = arith.constant 0 : i32
          %dma_wait3A_367 = arith.constant 0 : i32
          %dma_wait3A_368 = arith.constant 0 : i32
          %dma_wait3A_369 = tpu.memref_slice %arg15[%dma_wait3A_366, %dma_wait3A_367, %dma_wait3A_368] : memref<8x8x129xf32, #tpu.memory_space<vmem>> -> memref<8x8x128xf32, #tpu.memory_space<vmem>>
          tpu.wait_dma2 semaphore(%arg27 : memref<!tpu.dma_semaphore, #tpu.memory_space<semaphore_mem>>) src(%dma_wait3A_369 : memref<8x8x128xf32, #tpu.memory_space<vmem>>) dst(%dma_wait3A_365 : memref<8x8x128xf32, #tpu.memory_space<hbm>>)
        } else {
        }
        %dma_wait3A_340 = arith.constant 0 : i32
        %dma_wait3A_341 = arith.constant 0 : i32
        %dma_wait3A_342 = tpu.memref_slice %arg2[%dma_wait3A_340, %dma_wait3A_341] : memref<4096x512xi32, #tpu.memory_space<hbm>> -> memref<1x128xi32, #tpu.memory_space<hbm>>
        %dma_wait3A_343 = tpu.memref_squeeze %dma_wait3A_342 : memref<1x128xi32, #tpu.memory_space<hbm>> -> memref<128xi32, #tpu.memory_space<hbm>>
        %dma_wait3A_344 = arith.constant 0 : i32
        %dma_wait3A_345 = tpu.memref_slice %arg2[%dma_wait3A_340, %dma_wait3A_344] : memref<4096x512xi32, #tpu.memory_space<hbm>> -> memref<1x128xi32, #tpu.memory_space<hbm>>
        %dma_wait3A_346 = tpu.memref_squeeze %dma_wait3A_345 : memref<1x128xi32, #tpu.memory_space<hbm>> -> memref<128xi32, #tpu.memory_space<hbm>>
        tpu.wait_dma2 semaphore(%arg19 : memref<!tpu.dma_semaphore, #tpu.memory_space<semaphore_mem>>) src(%dma_wait3A_346 : memref<128xi32, #tpu.memory_space<hbm>>) dst(%arg7 : memref<128xi32, #tpu.memory_space<vmem>>)
        %dma_start3A_347 = arith.constant 0 : i32
        %dma_start3A_348 = arith.constant 0 : i32
        %dma_start3A_349 = tpu.memref_slice %arg3[%dma_start3A_347, %dma_start3A_348] : memref<1000000x64xf32, #tpu.memory_space<hbm>> -> memref<1000000x64xf32, #tpu.memory_space<hbm>>
        tpu.enqueue_indirect_dma source(%dma_start3A_349 : memref<1000000x64xf32, #tpu.memory_space<hbm>>) target(%arg11 : memref<128x64xf32, #tpu.memory_space<vmem>>) offsets(%arg7 : memref<128xi32, #tpu.memory_space<vmem>>) semaphore(%arg23 : memref<!tpu.dma_semaphore, #tpu.memory_space<semaphore_mem>>)
      } else {
      }
      %parallel_loop3A_272 = arith.constant 0 : i32
      %parallel_loop3A_273 = arith.constant 128 : i32
      %parallel_loop3A_274 = arith.constant 1 : i32
      scf.for %parallel_loop3A_336 = %parallel_loop3A_272 to %parallel_loop3A_273 step %parallel_loop3A_274  : i32 {
        %parallel_loop3A_337 = vector.broadcast %parallel_loop3A_336 : i32 to vector<16xi32>
        %parallel_loop3A_338 = arith.index_cast %parallel_loop3A_336 : i32 to index
        %parallel_loop3A_339 = arith.constant 0 : index
        %parallel_loop3A_340 = tpu.vector_load %arg13[%parallel_loop3A_338, %parallel_loop3A_339] {strides = array<i32>} : memref<128x64xf32, #tpu.memory_space<vmem>>, vector<16xf32>,
        %parallel_loop3A_341 = arith.constant 256 : i32
        %parallel_loop3A_342 = arith.addi %parallel_loop3A_341, %parallel_loop3A_336 : i32
        %parallel_loop3A_343 = arith.index_cast %parallel_loop3A_342 : i32 to index
        %parallel_loop3A_344 = arith.constant 0 : index
        %parallel_loop3A_345 = tpu.vector_load %arg6[%parallel_loop3A_343, %parallel_loop3A_344] {strides = array<i32>} : memref<512x64xf32, #tpu.memory_space<vmem>>, vector<16xf32>,
        %parallel_loop3A_346 = arith.addf %parallel_loop3A_340, %parallel_loop3A_345 : vector<16xf32>
        tpu.vector_store_idx %arg17[%shift_right_logical3A_43, %and3A_66, %parallel_loop3A_337], %parallel_loop3A_346 : memref<8x8x129xf32, #tpu.memory_space<vmem>>[vector<16xi32>, vector<16xi32>, vector<16xi32>], vector<16xf32>,
        %parallel_loop3A_347 = arith.index_cast %parallel_loop3A_336 : i32 to index
        %parallel_loop3A_348 = arith.constant 16 : index
        %parallel_loop3A_349 = tpu.vector_load %arg13[%parallel_loop3A_347, %parallel_loop3A_348] {strides = array<i32>} : memref<128x64xf32, #tpu.memory_space<vmem>>, vector<16xf32>,
        %parallel_loop3A_350 = arith.constant 256 : i32
        %parallel_loop3A_351 = arith.addi %parallel_loop3A_350, %parallel_loop3A_336 : i32
        %parallel_loop3A_352 = arith.index_cast %parallel_loop3A_351 : i32 to index
        %parallel_loop3A_353 = arith.constant 16 : index
        %parallel_loop3A_354 = tpu.vector_load %arg6[%parallel_loop3A_352, %parallel_loop3A_353] {strides = array<i32>} : memref<512x64xf32, #tpu.memory_space<vmem>>, vector<16xf32>,
        %parallel_loop3A_355 = arith.addf %parallel_loop3A_349, %parallel_loop3A_354 : vector<16xf32>
        tpu.vector_store_idx %arg17[%shift_right_logical3A_49, %and3A_72, %parallel_loop3A_337], %parallel_loop3A_355 : memref<8x8x129xf32, #tpu.memory_space<vmem>>[vector<16xi32>, vector<16xi32>, vector<16xi32>], vector<16xf32>,
        %parallel_loop3A_356 = arith.index_cast %parallel_loop3A_336 : i32 to index
        %parallel_loop3A_357 = arith.constant 32 : index
        %parallel_loop3A_358 = tpu.vector_load %arg13[%parallel_loop3A_356, %parallel_loop3A_357] {strides = array<i32>} : memref<128x64xf32, #tpu.memory_space<vmem>>, vector<16xf32>,
        %parallel_loop3A_359 = arith.constant 256 : i32
        %parallel_loop3A_360 = arith.addi %parallel_loop3A_359, %parallel_loop3A_336 : i32
        %parallel_loop3A_361 = arith.index_cast %parallel_loop3A_360 : i32 to index
        %parallel_loop3A_362 = arith.constant 32 : index
        %parallel_loop3A_363 = tpu.vector_load %arg6[%parallel_loop3A_361, %parallel_loop3A_362] {strides = array<i32>} : memref<512x64xf32, #tpu.memory_space<vmem>>, vector<16xf32>,
        %parallel_loop3A_364 = arith.addf %parallel_loop3A_358, %parallel_loop3A_363 : vector<16xf32>
        tpu.vector_store_idx %arg17[%shift_right_logical3A_55, %and3A_78, %parallel_loop3A_337], %parallel_loop3A_364 : memref<8x8x129xf32, #tpu.memory_space<vmem>>[vector<16xi32>, vector<16xi32>, vector<16xi32>], vector<16xf32>,
        %parallel_loop3A_365 = arith.index_cast %parallel_loop3A_336 : i32 to index
        %parallel_loop3A_366 = arith.constant 48 : index
        %parallel_loop3A_367 = tpu.vector_load %arg13[%parallel_loop3A_365, %parallel_loop3A_366] {strides = array<i32>} : memref<128x64xf32, #tpu.memory_space<vmem>>, vector<16xf32>,
        %parallel_loop3A_368 = arith.constant 256 : i32
        %parallel_loop3A_369 = arith.addi %parallel_loop3A_368, %parallel_loop3A_336 : i32
        %parallel_loop3A_370 = arith.index_cast %parallel_loop3A_369 : i32 to index
        %parallel_loop3A_371 = arith.constant 48 : index
        %parallel_loop3A_372 = tpu.vector_load %arg6[%parallel_loop3A_370, %parallel_loop3A_371] {strides = array<i32>} : memref<512x64xf32, #tpu.memory_space<vmem>>, vector<16xf32>,
        %parallel_loop3A_373 = arith.addf %parallel_loop3A_367, %parallel_loop3A_372 : vector<16xf32>
        tpu.vector_store_idx %arg17[%shift_right_logical3A_61, %and3A_84, %parallel_loop3A_337], %parallel_loop3A_373 : memref<8x8x129xf32, #tpu.memory_space<vmem>>[vector<16xi32>, vector<16xi32>, vector<16xi32>], vector<16xf32>,
      } {sc.loop_unroll_factor = 8 : i64, sc.parallel_access}
      %dma_start3A_275 = arith.constant 2 : i32
      %dma_start3A_276 = arith.constant 0 : i32
      %dma_start3A_277 = arith.constant 0 : i32
      %dma_start3A_278 = arith.constant 0 : i32
      %dma_start3A_279 = tpu.memref_slice %arg17[%dma_start3A_276, %dma_start3A_277, %dma_start3A_278] : memref<8x8x129xf32, #tpu.memory_space<vmem>> -> memref<8x8x128xf32, #tpu.memory_space<vmem>>
      %dma_start3A_280 = arith.constant 0 : i32
      %dma_start3A_281 = arith.constant 0 : i32
      %dma_start3A_282 = arith.constant 0 : i32
      %dma_start3A_283 = tpu.memref_slice %arg5[%add3A_171, %dma_start3A_280, %dma_start3A_275, %dma_start3A_281, %dma_start3A_282] : memref<4096x8x4x8x128xf32, #tpu.memory_space<hbm>> -> memref<1x8x1x8x128xf32, #tpu.memory_space<hbm>>
      %dma_start3A_284 = tpu.memref_squeeze %dma_start3A_283 : memref<1x8x1x8x128xf32, #tpu.memory_space<hbm>> -> memref<8x8x128xf32, #tpu.memory_space<hbm>>
      %dma_start3A_285 = arith.constant 0 : i32
      %dma_start3A_286 = arith.constant 0 : i32
      %dma_start3A_287 = arith.constant 0 : i32
      %dma_start3A_288 = tpu.memref_slice %arg5[%add3A_171, %dma_start3A_285, %dma_start3A_275, %dma_start3A_286, %dma_start3A_287] : memref<4096x8x4x8x128xf32, #tpu.memory_space<hbm>> -> memref<1x8x1x8x128xf32, #tpu.memory_space<hbm>>
      %dma_start3A_289 = tpu.memref_squeeze %dma_start3A_288 : memref<1x8x1x8x128xf32, #tpu.memory_space<hbm>> -> memref<8x8x128xf32, #tpu.memory_space<hbm>>
      %dma_start3A_290 = arith.constant 0 : i32
      %dma_start3A_291 = arith.constant 0 : i32
      %dma_start3A_292 = arith.constant 0 : i32
      %dma_start3A_293 = tpu.memref_slice %arg17[%dma_start3A_290, %dma_start3A_291, %dma_start3A_292] : memref<8x8x129xf32, #tpu.memory_space<vmem>> -> memref<8x8x128xf32, #tpu.memory_space<vmem>>
      tpu.enqueue_dma source(%dma_start3A_293 : memref<8x8x128xf32, #tpu.memory_space<vmem>>) target(%dma_start3A_289 : memref<8x8x128xf32, #tpu.memory_space<hbm>>) target_semaphore(%arg29 : memref<!tpu.dma_semaphore, #tpu.memory_space<semaphore_mem>>)
      %mul3A_294 = arith.constant 4 : i32
      %mul3A_295 = arith.muli %scan3A_170, %mul3A_294 : i32
      %add3A_296 = arith.constant 3 : i32
      %add3A_297 = arith.addi %mul3A_295, %add3A_296 : i32
      %dma_wait3A_298 = arith.constant 0 : i32
      %dma_wait3A_299 = arith.constant 0 : i32
      %dma_wait3A_300 = tpu.memref_slice %arg3[%dma_wait3A_298, %dma_wait3A_299] : memref<1000000x64xf32, #tpu.memory_space<hbm>> -> memref<128x64xf32, #tpu.memory_space<hbm>>
      %dma_wait3A_301 = arith.constant 0 : i32
      %dma_wait3A_302 = arith.constant 0 : i32
      %dma_wait3A_303 = tpu.memref_slice %arg3[%dma_wait3A_301, %dma_wait3A_302] : memref<1000000x64xf32, #tpu.memory_space<hbm>> -> memref<128x64xf32, #tpu.memory_space<hbm>>
      tpu.wait_dma2 semaphore(%arg26 : memref<!tpu.dma_semaphore, #tpu.memory_space<semaphore_mem>>) src(%dma_wait3A_303 : memref<128x64xf32, #tpu.memory_space<hbm>>) dst(%arg14 : memref<128x64xf32, #tpu.memory_space<vmem>>)
      %lt3A_304 = arith.constant 509 : i32
      %lt3A_305 = arith.cmpi slt, %add3A_297, %lt3A_304 : i32
      %convert_element_type3A_306 = arith.extui %lt3A_305 : i1 to i32
      %cond3A_307 = arith.constant 0 : i32
      %cond3A_308 = arith.cmpi ne, %convert_element_type3A_306, %cond3A_307 : i32
      scf.if %cond3A_308 {
        %add3A_336 = arith.constant 1 : i32
        %add3A_337 = arith.addi %add3A_171, %add3A_336 : i32
        %dma_start3A_338 = arith.constant 256 : i32
        %dma_start3A_339 = tpu.memref_slice %arg2[%add3A_337, %dma_start3A_338] : memref<4096x512xi32, #tpu.memory_space<hbm>> -> memref<1x128xi32, #tpu.memory_space<hbm>>
        %dma_start3A_340 = tpu.memref_squeeze %dma_start3A_339 : memref<1x128xi32, #tpu.memory_space<hbm>> -> memref<128xi32, #tpu.memory_space<hbm>>
        %dma_start3A_341 = arith.constant 256 : i32
        %dma_start3A_342 = tpu.memref_slice %arg2[%add3A_337, %dma_start3A_341] : memref<4096x512xi32, #tpu.memory_space<hbm>> -> memref<1x128xi32, #tpu.memory_space<hbm>>
        %dma_start3A_343 = tpu.memref_squeeze %dma_start3A_342 : memref<1x128xi32, #tpu.memory_space<hbm>> -> memref<128xi32, #tpu.memory_space<hbm>>
        tpu.enqueue_dma source(%dma_start3A_343 : memref<128xi32, #tpu.memory_space<hbm>>) target(%arg9 : memref<128xi32, #tpu.memory_space<vmem>>) target_semaphore(%arg21 : memref<!tpu.dma_semaphore, #tpu.memory_space<semaphore_mem>>)
      } else {
      }
      %lt3A_309 = arith.constant 510 : i32
      %lt3A_310 = arith.cmpi slt, %add3A_297, %lt3A_309 : i32
      %convert_element_type3A_311 = arith.extui %lt3A_310 : i1 to i32
      %cond3A_312 = arith.constant 0 : i32
      %cond3A_313 = arith.cmpi ne, %convert_element_type3A_311, %cond3A_312 : i32
      scf.if %cond3A_313 {
        %ge3A = arith.constant 2 : i32
        %ge3A_336 = arith.cmpi sge, %add3A_297, %ge3A : i32
        %convert_element_type3A_337 = arith.extui %ge3A_336 : i1 to i32
        %cond3A_338 = arith.constant 0 : i32
        %cond3A_339 = arith.cmpi ne, %convert_element_type3A_337, %cond3A_338 : i32
        scf.if %cond3A_339 {
          %dma_wait3A_350 = arith.constant 0 : i32
          %dma_wait3A_351 = arith.constant 0 : i32
          %dma_wait3A_352 = arith.constant 0 : i32
          %dma_wait3A_353 = arith.constant 0 : i32
          %dma_wait3A_354 = arith.constant 0 : i32
          %dma_wait3A_355 = tpu.memref_slice %arg16[%dma_wait3A_352, %dma_wait3A_353, %dma_wait3A_354] : memref<8x8x129xf32, #tpu.memory_space<vmem>> -> memref<8x8x128xf32, #tpu.memory_space<vmem>>
          %dma_wait3A_356 = arith.constant 0 : i32
          %dma_wait3A_357 = arith.constant 0 : i32
          %dma_wait3A_358 = arith.constant 0 : i32
          %dma_wait3A_359 = tpu.memref_slice %arg5[%dma_wait3A_350, %dma_wait3A_356, %dma_wait3A_351, %dma_wait3A_357, %dma_wait3A_358] : memref<4096x8x4x8x128xf32, #tpu.memory_space<hbm>> -> memref<1x8x1x8x128xf32, #tpu.memory_space<hbm>>
          %dma_wait3A_360 = tpu.memref_squeeze %dma_wait3A_359 : memref<1x8x1x8x128xf32, #tpu.memory_space<hbm>> -> memref<8x8x128xf32, #tpu.memory_space<hbm>>
          %dma_wait3A_361 = arith.constant 0 : i32
          %dma_wait3A_362 = arith.constant 0 : i32
          %dma_wait3A_363 = arith.constant 0 : i32
          %dma_wait3A_364 = tpu.memref_slice %arg5[%dma_wait3A_350, %dma_wait3A_361, %dma_wait3A_351, %dma_wait3A_362, %dma_wait3A_363] : memref<4096x8x4x8x128xf32, #tpu.memory_space<hbm>> -> memref<1x8x1x8x128xf32, #tpu.memory_space<hbm>>
          %dma_wait3A_365 = tpu.memref_squeeze %dma_wait3A_364 : memref<1x8x1x8x128xf32, #tpu.memory_space<hbm>> -> memref<8x8x128xf32, #tpu.memory_space<hbm>>
          %dma_wait3A_366 = arith.constant 0 : i32
          %dma_wait3A_367 = arith.constant 0 : i32
          %dma_wait3A_368 = arith.constant 0 : i32
          %dma_wait3A_369 = tpu.memref_slice %arg16[%dma_wait3A_366, %dma_wait3A_367, %dma_wait3A_368] : memref<8x8x129xf32, #tpu.memory_space<vmem>> -> memref<8x8x128xf32, #tpu.memory_space<vmem>>
          tpu.wait_dma2 semaphore(%arg28 : memref<!tpu.dma_semaphore, #tpu.memory_space<semaphore_mem>>) src(%dma_wait3A_369 : memref<8x8x128xf32, #tpu.memory_space<vmem>>) dst(%dma_wait3A_365 : memref<8x8x128xf32, #tpu.memory_space<hbm>>)
        } else {
        }
        %dma_wait3A_340 = arith.constant 0 : i32
        %dma_wait3A_341 = arith.constant 0 : i32
        %dma_wait3A_342 = tpu.memref_slice %arg2[%dma_wait3A_340, %dma_wait3A_341] : memref<4096x512xi32, #tpu.memory_space<hbm>> -> memref<1x128xi32, #tpu.memory_space<hbm>>
        %dma_wait3A_343 = tpu.memref_squeeze %dma_wait3A_342 : memref<1x128xi32, #tpu.memory_space<hbm>> -> memref<128xi32, #tpu.memory_space<hbm>>
        %dma_wait3A_344 = arith.constant 0 : i32
        %dma_wait3A_345 = tpu.memref_slice %arg2[%dma_wait3A_340, %dma_wait3A_344] : memref<4096x512xi32, #tpu.memory_space<hbm>> -> memref<1x128xi32, #tpu.memory_space<hbm>>
        %dma_wait3A_346 = tpu.memref_squeeze %dma_wait3A_345 : memref<1x128xi32, #tpu.memory_space<hbm>> -> memref<128xi32, #tpu.memory_space<hbm>>
        tpu.wait_dma2 semaphore(%arg20 : memref<!tpu.dma_semaphore, #tpu.memory_space<semaphore_mem>>) src(%dma_wait3A_346 : memref<128xi32, #tpu.memory_space<hbm>>) dst(%arg8 : memref<128xi32, #tpu.memory_space<vmem>>)
        %dma_start3A_347 = arith.constant 0 : i32
        %dma_start3A_348 = arith.constant 0 : i32
        %dma_start3A_349 = tpu.memref_slice %arg3[%dma_start3A_347, %dma_start3A_348] : memref<1000000x64xf32, #tpu.memory_space<hbm>> -> memref<1000000x64xf32, #tpu.memory_space<hbm>>
        tpu.enqueue_indirect_dma source(%dma_start3A_349 : memref<1000000x64xf32, #tpu.memory_space<hbm>>) target(%arg12 : memref<128x64xf32, #tpu.memory_space<vmem>>) offsets(%arg8 : memref<128xi32, #tpu.memory_space<vmem>>) semaphore(%arg24 : memref<!tpu.dma_semaphore, #tpu.memory_space<semaphore_mem>>)
      } else {
      }
      %parallel_loop3A_314 = arith.constant 0 : i32
      %parallel_loop3A_315 = arith.constant 128 : i32
      %parallel_loop3A_316 = arith.constant 1 : i32
      scf.for %parallel_loop3A_336 = %parallel_loop3A_314 to %parallel_loop3A_315 step %parallel_loop3A_316  : i32 {
        %parallel_loop3A_337 = vector.broadcast %parallel_loop3A_336 : i32 to vector<16xi32>
        %parallel_loop3A_338 = arith.index_cast %parallel_loop3A_336 : i32 to index
        %parallel_loop3A_339 = arith.constant 0 : index
        %parallel_loop3A_340 = tpu.vector_load %arg14[%parallel_loop3A_338, %parallel_loop3A_339] {strides = array<i32>} : memref<128x64xf32, #tpu.memory_space<vmem>>, vector<16xf32>,
        %parallel_loop3A_341 = arith.constant 384 : i32
        %parallel_loop3A_342 = arith.addi %parallel_loop3A_341, %parallel_loop3A_336 : i32
        %parallel_loop3A_343 = arith.index_cast %parallel_loop3A_342 : i32 to index
        %parallel_loop3A_344 = arith.constant 0 : index
        %parallel_loop3A_345 = tpu.vector_load %arg6[%parallel_loop3A_343, %parallel_loop3A_344] {strides = array<i32>} : memref<512x64xf32, #tpu.memory_space<vmem>>, vector<16xf32>,
        %parallel_loop3A_346 = arith.addf %parallel_loop3A_340, %parallel_loop3A_345 : vector<16xf32>
        tpu.vector_store_idx %arg18[%shift_right_logical3A_43, %and3A_66, %parallel_loop3A_337], %parallel_loop3A_346 : memref<8x8x129xf32, #tpu.memory_space<vmem>>[vector<16xi32>, vector<16xi32>, vector<16xi32>], vector<16xf32>,
        %parallel_loop3A_347 = arith.index_cast %parallel_loop3A_336 : i32 to index
        %parallel_loop3A_348 = arith.constant 16 : index
        %parallel_loop3A_349 = tpu.vector_load %arg14[%parallel_loop3A_347, %parallel_loop3A_348] {strides = array<i32>} : memref<128x64xf32, #tpu.memory_space<vmem>>, vector<16xf32>,
        %parallel_loop3A_350 = arith.constant 384 : i32
        %parallel_loop3A_351 = arith.addi %parallel_loop3A_350, %parallel_loop3A_336 : i32
        %parallel_loop3A_352 = arith.index_cast %parallel_loop3A_351 : i32 to index
        %parallel_loop3A_353 = arith.constant 16 : index
        %parallel_loop3A_354 = tpu.vector_load %arg6[%parallel_loop3A_352, %parallel_loop3A_353] {strides = array<i32>} : memref<512x64xf32, #tpu.memory_space<vmem>>, vector<16xf32>,
        %parallel_loop3A_355 = arith.addf %parallel_loop3A_349, %parallel_loop3A_354 : vector<16xf32>
        tpu.vector_store_idx %arg18[%shift_right_logical3A_49, %and3A_72, %parallel_loop3A_337], %parallel_loop3A_355 : memref<8x8x129xf32, #tpu.memory_space<vmem>>[vector<16xi32>, vector<16xi32>, vector<16xi32>], vector<16xf32>,
        %parallel_loop3A_356 = arith.index_cast %parallel_loop3A_336 : i32 to index
        %parallel_loop3A_357 = arith.constant 32 : index
        %parallel_loop3A_358 = tpu.vector_load %arg14[%parallel_loop3A_356, %parallel_loop3A_357] {strides = array<i32>} : memref<128x64xf32, #tpu.memory_space<vmem>>, vector<16xf32>,
        %parallel_loop3A_359 = arith.constant 384 : i32
        %parallel_loop3A_360 = arith.addi %parallel_loop3A_359, %parallel_loop3A_336 : i32
        %parallel_loop3A_361 = arith.index_cast %parallel_loop3A_360 : i32 to index
        %parallel_loop3A_362 = arith.constant 32 : index
        %parallel_loop3A_363 = tpu.vector_load %arg6[%parallel_loop3A_361, %parallel_loop3A_362] {strides = array<i32>} : memref<512x64xf32, #tpu.memory_space<vmem>>, vector<16xf32>,
        %parallel_loop3A_364 = arith.addf %parallel_loop3A_358, %parallel_loop3A_363 : vector<16xf32>
        tpu.vector_store_idx %arg18[%shift_right_logical3A_55, %and3A_78, %parallel_loop3A_337], %parallel_loop3A_364 : memref<8x8x129xf32, #tpu.memory_space<vmem>>[vector<16xi32>, vector<16xi32>, vector<16xi32>], vector<16xf32>,
        %parallel_loop3A_365 = arith.index_cast %parallel_loop3A_336 : i32 to index
        %parallel_loop3A_366 = arith.constant 48 : index
        %parallel_loop3A_367 = tpu.vector_load %arg14[%parallel_loop3A_365, %parallel_loop3A_366] {strides = array<i32>} : memref<128x64xf32, #tpu.memory_space<vmem>>, vector<16xf32>,
        %parallel_loop3A_368 = arith.constant 384 : i32
        %parallel_loop3A_369 = arith.addi %parallel_loop3A_368, %parallel_loop3A_336 : i32
        %parallel_loop3A_370 = arith.index_cast %parallel_loop3A_369 : i32 to index
        %parallel_loop3A_371 = arith.constant 48 : index
        %parallel_loop3A_372 = tpu.vector_load %arg6[%parallel_loop3A_370, %parallel_loop3A_371] {strides = array<i32>} : memref<512x64xf32, #tpu.memory_space<vmem>>, vector<16xf32>,
        %parallel_loop3A_373 = arith.addf %parallel_loop3A_367, %parallel_loop3A_372 : vector<16xf32>
        tpu.vector_store_idx %arg18[%shift_right_logical3A_61, %and3A_84, %parallel_loop3A_337], %parallel_loop3A_373 : memref<8x8x129xf32, #tpu.memory_space<vmem>>[vector<16xi32>, vector<16xi32>, vector<16xi32>], vector<16xf32>,
      } {sc.loop_unroll_factor = 8 : i64, sc.parallel_access}
      %dma_start3A_317 = arith.constant 3 : i32
      %dma_start3A_318 = arith.constant 0 : i32
      %dma_start3A_319 = arith.constant 0 : i32
      %dma_start3A_320 = arith.constant 0 : i32
      %dma_start3A_321 = tpu.memref_slice %arg18[%dma_start3A_318, %dma_start3A_319, %dma_start3A_320] : memref<8x8x129xf32, #tpu.memory_space<vmem>> -> memref<8x8x128xf32, #tpu.memory_space<vmem>>
      %dma_start3A_322 = arith.constant 0 : i32
      %dma_start3A_323 = arith.constant 0 : i32
      %dma_start3A_324 = arith.constant 0 : i32
      %dma_start3A_325 = tpu.memref_slice %arg5[%add3A_171, %dma_start3A_322, %dma_start3A_317, %dma_start3A_323, %dma_start3A_324] : memref<4096x8x4x8x128xf32, #tpu.memory_space<hbm>> -> memref<1x8x1x8x128xf32, #tpu.memory_space<hbm>>
      %dma_start3A_326 = tpu.memref_squeeze %dma_start3A_325 : memref<1x8x1x8x128xf32, #tpu.memory_space<hbm>> -> memref<8x8x128xf32, #tpu.memory_space<hbm>>
      %dma_start3A_327 = arith.constant 0 : i32
      %dma_start3A_328 = arith.constant 0 : i32
      %dma_start3A_329 = arith.constant 0 : i32
      %dma_start3A_330 = tpu.memref_slice %arg5[%add3A_171, %dma_start3A_327, %dma_start3A_317, %dma_start3A_328, %dma_start3A_329] : memref<4096x8x4x8x128xf32, #tpu.memory_space<hbm>> -> memref<1x8x1x8x128xf32, #tpu.memory_space<hbm>>
      %dma_start3A_331 = tpu.memref_squeeze %dma_start3A_330 : memref<1x8x1x8x128xf32, #tpu.memory_space<hbm>> -> memref<8x8x128xf32, #tpu.memory_space<hbm>>
      %dma_start3A_332 = arith.constant 0 : i32
      %dma_start3A_333 = arith.constant 0 : i32
      %dma_start3A_334 = arith.constant 0 : i32
      %dma_start3A_335 = tpu.memref_slice %arg18[%dma_start3A_332, %dma_start3A_333, %dma_start3A_334] : memref<8x8x129xf32, #tpu.memory_space<vmem>> -> memref<8x8x128xf32, #tpu.memory_space<vmem>>
      tpu.enqueue_dma source(%dma_start3A_335 : memref<8x8x128xf32, #tpu.memory_space<vmem>>) target(%dma_start3A_331 : memref<8x8x128xf32, #tpu.memory_space<hbm>>) target_semaphore(%arg30 : memref<!tpu.dma_semaphore, #tpu.memory_space<semaphore_mem>>)
    }
    %scan3A_89 = arith.constant 128 : i32
    %dma_wait3A_90 = arith.constant 0 : i32
    %dma_wait3A_91 = arith.constant 0 : i32
    %dma_wait3A_92 = arith.constant 0 : i32
    %dma_wait3A_93 = arith.constant 0 : i32
    %dma_wait3A_94 = arith.constant 0 : i32
    %dma_wait3A_95 = tpu.memref_slice %arg15[%dma_wait3A_92, %dma_wait3A_93, %dma_wait3A_94] : memref<8x8x129xf32, #tpu.memory_space<vmem>> -> memref<8x8x128xf32, #tpu.memory_space<vmem>>
    %dma_wait3A_96 = arith.constant 0 : i32
    %dma_wait3A_97 = arith.constant 0 : i32
    %dma_wait3A_98 = arith.constant 0 : i32
    %dma_wait3A_99 = tpu.memref_slice %arg5[%dma_wait3A_90, %dma_wait3A_96, %dma_wait3A_91, %dma_wait3A_97, %dma_wait3A_98] : memref<4096x8x4x8x128xf32, #tpu.memory_space<hbm>> -> memref<1x8x1x8x128xf32, #tpu.memory_space<hbm>>
    %dma_wait3A_100 = tpu.memref_squeeze %dma_wait3A_99 : memref<1x8x1x8x128xf32, #tpu.memory_space<hbm>> -> memref<8x8x128xf32, #tpu.memory_space<hbm>>
    %dma_wait3A_101 = arith.constant 0 : i32
    %dma_wait3A_102 = arith.constant 0 : i32
    %dma_wait3A_103 = arith.constant 0 : i32
    %dma_wait3A_104 = tpu.memref_slice %arg5[%dma_wait3A_90, %dma_wait3A_101, %dma_wait3A_91, %dma_wait3A_102, %dma_wait3A_103] : memref<4096x8x4x8x128xf32, #tpu.memory_space<hbm>> -> memref<1x8x1x8x128xf32, #tpu.memory_space<hbm>>
    %dma_wait3A_105 = tpu.memref_squeeze %dma_wait3A_104 : memref<1x8x1x8x128xf32, #tpu.memory_space<hbm>> -> memref<8x8x128xf32, #tpu.memory_space<hbm>>
    %dma_wait3A_106 = arith.constant 0 : i32
    %dma_wait3A_107 = arith.constant 0 : i32
    %dma_wait3A_108 = arith.constant 0 : i32
    %dma_wait3A_109 = tpu.memref_slice %arg15[%dma_wait3A_106, %dma_wait3A_107, %dma_wait3A_108] : memref<8x8x129xf32, #tpu.memory_space<vmem>> -> memref<8x8x128xf32, #tpu.memory_space<vmem>>
    tpu.wait_dma2 semaphore(%arg27 : memref<!tpu.dma_semaphore, #tpu.memory_space<semaphore_mem>>) src(%dma_wait3A_109 : memref<8x8x128xf32, #tpu.memory_space<vmem>>) dst(%dma_wait3A_105 : memref<8x8x128xf32, #tpu.memory_space<hbm>>)
    %dma_wait3A_110 = arith.constant 0 : i32
    %dma_wait3A_111 = arith.constant 0 : i32
    %dma_wait3A_112 = arith.constant 0 : i32
    %dma_wait3A_113 = arith.constant 0 : i32
    %dma_wait3A_114 = arith.constant 0 : i32
    %dma_wait3A_115 = tpu.memref_slice %arg16[%dma_wait3A_112, %dma_wait3A_113, %dma_wait3A_114] : memref<8x8x129xf32, #tpu.memory_space<vmem>> -> memref<8x8x128xf32, #tpu.memory_space<vmem>>
    %dma_wait3A_116 = arith.constant 0 : i32
    %dma_wait3A_117 = arith.constant 0 : i32
    %dma_wait3A_118 = arith.constant 0 : i32
    %dma_wait3A_119 = tpu.memref_slice %arg5[%dma_wait3A_110, %dma_wait3A_116, %dma_wait3A_111, %dma_wait3A_117, %dma_wait3A_118] : memref<4096x8x4x8x128xf32, #tpu.memory_space<hbm>> -> memref<1x8x1x8x128xf32, #tpu.memory_space<hbm>>
    %dma_wait3A_120 = tpu.memref_squeeze %dma_wait3A_119 : memref<1x8x1x8x128xf32, #tpu.memory_space<hbm>> -> memref<8x8x128xf32, #tpu.memory_space<hbm>>
    %dma_wait3A_121 = arith.constant 0 : i32
    %dma_wait3A_122 = arith.constant 0 : i32
    %dma_wait3A_123 = arith.constant 0 : i32
    %dma_wait3A_124 = tpu.memref_slice %arg5[%dma_wait3A_110, %dma_wait3A_121, %dma_wait3A_111, %dma_wait3A_122, %dma_wait3A_123] : memref<4096x8x4x8x128xf32, #tpu.memory_space<hbm>> -> memref<1x8x1x8x128xf32, #tpu.memory_space<hbm>>
    %dma_wait3A_125 = tpu.memref_squeeze %dma_wait3A_124 : memref<1x8x1x8x128xf32, #tpu.memory_space<hbm>> -> memref<8x8x128xf32, #tpu.memory_space<hbm>>
    %dma_wait3A_126 = arith.constant 0 : i32
    %dma_wait3A_127 = arith.constant 0 : i32
    %dma_wait3A_128 = arith.constant 0 : i32
    %dma_wait3A_129 = tpu.memref_slice %arg16[%dma_wait3A_126, %dma_wait3A_127, %dma_wait3A_128] : memref<8x8x129xf32, #tpu.memory_space<vmem>> -> memref<8x8x128xf32, #tpu.memory_space<vmem>>
    tpu.wait_dma2 semaphore(%arg28 : memref<!tpu.dma_semaphore, #tpu.memory_space<semaphore_mem>>) src(%dma_wait3A_129 : memref<8x8x128xf32, #tpu.memory_space<vmem>>) dst(%dma_wait3A_125 : memref<8x8x128xf32, #tpu.memory_space<hbm>>)
    %dma_wait3A_130 = arith.constant 0 : i32
    %dma_wait3A_131 = arith.constant 0 : i32
    %dma_wait3A_132 = arith.constant 0 : i32
    %dma_wait3A_133 = arith.constant 0 : i32
    %dma_wait3A_134 = arith.constant 0 : i32
    %dma_wait3A_135 = tpu.memref_slice %arg17[%dma_wait3A_132, %dma_wait3A_133, %dma_wait3A_134] : memref<8x8x129xf32, #tpu.memory_space<vmem>> -> memref<8x8x128xf32, #tpu.memory_space<vmem>>
    %dma_wait3A_136 = arith.constant 0 : i32
    %dma_wait3A_137 = arith.constant 0 : i32
    %dma_wait3A_138 = arith.constant 0 : i32
    %dma_wait3A_139 = tpu.memref_slice %arg5[%dma_wait3A_130, %dma_wait3A_136, %dma_wait3A_131, %dma_wait3A_137, %dma_wait3A_138] : memref<4096x8x4x8x128xf32, #tpu.memory_space<hbm>> -> memref<1x8x1x8x128xf32, #tpu.memory_space<hbm>>
    %dma_wait3A_140 = tpu.memref_squeeze %dma_wait3A_139 : memref<1x8x1x8x128xf32, #tpu.memory_space<hbm>> -> memref<8x8x128xf32, #tpu.memory_space<hbm>>
    %dma_wait3A_141 = arith.constant 0 : i32
    %dma_wait3A_142 = arith.constant 0 : i32
    %dma_wait3A_143 = arith.constant 0 : i32
    %dma_wait3A_144 = tpu.memref_slice %arg5[%dma_wait3A_130, %dma_wait3A_141, %dma_wait3A_131, %dma_wait3A_142, %dma_wait3A_143] : memref<4096x8x4x8x128xf32, #tpu.memory_space<hbm>> -> memref<1x8x1x8x128xf32, #tpu.memory_space<hbm>>
    %dma_wait3A_145 = tpu.memref_squeeze %dma_wait3A_144 : memref<1x8x1x8x128xf32, #tpu.memory_space<hbm>> -> memref<8x8x128xf32, #tpu.memory_space<hbm>>
    %dma_wait3A_146 = arith.constant 0 : i32
    %dma_wait3A_147 = arith.constant 0 : i32
    %dma_wait3A_148 = arith.constant 0 : i32
    %dma_wait3A_149 = tpu.memref_slice %arg17[%dma_wait3A_146, %dma_wait3A_147, %dma_wait3A_148] : memref<8x8x129xf32, #tpu.memory_space<vmem>> -> memref<8x8x128xf32, #tpu.memory_space<vmem>>
    tpu.wait_dma2 semaphore(%arg29 : memref<!tpu.dma_semaphore, #tpu.memory_space<semaphore_mem>>) src(%dma_wait3A_149 : memref<8x8x128xf32, #tpu.memory_space<vmem>>) dst(%dma_wait3A_145 : memref<8x8x128xf32, #tpu.memory_space<hbm>>)
    %dma_wait3A_150 = arith.constant 0 : i32
    %dma_wait3A_151 = arith.constant 0 : i32
    %dma_wait3A_152 = arith.constant 0 : i32
    %dma_wait3A_153 = arith.constant 0 : i32
    %dma_wait3A_154 = arith.constant 0 : i32
    %dma_wait3A_155 = tpu.memref_slice %arg18[%dma_wait3A_152, %dma_wait3A_153, %dma_wait3A_154] : memref<8x8x129xf32, #tpu.memory_space<vmem>> -> memref<8x8x128xf32, #tpu.memory_space<vmem>>
    %dma_wait3A_156 = arith.constant 0 : i32
    %dma_wait3A_157 = arith.constant 0 : i32
    %dma_wait3A_158 = arith.constant 0 : i32
    %dma_wait3A_159 = tpu.memref_slice %arg5[%dma_wait3A_150, %dma_wait3A_156, %dma_wait3A_151, %dma_wait3A_157, %dma_wait3A_158] : memref<4096x8x4x8x128xf32, #tpu.memory_space<hbm>> -> memref<1x8x1x8x128xf32, #tpu.memory_space<hbm>>
    %dma_wait3A_160 = tpu.memref_squeeze %dma_wait3A_159 : memref<1x8x1x8x128xf32, #tpu.memory_space<hbm>> -> memref<8x8x128xf32, #tpu.memory_space<hbm>>
    %dma_wait3A_161 = arith.constant 0 : i32
    %dma_wait3A_162 = arith.constant 0 : i32
    %dma_wait3A_163 = arith.constant 0 : i32
    %dma_wait3A_164 = tpu.memref_slice %arg5[%dma_wait3A_150, %dma_wait3A_161, %dma_wait3A_151, %dma_wait3A_162, %dma_wait3A_163] : memref<4096x8x4x8x128xf32, #tpu.memory_space<hbm>> -> memref<1x8x1x8x128xf32, #tpu.memory_space<hbm>>
    %dma_wait3A_165 = tpu.memref_squeeze %dma_wait3A_164 : memref<1x8x1x8x128xf32, #tpu.memory_space<hbm>> -> memref<8x8x128xf32, #tpu.memory_space<hbm>>
    %dma_wait3A_166 = arith.constant 0 : i32
    %dma_wait3A_167 = arith.constant 0 : i32
    %dma_wait3A_168 = arith.constant 0 : i32
    %dma_wait3A_169 = tpu.memref_slice %arg18[%dma_wait3A_166, %dma_wait3A_167, %dma_wait3A_168] : memref<8x8x129xf32, #tpu.memory_space<vmem>> -> memref<8x8x128xf32, #tpu.memory_space<vmem>>
    tpu.wait_dma2 semaphore(%arg30 : memref<!tpu.dma_semaphore, #tpu.memory_space<semaphore_mem>>) src(%dma_wait3A_169 : memref<8x8x128xf32, #tpu.memory_space<vmem>>) dst(%dma_wait3A_165 : memref<8x8x128xf32, #tpu.memory_space<hbm>>)
    return
  }
}

</mosaic_0001>

<sc_bundles>
// kernel: kernel.3.cloned.1.call-start
scs
__scs_entry_jumppad:
0x0: {  	(pc) =	sbr.rel $0x88, $3  }
0x1: {  	(tag) =	ssettag $0x0;
	lr =	simm.s32 $0x1  }
0x2: {  	[smem:$0x3F9E] =	sst lr;
	_ =	strace $0xD0000000  }
0x3: {  	_ = 	snop  }
0x4: {  	_ = 	snop  }
0x5: {  	_ = 	snop  }
0x6: {  	_ = 	snop  }
0x7: {  	_ = 	snop  }
__scs_overlays_trampoline_lowered:
0x8: {  	[smem:$0x3FAD] =	sst s0  }
0x9: {  	[smem:$0x3FAE] =	sst s1  }
0xa: {  	[smem:$0x3FAF] =	sst s2  }
0xb: {  	[smem:$0x3FB0] =	sst s3  }
0xc: {  	[smem:$0x3FB1] =	sst s4  }
0xd: {  	[smem:$0x3FB2] =	sst s5  }
0xe: {  	[smem:$0x3FB3] =	sst s6  }
0xf: {  	[smem:$0x3FB4] =	sst s7  }
0x10: {  	[smem:$0x3FB5] =	sst s8  }
0x11: {  	[smem:$0x3FB6] =	sst s9;
	s0 =	simm.s32 @!p0 $0x0  }
0x12: {  	s1 =	sld [smem:$0x3F9C];
	s0 =	simm.s32 @p0 $0x1  }
0x13: {  	[smem:$0x3FB7] =	sst s0;
	s0 =	simm.s32 @!p1 $0x0  }
0x14: {  	s2 =	sld [smem:$0x3F9B];
	s0 =	simm.s32 @p1 $0x1  }
0x15: {  	[smem:$0x3FB8] =	sst s0;
	s0 =	simm.s32 @!p2 $0x0  }
0x16: {  	s3 =	sld [smem:$0x3FDB];
	s0 =	simm.s32 @p2 $0x1  }
0x17: {  	s4 =	simm.s32 $0x1BF5;
	[smem:$0x3FBA] =	sst s0  }
0x18: {  	s0 =	sld [smem:$0x3F9D];
	_ =	swait.ge [sflag:s4], $0x0  }
0x19: {  	s7 =	sld [smem:$0x3F9E]  }
0x1a: {  	s8 =	sadd.s32 $0xFFFFE003, lr  }
0x1b: {  	s9 =	sadd.s32 $0xFFFFFEF7, lr;
	s5 =	simm.s32 $0xFFFFFFFF;
	p2 =	slt.u32 s8, $0xFFFFF086  }
0x1c: {  	p1 =	slt.u32 s9, $0xF7A;
	s5 =	simm.s32 @!p2 $0x0  }
0x1d: {  	s5 =	simm.s32 @p1 $0x1;
	p0 =	seq.s32 s7, s2  }
0x1e: {  	s7 =	smul.u32 @!p0 $0xF7A, s2;
	p2 =	seq.s32 @!p0 s5, $0x0  }
0x1f: {  	s9 =	smul.u32 $0xF7A, s1;
	s8 =	simm.s32 @!p0 $0x1BF5;
	p2 =	por !p2, p0  }
0x20: {  	[sflag:s8] =	ssyncset.s32 @!p0 $0xFFFFF086;
	s6 =	sadd.s32 @!p0 s3, s7;
	s7 =	simm.s32 @!p0 $0x108  }
0x21: {  	s3 =	sadd.s32 s3, s9;
	s6 =	sadd.s32 @!p0 $0x88, s6;
	s7 =	simm.s32 @p2 $0x1082  }
0x22: {  	[simem:s7], [sflag:s8] =	dma.local @!p0 [hbm:s6], $0xF7A  }
0x23: {  	s9 =	sor.u32 $0xD0000000, s2;
	s6 =	simm.s32 $0x108;
	_ =	swait.ge @!p0 [sflag:s8], $0x0  }
0x24: {  	s3 =	sadd.s32 $0x88, s3;
	s6 =	simm.s32 @!p1 $0x1082;
	[sflag:s4] =	ssyncset.s32 $0xFFFFF086  }
0x25: {  	[simem:s6], [sflag:s4] =	dma.local [hbm:s3], $0xF7A  }
0x26: {  	[smem:$0x3F9E] =	sst s1;
	(tag) =	ssettag s2;
	_ =	strace s9  }
0x27: {  	s1 =	sld [smem:$0x3FAE]  }
0x28: {  	s2 =	sld [smem:$0x3FAF]  }
0x29: {  	s4 =	sld [smem:$0x3FB1]  }
0x2a: {  	p0 =	seq.s32 s5, $0x0;
	s5 =	sld [smem:$0x3FB2]  }
0x2b: {  	s6 =	sld [smem:$0x3FB3]  }
0x2c: {  	s7 =	sld [smem:$0x3FB4]  }
0x2d: {  	s3 =	simm.s32 $0x108;
	s8 =	sld [smem:$0x3FB5]  }
0x2e: {  	s3 =	simm.s32 @!p0 $0x1082;
	s9 =	sld [smem:$0x3FB6]  }
0x2f: {  	lr =	sadd.s32 s0, s3;
	s0 =	sld [smem:$0x3FAD]  }
0x30: {  	s3 =	sld [smem:$0x3FB0]  }
0x31: {  	[smem:$0x3FB9] =	sst s10  }
0x32: {  	s10 =	sld [smem:$0x3FB7];
	_ =	sdelay $0x3  }
0x33: {  	p0 =	seq.s32 s10, $0x1;
	s10 =	sld [smem:$0x3FB9];
	_ =	sdelay $0x3  }
0x34: {  	[smem:$0x3FB9] =	sst s10  }
0x35: {  	s10 =	sld [smem:$0x3FB8];
	_ =	sdelay $0x3  }
0x36: {  	p1 =	seq.s32 s10, $0x1;
	s10 =	sld [smem:$0x3FB9];
	_ =	sdelay $0x3  }
0x37: {  	[smem:$0x3FB9] =	sst s10  }
0x38: {  	s10 =	sld [smem:$0x3FBA]  }
0x39: {  	_ = 	snop;
	(pc) =	sbr.ind lr, $3  }
0x3a: {  	_ = 	snop  }
0x3b: {  	_ = 	snop  }
0x3c: {  	p2 =	seq.s32 s10, $0x1;
	s10 =	sld [smem:$0x3FB9]  }
0x3d: {  	_ =	shalt  }
0x3e: {  	_ =	shalt  }
0x3f: {  	_ =	shalt  }
0x40: {  	_ =	shalt  }
0x41: {  	_ =	shalt  }
0x42: {  	_ =	shalt  }
0x43: {  	_ =	shalt  }
0x44: {  	_ =	shalt  }
0x45: {  	_ =	shalt  }
0x46: {  	_ =	shalt  }
0x47: {  	_ =	shalt  }
0x48: {  	_ =	shalt  }
0x49: {  	_ =	shalt  }
0x4a: {  	_ =	shalt  }
0x4b: {  	_ =	shalt  }
0x4c: {  	_ =	shalt  }
0x4d: {  	_ =	shalt  }
0x4e: {  	_ =	shalt  }
0x4f: {  	_ =	shalt  }
0x50: {  	_ =	shalt  }
0x51: {  	_ =	shalt  }
0x52: {  	_ =	shalt  }
0x53: {  	_ =	shalt  }
0x54: {  	_ =	shalt  }
0x55: {  	_ =	shalt  }
0x56: {  	_ =	shalt  }
0x57: {  	_ =	shalt  }
0x58: {  	_ =	shalt  }
0x59: {  	_ =	shalt  }
0x5a: {  	_ =	shalt  }
0x5b: {  	_ =	shalt  }
0x5c: {  	_ =	shalt  }
0x5d: {  	_ =	shalt  }
0x5e: {  	_ =	shalt  }
0x5f: {  	_ =	shalt  }
0x60: {  	_ =	shalt  }
0x61: {  	_ =	shalt  }
0x62: {  	_ =	shalt  }
0x63: {  	_ =	shalt  }
0x64: {  	_ =	shalt  }
0x65: {  	_ =	shalt  }
0x66: {  	_ =	shalt  }
0x67: {  	_ =	shalt  }
0x68: {  	_ =	shalt  }
0x69: {  	_ =	shalt  }
0x6a: {  	_ =	shalt  }
0x6b: {  	_ =	shalt  }
0x6c: {  	_ =	shalt  }
0x6d: {  	_ =	shalt  }
0x6e: {  	_ =	shalt  }
0x6f: {  	_ =	shalt  }
0x70: {  	_ =	shalt  }
0x71: {  	_ =	shalt  }
0x72: {  	_ =	shalt  }
0x73: {  	_ =	shalt  }
0x74: {  	_ =	shalt  }
0x75: {  	_ =	shalt  }
0x76: {  	_ =	shalt  }
0x77: {  	_ =	shalt  }
0x78: {  	_ =	shalt  }
0x79: {  	_ =	shalt  }
0x7a: {  	_ =	shalt  }
0x7b: {  	_ =	shalt  }
0x7c: {  	_ =	shalt  }
0x7d: {  	_ =	shalt  }
0x7e: {  	_ =	shalt  }
0x7f: {  	_ =	shalt  }
0x80: {  	_ =	shalt  }
0x81: {  	_ =	shalt  }
0x82: {  	_ =	shalt  }
0x83: {  	_ =	shalt  }
0x84: {  	_ =	shalt  }
0x85: {  	_ =	shalt  }
0x86: {  	_ =	shalt  }
0x87: {  	_ =	shalt  }
.Lfunc_end0:
.L_simem_size_0:
called_computation_lowered:
.L_overlay_start_0:
0x88: {  	s2 =	sld [smem:$0x3FD9]  }
0x89: {  	s3 =	sld [smem:$0x3FFE];
	_ =	sdelay $0x1  }
0x8a: {  	s1 =	srdreg.scid  }
0x8b: {  	s0 =	sand.u32 $0x1, s1  }
0x8c: {  	s17 =	sshll.u32 s0, $0xA;
	s2 =	sadd.s32 s3, s2  }
0x8d: {  	s2 =	sadd.s32 s2, s17  }
0x8e: {  	[smem:$0x3FC5] =	sst s2  }
0x8f: {  	_ = 	snop  }
0x90: {  	s2 =	sld [smem:$0x3FD0];
	(tm) =	ssettm $0x1  }
0x91: {  	s18 =	sld [smem:$0x3FFB];
	_ =	sdelay $0x3  }
0x92: {  	_ =	strace s18  }
0x93: {  	s3 =	sld [smem:$0x3FFC];
	_ =	sdelay $0x3  }
0x94: {  	_ =	strace s3  }
0x95: {  	s3 =	sld [smem:$0x3FFD];
	_ =	sdelay $0x3  }
0x96: {  	_ =	strace s3  }
0x97: {  	_ =	strace $0x8FFFFFFF  }
0x98: {  	s19 =	sld [smem:$0x3FDB];
	_ =	sdelay $0x1  }
0x99: {  	s4 =	simm.s32 $_scs_section_size  }
0x9a: {  	s5 =	simm.s32 $_size__tile_overlayer_lowered;
	s6 =	simm.s32 $_tile_overlayer_lowered  }
0x9b: {  	s22 =	simm.s32 $0x1BFF;
	s21 =	sshll.u32 s6, $0x1;
	s3 =	sadd.s32 s4, s19  }
0x9c: {  	s7 =	simm.s32 $0x0;
	s20 =	sshll.u32 s5, $0x1;
	s5 =	sadd.s32 s21, s3  }
0x9d: {  	[timem:s7], [sflag:s22] =	dma.local [hbm:s5], s20  }
0x9e: {  	_ =	swait.ge [sflag:s22], s20  }
0x9f: {  	s4 =	ssub.s32 $0x0, s20;
	[sflag:s22] =	ssyncset.done $0x0  }
0xa0: {  	[sflag:s22] =	ssyncadd.s32 s4;
	_ =	sdelay $0x1  }
0xa1: {  	s23 =	simm.s32 $0x1B8B  }
0xa2: {  	_ =	swait.ge [sflag:s23], $0x1  }
0xa3: {  	[sflag:s23] =	ssyncset.done $0x0  }
0xa4: {  	s25 =	simm.s32 $0x1B8E;
	s24 =	sld [smem:$0x3FFE];
	[sflag:s23] =	ssyncadd.s32 $0xFFFFFFFF  }
0xa5: {  	s26 =	simm.s32 $execute0_lowered;
	[smem:$0x3FD2] =	sst s25  }
0xa6: {  	s5 =	sshll.u32 s26, $0x1;
	_ =	strace $0x80000046;
	[dreg:$0x1] =	wrdreg $0xFFFFFFFF  }
0xa7: {  	s28 =	simm.s32 $_size_execute0_lowered;
	s3 =	sadd.s32 s3, s5;
	[dreg:$0x0] =	wrdreg $0x0  }
0xa8: {  	s5 =	sshll.u32 s28, $0x1;
	[dreg:$0x2] =	wrdreg s3  }
0xa9: {  	[dreg:$0x3] =	wrdreg s5  }
0xaa: {  	[dreg:$0x4] =	wrdreg $0xC0  }
0xab: {  	_ =	task [dreg:s7], $0x5FFFF  }
0xac: {  	[dreg:$0x1] =	wrdreg $0xFFFFFFFF  }
0xad: {  	[dreg:$0x0] =	wrdreg $0x60  }
0xae: {  	[dreg:$0x2] =	wrdreg s24  }
0xaf: {  	[dreg:$0x3] =	wrdreg s2  }
0xb0: {  	[dreg:$0x4] =	wrdreg $0x9  }
0xb1: {  	_ =	task.clear_ibuf [dreg:s7], $0x5FFFF;
	_ =	strace $0x90000046  }
0xb2: {  	s29 =	simm.s32 $0x9;
	_ =	strace $0x80000048  }
0xb3: {  	_ =	swait.ge [sflag:s29], $0x1  }
0xb4: {  	[sflag:s29] =	ssyncadd.s32 $0xFFFFFFFF  }
0xb5: {  	_ =	strace $0x90000048  }
0xb6: {  	_ =	sfence  }
0xb7: {  	s30 =	sld [smem:$0x0];
	_ =	sdelay $0x2  }
0xb8: {  	s31 =	sshll.u32 s1, $0xD;
	s1 =	sshrl.u32 s1, $0x2  }
0xb9: {  	s3 =	sand.u32 $0x4000, s31;
	s1 =	sadd.s32 s1, s30  }
0xba: {  	s0 =	sor.u32 s3, s0;
	s1 =	sshll.u32 s1, $0x11  }
0xbb: {  	s0 =	sor.u32 s1, s0  }
0xbc: {  	s0 =	sadd.s32 $0x8F2B, s0  }
0xbd: {  	[sflag:s0] =	ssyncadd.remote.s32 $0x1  }
0xbe: {  	_ =	sfence.sel $0xFFFF  }
0xbf: {  	[dreg:$0x0] =	wrdreg $0xFFFFFFFF;
	(pc) =	sbr.abs _section_cstart, $3  }
0xc0: {  	[dreg:$0x1] =	wrdreg $0xFFFFFFFF  }
0xc1: {  	_ =	task.clear_ibuf [dreg:s7], $0x2FFFF;
	_ =	strace $0x9FFFFFFF  }
0xc2: {  	(tm) =	ssettm $0x7FFFFFFF  }
0xc3: {  	_ =	shalt  }
tec
execute0_lowered:
.L_overlay_start_1:
0x0: {  	(tag) =	ssettag $0x1  }
0x1: {  	s0 =	srdreg.scid  }
0x2: {  	s1 =	rddreg [dreg:$0x0];
	s2 =	stileid.u32  }
0x3: {  	s7 =	rddreg [dreg:$0x1];
	s3 =	simm.s32 $0x0;
	s28 =	simm.s32 $0x5  }
0x4: {  	s29 =	simm.s32 $0x8180;
	s30 =	simm.s32 $0x3;
	s19 =	simm.s32 $0x12400  }
0x5: {  	v0 =	vlaneseq.u32;
	s20 =	simm.s32 $0x7;
	s8 =	simm.s32 $0x16800;
	s22 =	simm.s32 $0xC  }
0x6: {  	s0 =	sand.u32 $0x1, s0;
	s2 =	sshll.u32 s2, $0x8;
	[smem:$0x7FF] =	sst s3;
	v0 =	vmul.u32 $0x88, v0  }
0x7: {  	v1 =	vimm.s32 $0x0;
	vm0 =	vcmask $0x300;
	s5 =	sadd.s32 $0x41400, s1;
	s23 =	sadd.s32 $0x400, s1;
	s26 =	sadd.s32 $0x1430, s1  }
0x8: {  	s31 =	sadd.s32 $0x1440, s1;
	s12 =	sadd.s32 $0x80, s7;
	s13 =	sadd.s32 $0x1450, s1;
	v1 =	vsel vm0, $0x3, v1;
	v2 =	vadd.s32 $0x880, v0  }
0x9: {  	s14 =	sadd.s32 $0x100, s7;
	s15 =	sadd.s32 $0x1460, s1;
	s16 =	sadd.s32 $0x180, s7;
	v3 =	vadd.s32 $0x1100, v0;
	v4 =	vadd.s32 $0x1980, v0;
	v5 =	vor.u32 $0x1, v0  }
0xa: {  	s7 =	simm.s32 $0x8;
	_ =	strace $0x80000047;
	[dreg:$0x3] =	wrdreg s23;
	v6 =	vadd.s32 $0x881, v0;
	v7 =	vadd.s32 $0x1101, v0;
	v8 =	vadd.s32 $0x1981, v0  }
0xb: {  	s4 =	sshll.u32 s0, $0x7;
	s0 =	ssub.s32 $0x2, s0;
	[dreg:$0x7] =	wrdreg s26;
	v9 =	vor.u32 $0x2, v0;
	v10 =	vadd.s32 $0x882, v0;
	v11 =	vadd.s32 $0x1102, v0  }
0xc: {  	[dreg:$0x8] =	wrdreg s31;
	s2 =	sor.u32 s4, s2;
	s6 =	sshrl.u32 s0, $0x1;
	v12 =	vadd.s32 $0x1982, v0;
	v13 =	vor.u32 $0x3, v0;
	v14 =	vadd.s32 $0x883, v0  }
0xd: {  	v15 =	vadd.s32 $0x1103, v0;
	v16 =	vadd.s32 $0x1983, v0;
	v17 =	vor.u32 $0x4, v0;
	s11 =	smov.u32 s2;
	s2 =	sshll.u32 s2, $0x6;
	s0 =	ssub.s32 s0, s6  }
0xe: {  	s23 =	simm.s32 $0x80;
	v18 =	vadd.s32 $0x884, v0;
	v19 =	vadd.s32 $0x1104, v0;
	v20 =	vadd.s32 $0x1984, v0;
	s2 =	sadd.s32 s2, s1;
	s0 =	smax.u32 s0, $0x1  }
0xf: {  	v21 =	vor.u32 $0x5, v0;
	v22 =	vadd.s32 $0x885, v0;
	v23 =	vadd.s32 $0x1105, v0;
	s4 =	simm.s32 $0x0;
	s24 =	sadd.s32 $0x1400, s2;
	[dreg:$0x9] =	wrdreg s0  }
0x10: {  	v24 =	vadd.s32 $0x1985, v0;
	v25 =	vor.u32 $0x6, v0;
	v26 =	vadd.s32 $0x886, v0;
	s6 =	simm.s32 $0x14600;
	s25 =	sadd.s32 $0x1410, s2;
	[dreg:$0x4] =	wrdreg s24  }
0x11: {  	v27 =	vadd.s32 $0x1106, v0;
	v28 =	vadd.s32 $0x1986, v0;
	v29 =	vor.u32 $0x7, v0;
	s1 =	simm.s32 $0x10200;
	s2 =	sadd.s32 $0x1420, s2;
	[dreg:$0x5] =	wrdreg s25  }
0x12: {  	v30 =	vadd.s32 $0x887, v0;
	v31 =	vadd.s32 $0x1107, v0;
	v32 =	vadd.s32 $0x1987, v0;
	s0 =	simm.s32 $0x6;
	[dreg:$0x6] =	wrdreg s2;
	s24 =	simm.s32 $0x4  }
.LBB2_1:
0x13: {  	[dreg:$0xa] =	wrdreg s4  }
0x14: {  	s2 =	rddreg [dreg:$0x3];
	s25 =	simm.s32 $0xD  }
0x15: {  	[tilespmem:s3], [sflag:$0xD] =	stream.linear.gather [hbm4b:s2+s3], $0x8000, $0x38;
	[tilespmem:$0x18A00] =	vst v63  }
0x16: {  	_ =	swait.ge [sflag:s25], $0x8000  }
0x17: {  	[sflag:s25] =	ssyncset.done $0x0  }
0x18: {  	s31 =	simm.s32 $0x8000;
	s26 =	rddreg [dreg:$0x4];
	[sflag:s25] =	ssyncadd.s32 $0xFFFF8000  }
0x19: {  	[tilespmem:s31], [sflag:$0x1] =	stream.linear.gather [hbm4b:s26+s3], $0x80, $0x38;
	[tilespmem:$0x18A00] =	vst v63  }
0x1a: {  	s9 =	simm.s32 $0x8080;
	s17 =	rddreg [dreg:$0x5]  }
0x1b: {  	[tilespmem:s9], [sflag:$0x2] =	stream.linear.gather [hbm4b:s17+s3], $0x80, $0x38;
	[tilespmem:$0x18A00] =	vst v63  }
0x1c: {  	s10 =	simm.s32 $0x8100;
	s21 =	simm.s32 $0x1;
	s18 =	rddreg [dreg:$0x6]  }
0x1d: {  	[tilespmem:s10], [sflag:$0x3] =	stream.linear.gather [hbm4b:s18+s3], $0x80, $0x38;
	[tilespmem:$0x18A00] =	vst v63  }
0x1e: {  	_ =	swait.ge [sflag:s21], $0x80  }
0x1f: {  	[sflag:s21] =	ssyncset.done $0x0  }
0x20: {  	s25 =	simm.s32 $0x8200;
	s26 =	simm.s32 $0x2;
	[sflag:s21] =	ssyncadd.s32 $0xFFFFFF80  }
0x21: {  	[tilespmem:s25], [sflag:$0x5] =	stream.indirect.gather [hbm4b:s5+s23], $0x40, s31, s23, $0xb8;
	[tilespmem:$0x18A00] =	vst v63  }
0x22: {  	_ =	swait.ge [sflag:s26], $0x80  }
0x23: {  	[sflag:s26] =	ssyncset.done $0x0  }
0x24: {  	s31 =	simm.s32 $0xA200;
	[sflag:s26] =	ssyncadd.s32 $0xFFFFFF80  }
0x25: {  	[tilespmem:s31], [sflag:$0x6] =	stream.indirect.gather [hbm4b:s5+s23], $0x40, s9, s23, $0xb8;
	[tilespmem:$0x18A00] =	vst v63  }
0x26: {  	s9 =	simm.s32 $0x0  }
.LBB2_2:
0x27: {  	s17 =	sor.u32 s11, s9;
	_ =	swait.ge [sflag:s28], $0x2000  }
0x28: {  	[sflag:s28] =	ssyncset.done $0x0;
	s18 =	sshll.u32 s17, $0x6;
	s2 =	rddreg [dreg:$0x7]  }
0x29: {  	p0 =	seq.s32 s9, $0x0;
	[sflag:s28] =	ssyncadd.s32 $0xFFFFE000;
	s2 =	sadd.s32 s18, s2  }
0x2a: {  	[tilespmem:s29], [sflag:$0x4] =	stream.linear.gather [hbm4b:s2+s3], $0x80, $0x38;
	[tilespmem:$0x18A00] =	vst v63  }
0x2b: {  	s2 =	simm.s32 @!p0 $0xB  }
0x2c: {  	_ =	swait.ge @!p0 [sflag:s2], $0x2000  }
0x2d: {  	[sflag:s2] =	ssyncset.done @!p0 $0x0  }
0x2e: {  	[sflag:s2] =	ssyncadd.s32 @!p0 $0xFFFFE000  }
0x2f: {  	_ =	swait.ge [sflag:s30], $0x80  }
0x30: {  	s26 =	simm.s32 $0x7;
	s4 =	simm.s32 $0x8100;
	[sflag:s30] =	ssyncset.done $0x0  }
0x31: {  	s10 =	simm.s32 $0xC200;
	s25 =	simm.s32 $0x8300;
	v33 =	vmov s26;
	[sflag:s30] =	ssyncadd.s32 $0xFFFFFF80  }
0x32: {  	v33 =	vshrl.u32 v33, $0x3;
	[tilespmem:s10], [sflag:$0x7] =	stream.indirect.gather [hbm4b:s5+s23], $0x40, s4, s23, $0xb8;
	[tilespmem:$0x18A00] =	vst v63  }
0x33: {  	v33 =	vshll.u32 v33, v1;
	s2 =	simm.s32 $0x100;
	v35 =	vld [tilespmem:s25+$0xC0]  }
0x34: {  	v34 =	vbroadcast v33, $0x0;
	v36 =	vld [tilespmem:s2+$0xC0]  }
0x35: {  	v37 =	vld [tilespmem:s25+$0xFFFFFF00]  }
0x36: {  	v33 =	vadd.s32 v29, v34;
	v38 =	vld [tilespmem:s2+$0xFFFFFF00]  }
0x37: {  	v39 =	vld [tilespmem:s25+$0xFFFFFF40]  }
0x38: {  	v40 =	vld [tilespmem:s2+$0xFFFFFF40]  }
0x39: {  	s21 =	simm.s32 $0x1;
	v41 =	vld [tilespmem:s25+$0xFFFFFF80];
	v35 =	vadd.f32 v36, v35  }
0x3a: {  	s26 =	simm.s32 $0x2;
	v56 =	vmov s21;
	s4 =	simm.s32 $0x3;
	v42 =	vld [tilespmem:s2+$0xFFFFFF80]  }
0x3b: {  	v57 =	vmov s26;
	s10 =	simm.s32 $0x4;
	v43 =	vld [tilespmem:s25+$0xFFFFFFC0];
	v48 =	vmov s4;
	[tilespmem:v33+s1+$0x0] =	vst.idx.msk $0xffff, v35  }
0x3c: {  	v47 =	vadd.s32 v30, v34;
	v53 =	vmov s10;
	v48 =	vshrl.u32 v48, $0x3;
	v44 =	vld [tilespmem:s25+$0xD0]  }
0x3d: {  	v58 =	vshrl.u32 v53, $0x3;
	v48 =	vshll.u32 v48, v1;
	v33 =	vshrl.u32 v56, $0x3;
	v45 =	vld [tilespmem:s2+$0xD0]  }
0x3e: {  	v46 =	vld [tilespmem:s2+$0xFFFFFFC0];
	v48 =	vbroadcast v48, $0x0;
	v35 =	vshrl.u32 v57, $0x3;
	v33 =	vshll.u32 v33, v1  }
0x3f: {  	v49 =	vld [tilespmem:s2+$0x0];
	v59 =	vshll.u32 v58, v1;
	v35 =	vshll.u32 v35, v1;
	v36 =	vbroadcast v33, $0x0  }
0x40: {  	v52 =	vld [tilespmem:s25+$0x40];
	v41 =	vadd.f32 v42, v41;
	v42 =	vadd.s32 v13, v48;
	v35 =	vbroadcast v35, $0x0  }
0x41: {  	v39 =	vadd.f32 v40, v39;
	v40 =	vbroadcast v59, $0x0;
	v33 =	vld [tilespmem:s25+$0x0];
	v50 =	vadd.s32 v5, v36  }
0x42: {  	v54 =	vld [tilespmem:s2+$0x40];
	v51 =	vadd.s32 v9, v35;
	v44 =	vadd.f32 v45, v44  }
0x43: {  	v53 =	vld [tilespmem:s25+$0x80];
	v43 =	vadd.f32 v46, v43;
	v63 =	vadd.s32 v17, v40  }
0x44: {  	s10 =	simm.s32 $0x0;
	v45 =	vld [tilespmem:s2+$0x80];
	[tilespmem:v47+s1+$0x0] =	vst.idx.msk $0xffff, v44  }
0x45: {  	s26 =	simm.s32 $0x5;
	v56 =	vmov s10;
	[tilespmem:v42+s1+$0x0] =	vst.idx.msk $0xffff, v43;
	v44 =	vld [tilespmem:s25+$0xE0]  }
0x46: {  	v60 =	vmov s26;
	v56 =	vshrl.u32 v56, $0x3;
	v33 =	vadd.f32 v49, v33;
	[tilespmem:v50+s1+$0x0] =	vst.idx.msk $0xffff, v39;
	v61 =	vld [tilespmem:s2+$0xE0]  }
0x47: {  	v47 =	vshrl.u32 v60, $0x3;
	v60 =	vshll.u32 v56, v1;
	[tilespmem:v51+s1+$0x0] =	vst.idx.msk $0xffff, v41;
	v41 =	vld [tilespmem:s2+$0xFFFFFFD0]  }
0x48: {  	v55 =	vadd.s32 v31, v34;
	v47 =	vshll.u32 v47, v1;
	[tilespmem:v63+s1+$0x0] =	vst.idx.msk $0xffff, v33;
	v33 =	vbroadcast v60, $0x0;
	v51 =	vld [tilespmem:s25+$0xFFFFFF50]  }
0x49: {  	s4 =	simm.s32 $0x6;
	v46 =	vld [tilespmem:s2+$0xFFFFFF50];
	v47 =	vbroadcast v47, $0x0  }
0x4a: {  	v62 =	vmov s4;
	v57 =	vld [tilespmem:s25+$0xFFFFFF90];
	v63 =	vadd.s32 v0, v33  }
0x4b: {  	v50 =	vshrl.u32 v62, $0x3;
	v42 =	vld [tilespmem:s2+$0xFFFFFF90];
	v43 =	vadd.s32 v21, v47;
	v39 =	vadd.f32 v61, v44  }
0x4c: {  	v50 =	vshll.u32 v50, v1;
	v56 =	vld [tilespmem:s25+$0x10]  }
0x4d: {  	v37 =	vadd.f32 v38, v37;
	v49 =	vbroadcast v50, $0x0;
	v50 =	vld [tilespmem:s25+$0xFFFFFFD0];
	[tilespmem:v55+s1+$0x0] =	vst.idx.msk $0xffff, v39  }
0x4e: {  	v62 =	vadd.f32 v54, v52;
	v52 =	vld [tilespmem:s25+$0xF0]  }
0x4f: {  	v60 =	vadd.s32 v10, v35;
	[tilespmem:v63+s1+$0x0] =	vst.idx.msk $0xffff, v37;
	v55 =	vld [tilespmem:s2+$0xF0]  }
0x50: {  	v61 =	vadd.s32 v25, v49;
	[tilespmem:v43+s1+$0x0] =	vst.idx.msk $0xffff, v62;
	v43 =	vld [tilespmem:s2+$0x10]  }
0x51: {  	v54 =	vld [tilespmem:s25+$0xFFFFFF10]  }
0x52: {  	v59 =	vadd.s32 v6, v36;
	v63 =	vadd.f32 v42, v57;
	v42 =	vld [tilespmem:s2+$0xFFFFFF10]  }
0x53: {  	v58 =	vadd.f32 v45, v53;
	v53 =	vld [tilespmem:s25+$0x50]  }
0x54: {  	v62 =	vadd.s32 v14, v48;
	v38 =	vld [tilespmem:s2+$0x50];
	[tilespmem:v60+s1+$0x0] =	vst.idx.msk $0xffff, v63  }
0x55: {  	v60 =	vadd.f32 v41, v50;
	[tilespmem:v61+s1+$0x0] =	vst.idx.msk $0xffff, v58;
	v61 =	vadd.f32 v46, v51;
	v50 =	vld [tilespmem:s25+$0xFFFFFFA0]  }
0x56: {  	v44 =	vld [tilespmem:s25+$0x90]  }
0x57: {  	v45 =	vadd.s32 v18, v40;
	v46 =	vld [tilespmem:s2+$0x90];
	[tilespmem:v59+s1+$0x0] =	vst.idx.msk $0xffff, v61  }
0x58: {  	v57 =	vld [tilespmem:s25+$0xFFFFFF60]  }
0x59: {  	v61 =	vadd.s32 v22, v47;
	v39 =	vld [tilespmem:s2+$0xFFFFFF60]  }
0x5a: {  	[tilespmem:v62+s1+$0x0] =	vst.idx.msk $0xffff, v60;
	v62 =	vadd.f32 v43, v56;
	v43 =	vld [tilespmem:s2+$0xFFFFFFA0]  }
0x5b: {  	v59 =	vadd.s32 v2, v33;
	v56 =	vld [tilespmem:s25+$0xFFFFFFE0]  }
0x5c: {  	v58 =	vadd.f32 v38, v53;
	v38 =	vld [tilespmem:s2+$0xFFFFFFE0];
	[tilespmem:v45+s1+$0x0] =	vst.idx.msk $0xffff, v62  }
0x5d: {  	v63 =	vadd.s32 v26, v49;
	v53 =	vld [tilespmem:s25+$0x20]  }
0x5e: {  	v42 =	vadd.f32 v42, v54;
	v41 =	vld [tilespmem:s2+$0x20];
	[tilespmem:v61+s1+$0x0] =	vst.idx.msk $0xffff, v58  }
0x5f: {  	v62 =	vadd.s32 v11, v35;
	v60 =	vadd.f32 v46, v44;
	v46 =	vld [tilespmem:s25+$0x60]  }
0x60: {  	v61 =	vadd.s32 v7, v36;
	[tilespmem:v59+s1+$0x0] =	vst.idx.msk $0xffff, v42;
	v37 =	vld [tilespmem:s2+$0x60]  }
0x61: {  	v39 =	vadd.f32 v39, v57;
	v57 =	vld [tilespmem:s25+$0xFFFFFF20]  }
0x62: {  	[tilespmem:v63+s1+$0x0] =	vst.idx.msk $0xffff, v60;
	v60 =	vadd.f32 v43, v50;
	v43 =	vld [tilespmem:s2+$0xFFFFFF20]  }
0x63: {  	v63 =	vadd.s32 v15, v48;
	v54 =	vld [tilespmem:s25+$0xA0]  }
0x64: {  	v42 =	vld [tilespmem:s2+$0xA0];
	[tilespmem:v62+s1+$0x0] =	vst.idx.msk $0xffff, v60  }
0x65: {  	v38 =	vadd.f32 v38, v56;
	v56 =	vld [tilespmem:s25+$0xFFFFFFB0];
	[tilespmem:v61+s1+$0x0] =	vst.idx.msk $0xffff, v39;
	v61 =	vadd.s32 v19, v40  }
0x66: {  	v50 =	vld [tilespmem:s25+$0xFFFFFF70]  }
0x67: {  	v62 =	vadd.s32 v23, v47;
	v39 =	vld [tilespmem:s2+$0xFFFFFF70]  }
0x68: {  	v34 =	vadd.s32 v32, v34;
	[tilespmem:v63+s1+$0x0] =	vst.idx.msk $0xffff, v38;
	v63 =	vadd.f32 v41, v53;
	v41 =	vld [tilespmem:s2+$0xFFFFFFB0]  }
0x69: {  	v58 =	vadd.s32 v27, v49;
	v53 =	vld [tilespmem:s25+$0xFFFFFFF0]  }
0x6a: {  	v37 =	vadd.f32 v37, v46;
	v38 =	vadd.s32 v3, v33;
	v44 =	vld [tilespmem:s2+$0xFFFFFFF0];
	[tilespmem:v61+s1+$0x0] =	vst.idx.msk $0xffff, v63  }
0x6b: {  	v59 =	vadd.f32 v55, v52;
	v36 =	vadd.s32 v8, v36;
	v52 =	vld [tilespmem:s25+$0x30]  }
0x6c: {  	v60 =	vadd.f32 v42, v54;
	[tilespmem:v62+s1+$0x0] =	vst.idx.msk $0xffff, v37;
	v61 =	vadd.s32 v12, v35;
	v62 =	vld [tilespmem:s2+$0x30]  }
0x6d: {  	[tilespmem:v34+s1+$0x0] =	vst.idx.msk $0xffff, v59;
	v54 =	vadd.s32 v16, v48;
	v55 =	vld [tilespmem:s25+$0x70];
	v63 =	vadd.f32 v43, v57  }
0x6e: {  	v40 =	vadd.s32 v20, v40;
	[tilespmem:v58+s1+$0x0] =	vst.idx.msk $0xffff, v60;
	v58 =	vld [tilespmem:s2+$0x70];
	v57 =	vadd.f32 v39, v50  }
0x6f: {  	v35 =	vld [tilespmem:s25+$0xB0];
	v59 =	vadd.f32 v41, v56;
	[tilespmem:v38+s1+$0x0] =	vst.idx.msk $0xffff, v63  }
0x70: {  	s26 =	simm.s32 $0xF;
	v37 =	vld [tilespmem:s2+$0xB0];
	v39 =	vadd.s32 v24, v47;
	v60 =	vadd.f32 v44, v53;
	[tilespmem:v36+s1+$0x0] =	vst.idx.msk $0xffff, v57  }
0x71: {  	v34 =	vld [tilespmem:s25+$0xFFFFFF30];
	[tilespmem:v61+s1+$0x0] =	vst.idx.msk $0xffff, v59;
	v61 =	vmov s26;
	v62 =	vadd.f32 v62, v52  }
0x72: {  	s31 =	simm.s32 $0x8;
	v38 =	vadd.s32 v28, v49;
	v36 =	vld [tilespmem:s2+$0xFFFFFF30];
	s25 =	simm.s32 $0x8500;
	[tilespmem:v54+s1+$0x0] =	vst.idx.msk $0xffff, v60;
	v63 =	vshrl.u32 v61, $0x3  }
0x73: {  	v46 =	vmov s31;
	s2 =	simm.s32 $0x300;
	v42 =	vld [tilespmem:s25+$0xC0];
	s26 =	simm.s32 $0x10;
	v41 =	vshll.u32 v63, v1;
	[tilespmem:v40+s1+$0x0] =	vst.idx.msk $0xffff, v62;
	v40 =	vadd.f32 v58, v55  }
.LBB2_3:
0x74: {  	p0 =	slt.u32 s26, $0x78;
	v43 =	vshrl.u32 v46, $0x3;
	s21 =	sadd.s32 $0x1, s31;
	v44 =	vld [tilespmem:s2+$0xC0];
	v41 =	vbroadcast v41, $0x0;
	v45 =	vadd.s32 v4, v33  }
0x75: {  	v46 =	vld [tilespmem:s25+$0xFFFFFF00];
	v33 =	vshll.u32 v43, v1;
	v43 =	vmov s21;
	[tilespmem:v39+s1+$0x0] =	vst.idx.msk $0xffff, v40;
	v35 =	vadd.f32 v37, v35  }
0x76: {  	s21 =	sadd.s32 $0x2, s31;
	v37 =	vld [tilespmem:s2+$0xFFFFFF00];
	v33 =	vbroadcast v33, $0x0;
	v39 =	vshrl.u32 v43, $0x3;
	v40 =	vadd.s32 v29, v41  }
0x77: {  	v47 =	vmov s21;
	v43 =	vld [tilespmem:s25+$0xFFFFFF40];
	v39 =	vshll.u32 v39, v1;
	v36 =	vadd.f32 v36, v34;
	[tilespmem:v38+s1+$0x0] =	vst.idx.msk $0xffff, v35  }
0x78: {  	v35 =	vshrl.u32 v47, $0x3;
	v38 =	vadd.s32 v0, v33;
	v48 =	vld [tilespmem:s2+$0xFFFFFF40];
	v34 =	vbroadcast v39, $0x0  }
0x79: {  	v35 =	vshll.u32 v35, v1;
	v39 =	vld [tilespmem:s25+$0xFFFFFF80];
	v42 =	vadd.f32 v44, v42;
	[tilespmem:v45+s1+$0x0] =	vst.idx.msk $0xffff, v36  }
0x7a: {  	s21 =	sadd.s32 $0x3, s31;
	v35 =	vbroadcast v35, $0x0;
	v44 =	vadd.s32 v5, v34;
	v45 =	vld [tilespmem:s2+$0xFFFFFF80]  }
0x7b: {  	v36 =	vadd.f32 v37, v46;
	v37 =	vmov s21;
	v46 =	vld [tilespmem:s25+$0xFFFFFFC0];
	s21 =	sadd.s32 $0x4, s31;
	[tilespmem:v40+s1+$0x0] =	vst.idx.msk $0xffff, v42  }
0x7c: {  	v40 =	vadd.s32 v9, v35;
	v37 =	vshrl.u32 v37, $0x3;
	v42 =	vmov s21;
	v47 =	vld [tilespmem:s25+$0xD0]  }
0x7d: {  	s21 =	sadd.s32 $0x5, s31;
	[tilespmem:v38+s1+$0x0] =	vst.idx.msk $0xffff, v36;
	v38 =	vadd.f32 v48, v43;
	v36 =	vshll.u32 v37, v1;
	v37 =	vshrl.u32 v42, $0x3;
	v42 =	vld [tilespmem:s2+$0xD0]  }
0x7e: {  	v48 =	vmov s21;
	s21 =	sadd.s32 $0x6, s31;
	s31 =	smov.u32 s26;
	v43 =	vld [tilespmem:s2+$0xFFFFFFC0];
	v36 =	vbroadcast v36, $0x0;
	v37 =	vshll.u32 v37, v1  }
0x7f: {  	[tilespmem:v44+s1+$0x0] =	vst.idx.msk $0xffff, v38;
	v38 =	vadd.f32 v45, v39;
	v44 =	vld [tilespmem:s25+$0x0];
	v39 =	vmov s21;
	v45 =	vadd.s32 v30, v41  }
0x80: {  	v48 =	vshrl.u32 v48, $0x3;
	v37 =	vbroadcast v37, $0x0;
	v49 =	vadd.s32 v13, v36;
	v50 =	vld [tilespmem:s2+$0x0]  }
0x81: {  	[tilespmem:v40+s1+$0x0] =	vst.idx.msk $0xffff, v38;
	v40 =	vld [tilespmem:s25+$0x40];
	v38 =	vshll.u32 v48, v1;
	v48 =	vshrl.u32 v39, $0x3  }
0x82: {  	v51 =	vadd.s32 v17, v37;
	v52 =	vld [tilespmem:s2+$0x40];
	v39 =	vbroadcast v38, $0x0;
	v42 =	vadd.f32 v42, v47  }
0x83: {  	v38 =	vshll.u32 v48, v1;
	v43 =	vadd.f32 v43, v46;
	v46 =	vld [tilespmem:s25+$0x80]  }
0x84: {  	v38 =	vbroadcast v38, $0x0;
	v47 =	vadd.s32 v21, v39;
	v48 =	vld [tilespmem:s2+$0x80];
	[tilespmem:v45+s1+$0x0] =	vst.idx.msk $0xffff, v42  }
0x85: {  	[tilespmem:v49+s1+$0x0] =	vst.idx.msk $0xffff, v43;
	v42 =	vadd.f32 v50, v44;
	v43 =	vld [tilespmem:s25+$0xE0]  }
0x86: {  	v44 =	vadd.s32 v25, v38;
	v45 =	vld [tilespmem:s2+$0xE0]  }
0x87: {  	v49 =	vld [tilespmem:s25+$0xFFFFFF50];
	[tilespmem:v51+s1+$0x0] =	vst.idx.msk $0xffff, v42;
	v40 =	vadd.f32 v52, v40  }
0x88: {  	v50 =	vadd.s32 v31, v41;
	v42 =	vld [tilespmem:s2+$0xFFFFFF50]  }
0x89: {  	v51 =	vld [tilespmem:s25+$0xFFFFFF90];
	[tilespmem:v47+s1+$0x0] =	vst.idx.msk $0xffff, v40;
	v40 =	vadd.f32 v48, v46  }
0x8a: {  	v46 =	vadd.s32 v6, v34;
	v47 =	vld [tilespmem:s2+$0xFFFFFF90]  }
0x8b: {  	v48 =	vld [tilespmem:s25+$0xFFFFFFD0];
	[tilespmem:v44+s1+$0x0] =	vst.idx.msk $0xffff, v40;
	v40 =	vadd.f32 v45, v43  }
0x8c: {  	v43 =	vadd.s32 v10, v35;
	v44 =	vld [tilespmem:s2+$0xFFFFFFD0]  }
0x8d: {  	v42 =	vadd.f32 v42, v49;
	v45 =	vld [tilespmem:s25+$0x10];
	[tilespmem:v50+s1+$0x0] =	vst.idx.msk $0xffff, v40  }
0x8e: {  	v40 =	vadd.s32 v14, v36;
	v49 =	vld [tilespmem:s25+$0xF0]  }
0x8f: {  	[tilespmem:v46+s1+$0x0] =	vst.idx.msk $0xffff, v42;
	v42 =	vadd.f32 v47, v51;
	v46 =	vld [tilespmem:s2+$0xF0]  }
0x90: {  	v47 =	vld [tilespmem:s2+$0x10]  }
0x91: {  	v41 =	vadd.s32 v32, v41;
	[tilespmem:v43+s1+$0x0] =	vst.idx.msk $0xffff, v42;
	v42 =	vadd.f32 v44, v48;
	v43 =	vld [tilespmem:s25+$0x50]  }
0x92: {  	v44 =	vadd.s32 v18, v37;
	v48 =	vld [tilespmem:s2+$0x50]  }
0x93: {  	[tilespmem:v40+s1+$0x0] =	vst.idx.msk $0xffff, v42;
	v40 =	vld [tilespmem:s25+$0x90]  }
0x94: {  	v42 =	vadd.s32 v22, v39;
	v50 =	vld [tilespmem:s2+$0x90];
	v46 =	vadd.f32 v46, v49  }
0x95: {  	v49 =	vld [tilespmem:s25+$0xFFFFFF10];
	v45 =	vadd.f32 v47, v45  }
0x96: {  	v51 =	vadd.s32 v26, v38;
	v47 =	vld [tilespmem:s2+$0xFFFFFF10];
	[tilespmem:v41+s1+$0x0] =	vst.idx.msk $0xffff, v46  }
0x97: {  	v41 =	vld [tilespmem:s25+$0xFFFFFF60];
	[tilespmem:v44+s1+$0x0] =	vst.idx.msk $0xffff, v45;
	v43 =	vadd.f32 v48, v43  }
0x98: {  	v44 =	vadd.s32 v2, v33;
	v45 =	vld [tilespmem:s2+$0xFFFFFF60]  }
0x99: {  	v46 =	vld [tilespmem:s25+$0xFFFFFFA0];
	[tilespmem:v42+s1+$0x0] =	vst.idx.msk $0xffff, v43;
	v40 =	vadd.f32 v50, v40  }
0x9a: {  	v42 =	vadd.s32 v7, v34;
	v43 =	vld [tilespmem:s2+$0xFFFFFFA0]  }
0x9b: {  	v47 =	vadd.f32 v47, v49;
	v48 =	vld [tilespmem:s25+$0xFFFFFFE0];
	[tilespmem:v51+s1+$0x0] =	vst.idx.msk $0xffff, v40  }
0x9c: {  	v40 =	vadd.s32 v11, v35;
	v49 =	vld [tilespmem:s2+$0xFFFFFFE0]  }
0x9d: {  	[tilespmem:v44+s1+$0x0] =	vst.idx.msk $0xffff, v47;
	v41 =	vadd.f32 v45, v41;
	v44 =	vld [tilespmem:s25+$0x20]  }
0x9e: {  	v45 =	vadd.s32 v15, v36;
	v47 =	vld [tilespmem:s2+$0x20]  }
0x9f: {  	[tilespmem:v42+s1+$0x0] =	vst.idx.msk $0xffff, v41;
	v41 =	vadd.f32 v43, v46;
	v42 =	vld [tilespmem:s25+$0x60]  }
0xa0: {  	v43 =	vadd.s32 v19, v37;
	v46 =	vld [tilespmem:s2+$0x60]  }
0xa1: {  	[tilespmem:v40+s1+$0x0] =	vst.idx.msk $0xffff, v41;
	v40 =	vadd.f32 v49, v48;
	v41 =	vld [tilespmem:s25+$0xA0]  }
0xa2: {  	v48 =	vadd.s32 v23, v39;
	v49 =	vld [tilespmem:s2+$0xA0]  }
0xa3: {  	v50 =	vld [tilespmem:s25+$0xFFFFFF20];
	[tilespmem:v45+s1+$0x0] =	vst.idx.msk $0xffff, v40;
	v40 =	vadd.f32 v47, v44  }
0xa4: {  	v45 =	vadd.s32 v27, v38;
	v44 =	vld [tilespmem:s2+$0xFFFFFF20]  }
0xa5: {  	v47 =	vld [tilespmem:s25+$0xFFFFFF70];
	[tilespmem:v43+s1+$0x0] =	vst.idx.msk $0xffff, v40;
	v40 =	vadd.f32 v46, v42  }
0xa6: {  	v42 =	vadd.s32 v3, v33;
	v43 =	vld [tilespmem:s2+$0xFFFFFF70]  }
0xa7: {  	v46 =	vld [tilespmem:s25+$0xFFFFFFB0];
	[tilespmem:v48+s1+$0x0] =	vst.idx.msk $0xffff, v40;
	v40 =	vadd.f32 v49, v41  }
0xa8: {  	v34 =	vadd.s32 v8, v34;
	v41 =	vld [tilespmem:s2+$0xFFFFFFB0]  }
0xa9: {  	v44 =	vadd.f32 v44, v50;
	v48 =	vld [tilespmem:s25+$0xFFFFFFF0];
	[tilespmem:v45+s1+$0x0] =	vst.idx.msk $0xffff, v40  }
0xaa: {  	v35 =	vadd.s32 v12, v35;
	v40 =	vld [tilespmem:s2+$0xFFFFFFF0]  }
0xab: {  	[tilespmem:v42+s1+$0x0] =	vst.idx.msk $0xffff, v44;
	v42 =	vadd.f32 v43, v47;
	v43 =	vld [tilespmem:s25+$0x30]  }
0xac: {  	v36 =	vadd.s32 v16, v36;
	v44 =	vld [tilespmem:s2+$0x30]  }
0xad: {  	[tilespmem:v34+s1+$0x0] =	vst.idx.msk $0xffff, v42;
	v34 =	vadd.f32 v41, v46;
	v45 =	vld [tilespmem:s25+$0x70]  }
0xae: {  	v47 =	vadd.s32 v20, v37;
	v49 =	vld [tilespmem:s2+$0x70]  }
.Ltmp0:
0xaf: {  	[tilespmem:v35+s1+$0x0] =	vst.idx.msk $0xffff, v34;
	v40 =	vadd.f32 v40, v48;
	v35 =	vld [tilespmem:s25+$0xB0];
	(pc) =	sbr.rel @p0 .LBB2_3-.Ltmp0, $4  }
0xb0: {  	s21 =	sadd.s32 $0x7, s26;
	v39 =	vadd.s32 v24, v39;
	v37 =	vld [tilespmem:s2+$0xB0]  }
0xb1: {  	v41 =	vmov s21;
	v34 =	vld [tilespmem:s25+$0xFFFFFF30];
	[tilespmem:v36+s1+$0x0] =	vst.idx.msk $0xffff, v40;
	v40 =	vadd.f32 v44, v43  }
0xb2: {  	v38 =	vadd.s32 v28, v38;
	v41 =	vshrl.u32 v41, $0x3;
	s25 =	sadd.s32 $0x200, s25;
	v36 =	vld [tilespmem:s2+$0xFFFFFF30]  }
0xb3: {  	s26 =	sadd.s32 $0x8, s26;
	v46 =	vmov s31;
	v41 =	vshll.u32 v41, v1;
	s2 =	sadd.s32 $0x200, s2;
	v42 =	vld [tilespmem:s25+$0xC0];
	[tilespmem:v47+s1+$0x0] =	vst.idx.msk $0xffff, v40;
	v40 =	vadd.f32 v49, v45  }
0xb4: {  	v44 =	vld [tilespmem:s25+$0xFFFFFF00];
	_ =	sdelay $0x4  }
0xb5: {  	v43 =	vld [tilespmem:s2+$0xC0];
	v41 =	vbroadcast v41, $0x0;
	[tilespmem:$0x1FFC0] =	vst v44  }
0xb6: {  	v44 =	vld [tilespmem:s2+$0xFFFFFF00]  }
0xb7: {  	v61 =	vadd.s32 v29, v41;
	_ =	sdelay $0x2  }
0xb8: {  	v42 =	vadd.f32 v43, v42  }
0xb9: {  	[tilespmem:$0x1FFD0] =	vst v44  }
0xba: {  	s21 =	sadd.s32 $0x1, s31;
	v45 =	vld [tilespmem:s25+$0xFFFFFF40];
	[tilespmem:v61+s1+$0x0] =	vst.idx.msk $0xffff, v42  }
0xbb: {  	v62 =	vmov s21;
	v44 =	vld [tilespmem:s25+$0xD0]  }
0xbc: {  	v42 =	vshrl.u32 v62, $0x3;
	v53 =	vld [tilespmem:s2+$0xD0]  }
0xbd: {  	v49 =	vld [tilespmem:s2+$0xFFFFFF40];
	v42 =	vshll.u32 v42, v1  }
0xbe: {  	s26 =	sadd.s32 $0x2, s31;
	v56 =	vadd.s32 v30, v41;
	v50 =	vld [tilespmem:s25+$0xFFFFFF80];
	v48 =	vbroadcast v42, $0x0  }
0xbf: {  	v63 =	vmov s26;
	v51 =	vld [tilespmem:s2+$0xFFFFFF80]  }
0xc0: {  	v43 =	vshrl.u32 v63, $0x3;
	v52 =	vld [tilespmem:s25+$0xFFFFFFC0];
	v59 =	vadd.s32 v5, v48  }
0xc1: {  	v54 =	vshll.u32 v43, v1;
	v55 =	vld [tilespmem:s2+$0xFFFFFFC0];
	v53 =	vadd.f32 v53, v44  }
0xc2: {  	v63 =	vbroadcast v54, $0x0;
	v54 =	vld [tilespmem:s25+$0x0];
	[tilespmem:$0x1FFE0] =	vst v41  }
0xc3: {  	s10 =	sadd.s32 $0x3, s31;
	v49 =	vadd.f32 v49, v45;
	[tilespmem:v56+s1+$0x0] =	vst.idx.msk $0xffff, v53  }
0xc4: {  	v57 =	vmov s10;
	v53 =	vld [tilespmem:s25+$0xE0]  }
0xc5: {  	s26 =	sadd.s32 $0x4, s31;
	v57 =	vshrl.u32 v57, $0x3;
	v60 =	vadd.s32 v9, v63;
	[tilespmem:v59+s1+$0x0] =	vst.idx.msk $0xffff, v49;
	v49 =	vld [tilespmem:s2+$0xE0]  }
0xc6: {  	v57 =	vshll.u32 v57, v1;
	v62 =	vmov s26;
	v58 =	vld [tilespmem:s2+$0x0]  }
0xc7: {  	v47 =	vbroadcast v57, $0x0;
	v62 =	vshrl.u32 v62, $0x3;
	v41 =	vadd.s32 v31, v41;
	v61 =	vld [tilespmem:s25+$0x40]  }
0xc8: {  	s4 =	sadd.s32 $0x5, s31;
	v42 =	vld [tilespmem:s2+$0x40];
	v43 =	vshll.u32 v62, v1;
	v50 =	vadd.f32 v51, v50  }
0xc9: {  	s10 =	sadd.s32 $0x6, s31;
	v57 =	vld [tilespmem:s25+$0x80];
	v51 =	vadd.s32 v13, v47;
	v45 =	vbroadcast v43, $0x0;
	v43 =	vmov s4  }
0xca: {  	v62 =	vld [tilespmem:s2+$0x80];
	v44 =	vmov s10;
	[tilespmem:v60+s1+$0x0] =	vst.idx.msk $0xffff, v50;
	v56 =	vshrl.u32 v43, $0x3;
	v49 =	vadd.f32 v49, v53  }
0xcb: {  	v56 =	vshll.u32 v56, v1;
	v59 =	vshrl.u32 v44, $0x3;
	v44 =	vld [tilespmem:s25+$0xFFFFFF90]  }
0xcc: {  	v50 =	vadd.s32 v17, v45;
	v60 =	vld [tilespmem:s25+$0xFFFFFF50];
	v56 =	vbroadcast v56, $0x0;
	[tilespmem:v41+s1+$0x0] =	vst.idx.msk $0xffff, v49  }
0xcd: {  	v52 =	vadd.f32 v55, v52;
	v49 =	vld [tilespmem:s25+$0xF0]  }
0xce: {  	v43 =	vadd.f32 v58, v54;
	v55 =	vld [tilespmem:s2+$0xFFFFFF50];
	v54 =	vadd.s32 v21, v56  }
0xcf: {  	v59 =	vshll.u32 v59, v1;
	[tilespmem:v51+s1+$0x0] =	vst.idx.msk $0xffff, v52;
	v52 =	vld [tilespmem:s2+$0xFFFFFF90]  }
0xd0: {  	v58 =	vbroadcast v59, $0x0;
	v59 =	vld [tilespmem:s25+$0xFFFFFFD0]  }
0xd1: {  	[tilespmem:v50+s1+$0x0] =	vst.idx.msk $0xffff, v43;
	v50 =	vld [tilespmem:s2+$0xFFFFFFD0];
	v41 =	vadd.f32 v42, v61  }
0xd2: {  	v53 =	vld [tilespmem:s25+$0x10];
	[tilespmem:$0x1FFF0] =	vst v49  }
0xd3: {  	v46 =	vshrl.u32 v46, $0x3;
	[tilespmem:v54+s1+$0x0] =	vst.idx.msk $0xffff, v41  }
0xd4: {  	v46 =	vshll.u32 v46, v1;
	v42 =	vld [tilespmem:$0x1FFC0]  }
0xd5: {  	v46 =	vbroadcast v46, $0x0;
	v51 =	vadd.s32 v25, v58;
	v43 =	vld [tilespmem:$0x1FFD0];
	_ =	sdelay $0x1  }
0xd6: {  	v61 =	vadd.s32 v0, v46;
	v49 =	vld [tilespmem:s2+$0xF0]  }
0xd7: {  	v41 =	vadd.f32 v62, v57;
	v54 =	vld [tilespmem:s2+$0x10]  }
0xd8: {  	v57 =	vadd.s32 v6, v48;
	v62 =	vld [tilespmem:s25+$0x50]  }
0xd9: {  	[tilespmem:v51+s1+$0x0] =	vst.idx.msk $0xffff, v41;
	v41 =	vld [tilespmem:s2+$0x50];
	v42 =	vadd.f32 v43, v42  }
0xda: {  	v51 =	vadd.s32 v10, v63;
	v43 =	vld [tilespmem:s25+$0x90]  }
0xdb: {  	[tilespmem:v61+s1+$0x0] =	vst.idx.msk $0xffff, v42;
	v42 =	vadd.f32 v55, v60;
	v55 =	vld [tilespmem:s2+$0x90]  }
0xdc: {  	v60 =	vadd.s32 v14, v47;
	v61 =	vld [tilespmem:s25+$0xFFFFFF10]  }
0xdd: {  	[tilespmem:v57+s1+$0x0] =	vst.idx.msk $0xffff, v42;
	v42 =	vadd.f32 v52, v44;
	v44 =	vld [tilespmem:s2+$0xFFFFFF10]  }
0xde: {  	v52 =	vadd.s32 v18, v45;
	v57 =	vld [tilespmem:s25+$0xFFFFFF60]  }
0xdf: {  	[tilespmem:v51+s1+$0x0] =	vst.idx.msk $0xffff, v42;
	v42 =	vadd.f32 v50, v59;
	v50 =	vld [tilespmem:s2+$0xFFFFFF60]  }
0xe0: {  	v51 =	vadd.s32 v22, v56;
	v59 =	vld [tilespmem:s25+$0xFFFFFFA0]  }
0xe1: {  	[tilespmem:v60+s1+$0x0] =	vst.idx.msk $0xffff, v42;
	v42 =	vadd.f32 v54, v53;
	v53 =	vld [tilespmem:s2+$0xFFFFFFA0]  }
0xe2: {  	v54 =	vadd.s32 v26, v58;
	v60 =	vld [tilespmem:s25+$0xFFFFFFE0]  }
0xe3: {  	v41 =	vadd.f32 v41, v62;
	[tilespmem:v52+s1+$0x0] =	vst.idx.msk $0xffff, v42;
	v42 =	vld [tilespmem:s2+$0xFFFFFFE0]  }
0xe4: {  	v52 =	vadd.s32 v2, v46;
	v62 =	vld [tilespmem:s25+$0x20]  }
0xe5: {  	[tilespmem:v51+s1+$0x0] =	vst.idx.msk $0xffff, v41;
	v41 =	vadd.f32 v55, v43;
	v43 =	vld [tilespmem:s2+$0x20]  }
0xe6: {  	v51 =	vadd.s32 v7, v48;
	v55 =	vld [tilespmem:s25+$0x60]  }
0xe7: {  	v44 =	vadd.f32 v44, v61;
	[tilespmem:v54+s1+$0x0] =	vst.idx.msk $0xffff, v41;
	v41 =	vld [tilespmem:s2+$0x60]  }
0xe8: {  	v54 =	vadd.s32 v11, v63;
	v61 =	vld [tilespmem:s25+$0xA0]  }
0xe9: {  	[tilespmem:v52+s1+$0x0] =	vst.idx.msk $0xffff, v44;
	v44 =	vadd.f32 v50, v57;
	v50 =	vld [tilespmem:s2+$0xA0]  }
0xea: {  	v52 =	vadd.s32 v15, v47;
	v57 =	vld [tilespmem:s25+$0xFFFFFF20]  }
0xeb: {  	[tilespmem:v51+s1+$0x0] =	vst.idx.msk $0xffff, v44;
	v44 =	vadd.f32 v53, v59;
	v51 =	vld [tilespmem:s2+$0xFFFFFF20]  }
0xec: {  	v53 =	vadd.s32 v19, v45;
	v59 =	vld [tilespmem:s25+$0xFFFFFF70]  }
0xed: {  	v42 =	vadd.f32 v42, v60;
	[tilespmem:v54+s1+$0x0] =	vst.idx.msk $0xffff, v44;
	v44 =	vld [tilespmem:s2+$0xFFFFFF70]  }
0xee: {  	v54 =	vadd.s32 v23, v56;
	v60 =	vld [tilespmem:s25+$0xFFFFFFB0]  }
0xef: {  	[tilespmem:v52+s1+$0x0] =	vst.idx.msk $0xffff, v42;
	v42 =	vadd.f32 v43, v62;
	v43 =	vld [tilespmem:s2+$0xFFFFFFB0];
	v52 =	vadd.s32 v27, v58  }
0xf0: {  	v62 =	vld [tilespmem:s25+$0xFFFFFFF0]  }
0xf1: {  	v41 =	vadd.f32 v41, v55;
	[tilespmem:v53+s1+$0x0] =	vst.idx.msk $0xffff, v42;
	v42 =	vld [tilespmem:s2+$0xFFFFFFF0];
	v53 =	vadd.s32 v3, v46  }
0xf2: {  	[tilespmem:v39+s1+$0x0] =	vst.idx.msk $0xffff, v40;
	v61 =	vadd.f32 v50, v61;
	v55 =	vld [tilespmem:s25+$0x30]  }
0xf3: {  	v35 =	vadd.f32 v37, v35;
	v50 =	vld [tilespmem:s2+$0x30];
	[tilespmem:v54+s1+$0x0] =	vst.idx.msk $0xffff, v41  }
0xf4: {  	v57 =	vadd.f32 v51, v57;
	v54 =	vld [tilespmem:$0x1FFE0];
	[tilespmem:v52+s1+$0x0] =	vst.idx.msk $0xffff, v61  }
0xf5: {  	v33 =	vadd.s32 v4, v33;
	v34 =	vadd.f32 v36, v34;
	[tilespmem:v38+s1+$0x0] =	vst.idx.msk $0xffff, v35;
	v36 =	vld [tilespmem:s25+$0xB0]  }
0xf6: {  	v35 =	vadd.s32 v12, v63;
	v63 =	vld [tilespmem:s2+$0xB0];
	[tilespmem:v53+s1+$0x0] =	vst.idx.msk $0xffff, v57  }
0xf7: {  	v61 =	vadd.s32 v16, v47;
	v38 =	vld [tilespmem:$0x1FFF0]  }
0xf8: {  	v58 =	vadd.s32 v28, v58;
	v39 =	vld [tilespmem:s25+$0x70]  }
0xf9: {  	v40 =	vadd.s32 v8, v48;
	v48 =	vld [tilespmem:s2+$0x70];
	v53 =	vadd.f32 v43, v60;
	v37 =	vadd.s32 v32, v54  }
0xfa: {  	v51 =	vadd.s32 v20, v45;
	v57 =	vadd.f32 v42, v62;
	[tilespmem:v33+s1+$0x0] =	vst.idx.msk $0xffff, v34;
	v52 =	vld [tilespmem:s25+$0xFFFFFF30]  }
0xfb: {  	v54 =	vadd.s32 v24, v56;
	v56 =	vld [tilespmem:s2+$0xFFFFFF30];
	[tilespmem:v35+s1+$0x0] =	vst.idx.msk $0xffff, v53;
	v62 =	vadd.f32 v63, v36  }
0xfc: {  	[tilespmem:v61+s1+$0x0] =	vst.idx.msk $0xffff, v57;
	v38 =	vadd.f32 v49, v38  }
0xfd: {  	v60 =	vadd.s32 v4, v46;
	v49 =	vadd.f32 v44, v59;
	[tilespmem:v58+s1+$0x0] =	vst.idx.msk $0xffff, v62  }
0xfe: {  	v59 =	vadd.f32 v50, v55;
	[tilespmem:v37+s1+$0x0] =	vst.idx.msk $0xffff, v38  }
0xff: {  	v61 =	vadd.f32 v48, v39;
	[tilespmem:v40+s1+$0x0] =	vst.idx.msk $0xffff, v49  }
0x100: {  	[tilespmem:v51+s1+$0x0] =	vst.idx.msk $0xffff, v59;
	v63 =	vadd.f32 v56, v52  }
0x101: {  	s17 =	sshll.u32 s17, $0xC;
	s25 =	rddreg [dreg:$0x1];
	[tilespmem:v54+s1+$0x0] =	vst.idx.msk $0xffff, v61  }
0x102: {  	s26 =	simm.s32 $0x10200;
	s25 =	sadd.s32 s25, s17;
	[tilespmem:v60+s1+$0x0] =	vst.idx.msk $0xffff, v63  }
0x103: {  	[hbm4b:s25+s3] =	stream.linear.scatter [tilespmem:s26], [sflag:$0x9], $0x80, $0x38;
	[tilespmem:$0x18A00] =	vst v63  }
0x104: {  	s4 =	simm.s32 $0x10288;
	s10 =	sadd.s32 $0x10, s25  }
0x105: {  	[hbm4b:s10+s3] =	stream.linear.scatter [tilespmem:s4], [sflag:$0x9], $0x80, $0x38;
	[tilespmem:$0x18A00] =	vst v63  }
0x106: {  	s21 =	simm.s32 $0x10310;
	s26 =	sadd.s32 $0x20, s25  }
0x107: {  	[hbm4b:s26+s3] =	stream.linear.scatter [tilespmem:s21], [sflag:$0x9], $0x80, $0x38;
	[tilespmem:$0x18A00] =	vst v63  }
0x108: {  	s4 =	simm.s32 $0x10398;
	s10 =	sadd.s32 $0x30, s25  }
0x109: {  	[hbm4b:s10+s3] =	stream.linear.scatter [tilespmem:s4], [sflag:$0x9], $0x80, $0x38;
	[tilespmem:$0x18A00] =	vst v63  }
0x10a: {  	s21 =	simm.s32 $0x10420;
	s26 =	sadd.s32 $0x40, s25  }
0x10b: {  	[hbm4b:s26+s3] =	stream.linear.scatter [tilespmem:s21], [sflag:$0x9], $0x80, $0x38;
	[tilespmem:$0x18A00] =	vst v63  }
0x10c: {  	s31 =	simm.s32 $0x105B8;
	s4 =	simm.s32 $0x104A8;
	s10 =	sadd.s32 $0x50, s25  }
0x10d: {  	[hbm4b:s10+s3] =	stream.linear.scatter [tilespmem:s4], [sflag:$0x9], $0x80, $0x38;
	[tilespmem:$0x18A00] =	vst v63  }
0x10e: {  	s2 =	simm.s32 $0x440;
	s21 =	simm.s32 $0x10530;
	s26 =	sadd.s32 $0x60, s25  }
0x10f: {  	[hbm4b:s26+s3] =	stream.linear.scatter [tilespmem:s21], [sflag:$0x9], $0x80, $0x38;
	[tilespmem:$0x18A00] =	vst v63  }
0x110: {  	s26 =	simm.s32 $0x2200;
	s21 =	sadd.s32 $0x70, s25;
	s25 =	sadd.s32 $0x200, s25  }
.LBB2_5:
0x111: {  	[hbm4b:s21+s3] =	stream.linear.scatter [tilespmem:s31], [sflag:$0x9], $0x80, $0x38;
	[tilespmem:$0x18A00] =	vst v63  }
0x112: {  	s21 =	smov.u32 s2;
	s2 =	smov.u32 s26  }
0x113: {  	s4 =	sadd.s32 $0x1100, s26;
	s2 =	sshra.s32 s2, $0x2;
	s31 =	sadd.s32 $0x10200, s21  }
0x114: {  	[hbm4b:s25+s3] =	stream.linear.scatter [tilespmem:s31], [sflag:$0x9], $0x80, $0x38;
	[tilespmem:$0x18A00] =	vst v63  }
0x115: {  	p0 =	sne.s32 s26, $0x7700;
	s26 =	sadd.s32 $0x10288, s21;
	s31 =	sadd.s32 $0x10, s25  }
0x116: {  	[hbm4b:s31+s3] =	stream.linear.scatter [tilespmem:s26], [sflag:$0x9], $0x80, $0x38;
	[tilespmem:$0x18A00] =	vst v63  }
0x117: {  	s26 =	sadd.s32 $0x10310, s21;
	s31 =	sadd.s32 $0x20, s25  }
0x118: {  	[hbm4b:s31+s3] =	stream.linear.scatter [tilespmem:s26], [sflag:$0x9], $0x80, $0x38;
	[tilespmem:$0x18A00] =	vst v63  }
0x119: {  	s26 =	sadd.s32 $0x10398, s21;
	s31 =	sadd.s32 $0x30, s25  }
0x11a: {  	[hbm4b:s31+s3] =	stream.linear.scatter [tilespmem:s26], [sflag:$0x9], $0x80, $0x38;
	[tilespmem:$0x18A00] =	vst v63  }
0x11b: {  	s26 =	sadd.s32 $0x10420, s21;
	s31 =	sadd.s32 $0x40, s25  }
0x11c: {  	[hbm4b:s31+s3] =	stream.linear.scatter [tilespmem:s26], [sflag:$0x9], $0x80, $0x38;
	[tilespmem:$0x18A00] =	vst v63  }
0x11d: {  	s26 =	sadd.s32 $0x104A8, s21;
	s31 =	sadd.s32 $0x50, s25  }
0x11e: {  	[hbm4b:s31+s3] =	stream.linear.scatter [tilespmem:s26], [sflag:$0x9], $0x80, $0x38;
	[tilespmem:$0x18A00] =	vst v63  }
.Ltmp1:
0x11f: {  	_ = 	snop;
	(pc) =	sbr.rel @p0 .LBB2_5-.Ltmp1, $4  }
0x120: {  	s26 =	sadd.s32 $0x10530, s21;
	s31 =	sadd.s32 $0x60, s25  }
0x121: {  	[hbm4b:s31+s3] =	stream.linear.scatter [tilespmem:s26], [sflag:$0x9], $0x80, $0x38;
	[tilespmem:$0x18A00] =	vst v63  }
0x122: {  	s31 =	sadd.s32 $0x105B8, s21  }
0x123: {  	s21 =	sadd.s32 $0x70, s25;
	s25 =	sadd.s32 $0x200, s25;
	s26 =	smov.u32 s4  }
0x124: {  	[hbm4b:s21+s3] =	stream.linear.scatter [tilespmem:s31], [sflag:$0x9], $0x80, $0x38;
	[tilespmem:$0x18A00] =	vst v63  }
0x125: {  	s4 =	sadd.s32 $0x10200, s2  }
0x126: {  	[hbm4b:s25+s3] =	stream.linear.scatter [tilespmem:s4], [sflag:$0x9], $0x80, $0x38;
	[tilespmem:$0x18A00] =	vst v63  }
0x127: {  	s26 =	sadd.s32 $0x10288, s2;
	s10 =	sadd.s32 $0x10, s25  }
0x128: {  	[hbm4b:s10+s3] =	stream.linear.scatter [tilespmem:s26], [sflag:$0x9], $0x80, $0x38;
	[tilespmem:$0x18A00] =	vst v63  }
0x129: {  	s26 =	sadd.s32 $0x10310, s2;
	s10 =	sadd.s32 $0x20, s25  }
0x12a: {  	[hbm4b:s10+s3] =	stream.linear.scatter [tilespmem:s26], [sflag:$0x9], $0x80, $0x38;
	[tilespmem:$0x18A00] =	vst v63  }
0x12b: {  	s26 =	sadd.s32 $0x10398, s2;
	s10 =	sadd.s32 $0x30, s25  }
0x12c: {  	[hbm4b:s10+s3] =	stream.linear.scatter [tilespmem:s26], [sflag:$0x9], $0x80, $0x38;
	[tilespmem:$0x18A00] =	vst v63  }
0x12d: {  	s26 =	sadd.s32 $0x10420, s2;
	s10 =	sadd.s32 $0x40, s25  }
0x12e: {  	[hbm4b:s10+s3] =	stream.linear.scatter [tilespmem:s26], [sflag:$0x9], $0x80, $0x38;
	[tilespmem:$0x18A00] =	vst v63  }
0x12f: {  	s26 =	sadd.s32 $0x104A8, s2;
	s10 =	sadd.s32 $0x50, s25  }
0x130: {  	[hbm4b:s10+s3] =	stream.linear.scatter [tilespmem:s26], [sflag:$0x9], $0x80, $0x38;
	[tilespmem:$0x18A00] =	vst v63  }
0x131: {  	s26 =	sadd.s32 $0x10530, s2;
	s10 =	sadd.s32 $0x60, s25  }
0x132: {  	[hbm4b:s10+s3] =	stream.linear.scatter [tilespmem:s26], [sflag:$0x9], $0x80, $0x38;
	[tilespmem:$0x18A00] =	vst v63  }
0x133: {  	s21 =	sadd.s32 $0x105B8, s2;
	p0 =	sgt.u32 s9, $0x7E;
	s25 =	sadd.s32 $0x70, s25  }
0x134: {  	[hbm4b:s25+s3] =	stream.linear.scatter [tilespmem:s21], [sflag:$0x9], $0x80, $0x38;
	[tilespmem:$0x18A00] =	vst v63  }
0x135: {  	p1 =	seq.s32 @!p0 s9, $0x0;
	s4 =	simm.s32 @!p0 $0x0;
	_ =	swait.ge [sflag:s0], $0x2000  }
0x136: {  	p1 =	por p0, !p1;
	[sflag:s0] =	ssyncset.done $0x0;
	s2 =	rddreg [dreg:$0x8]  }
0x137: {  	s21 =	simm.s32 @!p0 $0x8000;
	[sflag:s0] =	ssyncadd.s32 $0xFFFFE000;
	s2 =	sadd.s32 @!p0 s18, s2  }
0x138: {  	[tilespmem:s21], [sflag:$0x1] =	stream.linear.gather @!p0 [hbm4b:s2+s4], $0x80, $0x38;
	[tilespmem:$0x18A00] =	vst v63  }
0x139: {  	_ =	swait.ge @p1 [sflag:s22], $0x2000  }
0x13a: {  	[sflag:s22] =	ssyncset.done @p1 $0x0  }
0x13b: {  	[sflag:s22] =	ssyncadd.s32 @p1 $0xFFFFE000  }
0x13c: {  	_ =	swait.ge [sflag:s24], $0x80  }
0x13d: {  	s26 =	simm.s32 $0x7;
	[sflag:s24] =	ssyncset.done $0x0  }
0x13e: {  	s10 =	simm.s32 $0xE200;
	v33 =	vmov s26;
	s25 =	simm.s32 $0xA300;
	[sflag:s24] =	ssyncadd.s32 $0xFFFFFF80  }
0x13f: {  	v33 =	vshrl.u32 v33, $0x3;
	[tilespmem:s10], [sflag:$0x8] =	stream.indirect.gather [hbm4b:s5+s23], $0x40, s29, s23, $0xb8;
	[tilespmem:$0x18A00] =	vst v63  }
0x140: {  	v33 =	vshll.u32 v33, v1;
	s2 =	simm.s32 $0x21F0;
	v35 =	vld [tilespmem:s25+$0xC0]  }
0x141: {  	v34 =	vbroadcast v33, $0x0;
	v36 =	vld [tilespmem:s2+$0xFFFFFFD0]  }
0x142: {  	v37 =	vld [tilespmem:s25+$0xFFFFFF00]  }
0x143: {  	v33 =	vadd.s32 v29, v34;
	v38 =	vld [tilespmem:s2+$0xFFFFFE10]  }
0x144: {  	v39 =	vld [tilespmem:s25+$0xFFFFFF40]  }
0x145: {  	v40 =	vld [tilespmem:s2+$0xFFFFFE50]  }
0x146: {  	s26 =	simm.s32 $0x2;
	v41 =	vld [tilespmem:s25+$0xFFFFFF80];
	v35 =	vadd.f32 v36, v35  }
0x147: {  	v57 =	vmov s26;
	s21 =	simm.s32 $0x1;
	s10 =	simm.s32 $0x3;
	v42 =	vld [tilespmem:s2+$0xFFFFFE90]  }
0x148: {  	v56 =	vmov s21;
	s21 =	simm.s32 $0x4;
	v43 =	vld [tilespmem:s25+$0xFFFFFFC0];
	v48 =	vmov s10;
	[tilespmem:v33+s19+$0x0] =	vst.idx.msk $0xffff, v35  }
0x149: {  	v47 =	vadd.s32 v30, v34;
	v53 =	vmov s21;
	v48 =	vshrl.u32 v48, $0x3;
	v44 =	vld [tilespmem:s25+$0xD0]  }
0x14a: {  	v58 =	vshrl.u32 v53, $0x3;
	v48 =	vshll.u32 v48, v1;
	v33 =	vshrl.u32 v56, $0x3;
	v45 =	vld [tilespmem:s2+$0xFFFFFFE0]  }
0x14b: {  	v46 =	vld [tilespmem:s2+$0xFFFFFED0];
	v48 =	vbroadcast v48, $0x0;
	v35 =	vshrl.u32 v57, $0x3;
	v33 =	vshll.u32 v33, v1  }
0x14c: {  	v59 =	vshll.u32 v58, v1;
	v49 =	vld [tilespmem:s2+$0xFFFFFF10];
	v35 =	vshll.u32 v35, v1;
	v36 =	vbroadcast v33, $0x0  }
0x14d: {  	v52 =	vld [tilespmem:s25+$0x40];
	v41 =	vadd.f32 v42, v41;
	v42 =	vadd.s32 v13, v48;
	v35 =	vbroadcast v35, $0x0  }
0x14e: {  	v39 =	vadd.f32 v40, v39;
	v40 =	vbroadcast v59, $0x0;
	v33 =	vld [tilespmem:s25+$0x0];
	v50 =	vadd.s32 v5, v36  }
0x14f: {  	v54 =	vld [tilespmem:s2+$0xFFFFFF50];
	v51 =	vadd.s32 v9, v35;
	v44 =	vadd.f32 v45, v44  }
0x150: {  	v53 =	vld [tilespmem:s25+$0x80];
	v43 =	vadd.f32 v46, v43;
	v63 =	vadd.s32 v17, v40  }
0x151: {  	s21 =	simm.s32 $0x0;
	v45 =	vld [tilespmem:s2+$0xFFFFFF90];
	[tilespmem:v47+s19+$0x0] =	vst.idx.msk $0xffff, v44  }
0x152: {  	s26 =	simm.s32 $0x5;
	v56 =	vmov s21;
	[tilespmem:v42+s19+$0x0] =	vst.idx.msk $0xffff, v43;
	v44 =	vld [tilespmem:s25+$0xE0]  }
0x153: {  	v60 =	vmov s26;
	v56 =	vshrl.u32 v56, $0x3;
	v33 =	vadd.f32 v49, v33;
	[tilespmem:v50+s19+$0x0] =	vst.idx.msk $0xffff, v39;
	v61 =	vld [tilespmem:s2+$0xFFFFFFF0]  }
0x154: {  	v47 =	vshrl.u32 v60, $0x3;
	v60 =	vshll.u32 v56, v1;
	[tilespmem:v51+s19+$0x0] =	vst.idx.msk $0xffff, v41;
	v41 =	vld [tilespmem:s2+$0xFFFFFEE0]  }
0x155: {  	v55 =	vadd.s32 v31, v34;
	v47 =	vshll.u32 v47, v1;
	[tilespmem:v63+s19+$0x0] =	vst.idx.msk $0xffff, v33;
	v33 =	vbroadcast v60, $0x0;
	v51 =	vld [tilespmem:s25+$0xFFFFFF50]  }
0x156: {  	s10 =	simm.s32 $0x6;
	v46 =	vld [tilespmem:s2+$0xFFFFFE60];
	v47 =	vbroadcast v47, $0x0  }
0x157: {  	v62 =	vmov s10;
	v57 =	vld [tilespmem:s25+$0xFFFFFF90];
	v63 =	vadd.s32 v0, v33  }
0x158: {  	v50 =	vshrl.u32 v62, $0x3;
	v42 =	vld [tilespmem:s2+$0xFFFFFEA0];
	v43 =	vadd.s32 v21, v47;
	v39 =	vadd.f32 v61, v44  }
0x159: {  	v50 =	vshll.u32 v50, v1;
	v56 =	vld [tilespmem:s25+$0x10]  }
0x15a: {  	v37 =	vadd.f32 v38, v37;
	v49 =	vbroadcast v50, $0x0;
	v50 =	vld [tilespmem:s25+$0xFFFFFFD0];
	[tilespmem:v55+s19+$0x0] =	vst.idx.msk $0xffff, v39  }
0x15b: {  	v62 =	vadd.f32 v54, v52;
	v52 =	vld [tilespmem:s25+$0xF0]  }
0x15c: {  	v60 =	vadd.s32 v10, v35;
	[tilespmem:v63+s19+$0x0] =	vst.idx.msk $0xffff, v37;
	v55 =	vld [tilespmem:s2+$0x0]  }
0x15d: {  	v61 =	vadd.s32 v25, v49;
	[tilespmem:v43+s19+$0x0] =	vst.idx.msk $0xffff, v62;
	v43 =	vld [tilespmem:s2+$0xFFFFFF20]  }
0x15e: {  	v54 =	vld [tilespmem:s25+$0xFFFFFF10]  }
0x15f: {  	v59 =	vadd.s32 v6, v36;
	v63 =	vadd.f32 v42, v57;
	v42 =	vld [tilespmem:s2+$0xFFFFFE20]  }
0x160: {  	v58 =	vadd.f32 v45, v53;
	v53 =	vld [tilespmem:s25+$0x50]  }
0x161: {  	v62 =	vadd.s32 v14, v48;
	v38 =	vld [tilespmem:s2+$0xFFFFFF60];
	[tilespmem:v60+s19+$0x0] =	vst.idx.msk $0xffff, v63  }
0x162: {  	v60 =	vadd.f32 v41, v50;
	[tilespmem:v61+s19+$0x0] =	vst.idx.msk $0xffff, v58;
	v61 =	vadd.f32 v46, v51;
	v50 =	vld [tilespmem:s25+$0xFFFFFFA0]  }
0x163: {  	v44 =	vld [tilespmem:s25+$0x90]  }
0x164: {  	v45 =	vadd.s32 v18, v40;
	v46 =	vld [tilespmem:s2+$0xFFFFFFA0];
	[tilespmem:v59+s19+$0x0] =	vst.idx.msk $0xffff, v61  }
0x165: {  	v57 =	vld [tilespmem:s25+$0xFFFFFF60]  }
0x166: {  	v61 =	vadd.s32 v22, v47;
	v39 =	vld [tilespmem:s2+$0xFFFFFE70]  }
0x167: {  	[tilespmem:v62+s19+$0x0] =	vst.idx.msk $0xffff, v60;
	v62 =	vadd.f32 v43, v56;
	v43 =	vld [tilespmem:s2+$0xFFFFFEB0]  }
0x168: {  	v59 =	vadd.s32 v2, v33;
	v56 =	vld [tilespmem:s25+$0xFFFFFFE0]  }
0x169: {  	v58 =	vadd.f32 v38, v53;
	v38 =	vld [tilespmem:s2+$0xFFFFFEF0];
	[tilespmem:v45+s19+$0x0] =	vst.idx.msk $0xffff, v62  }
0x16a: {  	v63 =	vadd.s32 v26, v49;
	v53 =	vld [tilespmem:s25+$0x20]  }
0x16b: {  	v42 =	vadd.f32 v42, v54;
	v41 =	vld [tilespmem:s2+$0xFFFFFF30];
	[tilespmem:v61+s19+$0x0] =	vst.idx.msk $0xffff, v58  }
0x16c: {  	v62 =	vadd.s32 v11, v35;
	v60 =	vadd.f32 v46, v44;
	v46 =	vld [tilespmem:s25+$0x60]  }
0x16d: {  	v61 =	vadd.s32 v7, v36;
	[tilespmem:v59+s19+$0x0] =	vst.idx.msk $0xffff, v42;
	v37 =	vld [tilespmem:s2+$0xFFFFFF70]  }
0x16e: {  	v39 =	vadd.f32 v39, v57;
	v57 =	vld [tilespmem:s25+$0xFFFFFF20]  }
0x16f: {  	[tilespmem:v63+s19+$0x0] =	vst.idx.msk $0xffff, v60;
	v60 =	vadd.f32 v43, v50;
	v43 =	vld [tilespmem:s2+$0xFFFFFE30]  }
0x170: {  	v63 =	vadd.s32 v15, v48;
	v54 =	vld [tilespmem:s25+$0xA0]  }
0x171: {  	v42 =	vld [tilespmem:s2+$0xFFFFFFB0];
	[tilespmem:v62+s19+$0x0] =	vst.idx.msk $0xffff, v60  }
0x172: {  	v38 =	vadd.f32 v38, v56;
	v56 =	vld [tilespmem:s25+$0xFFFFFFB0];
	[tilespmem:v61+s19+$0x0] =	vst.idx.msk $0xffff, v39;
	v61 =	vadd.s32 v19, v40  }
0x173: {  	v50 =	vld [tilespmem:s25+$0xFFFFFF70]  }
0x174: {  	v62 =	vadd.s32 v23, v47;
	v39 =	vld [tilespmem:s2+$0xFFFFFE80]  }
0x175: {  	v34 =	vadd.s32 v32, v34;
	[tilespmem:v63+s19+$0x0] =	vst.idx.msk $0xffff, v38;
	v63 =	vadd.f32 v41, v53;
	v41 =	vld [tilespmem:s2+$0xFFFFFEC0]  }
0x176: {  	v58 =	vadd.s32 v27, v49;
	v53 =	vld [tilespmem:s25+$0xFFFFFFF0]  }
0x177: {  	v37 =	vadd.f32 v37, v46;
	v38 =	vadd.s32 v3, v33;
	v44 =	vld [tilespmem:s2+$0xFFFFFF00];
	[tilespmem:v61+s19+$0x0] =	vst.idx.msk $0xffff, v63  }
0x178: {  	v59 =	vadd.f32 v55, v52;
	v36 =	vadd.s32 v8, v36;
	v52 =	vld [tilespmem:s25+$0x30]  }
0x179: {  	v60 =	vadd.f32 v42, v54;
	[tilespmem:v62+s19+$0x0] =	vst.idx.msk $0xffff, v37;
	v61 =	vadd.s32 v12, v35;
	v62 =	vld [tilespmem:s2+$0xFFFFFF40]  }
0x17a: {  	[tilespmem:v34+s19+$0x0] =	vst.idx.msk $0xffff, v59;
	v54 =	vadd.s32 v16, v48;
	v55 =	vld [tilespmem:s25+$0x70];
	v63 =	vadd.f32 v43, v57  }
0x17b: {  	v40 =	vadd.s32 v20, v40;
	[tilespmem:v58+s19+$0x0] =	vst.idx.msk $0xffff, v60;
	v58 =	vld [tilespmem:s2+$0xFFFFFF80];
	v57 =	vadd.f32 v39, v50  }
0x17c: {  	v35 =	vld [tilespmem:s25+$0xB0];
	v59 =	vadd.f32 v41, v56;
	[tilespmem:v38+s19+$0x0] =	vst.idx.msk $0xffff, v63  }
0x17d: {  	s26 =	simm.s32 $0xF;
	v37 =	vld [tilespmem:s2+$0xFFFFFFC0];
	v39 =	vadd.s32 v24, v47;
	v60 =	vadd.f32 v44, v53;
	[tilespmem:v36+s19+$0x0] =	vst.idx.msk $0xffff, v57  }
0x17e: {  	v34 =	vld [tilespmem:s25+$0xFFFFFF30];
	[tilespmem:v61+s19+$0x0] =	vst.idx.msk $0xffff, v59;
	v61 =	vmov s26;
	v62 =	vadd.f32 v62, v52  }
0x17f: {  	s31 =	simm.s32 $0x8;
	v38 =	vadd.s32 v28, v49;
	v36 =	vld [tilespmem:s2+$0xFFFFFE40];
	s25 =	simm.s32 $0xA500;
	[tilespmem:v54+s19+$0x0] =	vst.idx.msk $0xffff, v60;
	v63 =	vshrl.u32 v61, $0x3  }
0x180: {  	v46 =	vmov s31;
	s2 =	simm.s32 $0x23F0;
	v42 =	vld [tilespmem:s25+$0xC0];
	s26 =	simm.s32 $0x10;
	v41 =	vshll.u32 v63, v1;
	[tilespmem:v40+s19+$0x0] =	vst.idx.msk $0xffff, v62;
	v40 =	vadd.f32 v58, v55  }
.LBB2_7:
0x181: {  	p1 =	slt.u32 s26, $0x78;
	v43 =	vshrl.u32 v46, $0x3;
	s4 =	sadd.s32 $0x1, s31;
	v44 =	vld [tilespmem:s2+$0xFFFFFFD0];
	v41 =	vbroadcast v41, $0x0;
	v45 =	vadd.s32 v4, v33  }
0x182: {  	v46 =	vld [tilespmem:s25+$0xFFFFFF00];
	v33 =	vshll.u32 v43, v1;
	v43 =	vmov s4;
	[tilespmem:v39+s19+$0x0] =	vst.idx.msk $0xffff, v40;
	v35 =	vadd.f32 v37, v35  }
0x183: {  	s4 =	sadd.s32 $0x2, s31;
	v37 =	vld [tilespmem:s2+$0xFFFFFE10];
	v33 =	vbroadcast v33, $0x0;
	v39 =	vshrl.u32 v43, $0x3;
	v40 =	vadd.s32 v29, v41  }
0x184: {  	v47 =	vmov s4;
	v43 =	vld [tilespmem:s25+$0xFFFFFF40];
	v39 =	vshll.u32 v39, v1;
	v36 =	vadd.f32 v36, v34;
	[tilespmem:v38+s19+$0x0] =	vst.idx.msk $0xffff, v35  }
0x185: {  	v35 =	vshrl.u32 v47, $0x3;
	v38 =	vadd.s32 v0, v33;
	v48 =	vld [tilespmem:s2+$0xFFFFFE50];
	v34 =	vbroadcast v39, $0x0  }
0x186: {  	v35 =	vshll.u32 v35, v1;
	v39 =	vld [tilespmem:s25+$0xFFFFFF80];
	v42 =	vadd.f32 v44, v42;
	[tilespmem:v45+s19+$0x0] =	vst.idx.msk $0xffff, v36  }
0x187: {  	s4 =	sadd.s32 $0x3, s31;
	v35 =	vbroadcast v35, $0x0;
	v44 =	vadd.s32 v5, v34;
	v45 =	vld [tilespmem:s2+$0xFFFFFE90]  }
0x188: {  	v36 =	vadd.f32 v37, v46;
	v37 =	vmov s4;
	v46 =	vld [tilespmem:s25+$0xFFFFFFC0];
	s4 =	sadd.s32 $0x4, s31;
	[tilespmem:v40+s19+$0x0] =	vst.idx.msk $0xffff, v42  }
0x189: {  	v40 =	vadd.s32 v9, v35;
	v37 =	vshrl.u32 v37, $0x3;
	v42 =	vmov s4;
	v47 =	vld [tilespmem:s25+$0xD0]  }
0x18a: {  	s4 =	sadd.s32 $0x5, s31;
	[tilespmem:v38+s19+$0x0] =	vst.idx.msk $0xffff, v36;
	v38 =	vadd.f32 v48, v43;
	v36 =	vshll.u32 v37, v1;
	v37 =	vshrl.u32 v42, $0x3;
	v42 =	vld [tilespmem:s2+$0xFFFFFFE0]  }
0x18b: {  	v48 =	vmov s4;
	s4 =	sadd.s32 $0x6, s31;
	s31 =	smov.u32 s26;
	v43 =	vld [tilespmem:s2+$0xFFFFFED0];
	v36 =	vbroadcast v36, $0x0;
	v37 =	vshll.u32 v37, v1  }
0x18c: {  	[tilespmem:v44+s19+$0x0] =	vst.idx.msk $0xffff, v38;
	v38 =	vadd.f32 v45, v39;
	v44 =	vld [tilespmem:s25+$0x0];
	v39 =	vmov s4;
	v45 =	vadd.s32 v30, v41  }
0x18d: {  	v48 =	vshrl.u32 v48, $0x3;
	v37 =	vbroadcast v37, $0x0;
	v49 =	vadd.s32 v13, v36;
	v50 =	vld [tilespmem:s2+$0xFFFFFF10]  }
0x18e: {  	[tilespmem:v40+s19+$0x0] =	vst.idx.msk $0xffff, v38;
	v40 =	vld [tilespmem:s25+$0x40];
	v38 =	vshll.u32 v48, v1;
	v48 =	vshrl.u32 v39, $0x3  }
0x18f: {  	v51 =	vadd.s32 v17, v37;
	v52 =	vld [tilespmem:s2+$0xFFFFFF50];
	v39 =	vbroadcast v38, $0x0;
	v42 =	vadd.f32 v42, v47  }
0x190: {  	v38 =	vshll.u32 v48, v1;
	v43 =	vadd.f32 v43, v46;
	v46 =	vld [tilespmem:s25+$0x80]  }
0x191: {  	v38 =	vbroadcast v38, $0x0;
	v47 =	vadd.s32 v21, v39;
	v48 =	vld [tilespmem:s2+$0xFFFFFF90];
	[tilespmem:v45+s19+$0x0] =	vst.idx.msk $0xffff, v42  }
0x192: {  	[tilespmem:v49+s19+$0x0] =	vst.idx.msk $0xffff, v43;
	v42 =	vadd.f32 v50, v44;
	v43 =	vld [tilespmem:s25+$0xE0]  }
0x193: {  	v44 =	vadd.s32 v25, v38;
	v45 =	vld [tilespmem:s2+$0xFFFFFFF0]  }
0x194: {  	v49 =	vld [tilespmem:s25+$0xFFFFFF50];
	[tilespmem:v51+s19+$0x0] =	vst.idx.msk $0xffff, v42;
	v40 =	vadd.f32 v52, v40  }
0x195: {  	v50 =	vadd.s32 v31, v41;
	v42 =	vld [tilespmem:s2+$0xFFFFFE60]  }
0x196: {  	v51 =	vld [tilespmem:s25+$0xFFFFFF90];
	[tilespmem:v47+s19+$0x0] =	vst.idx.msk $0xffff, v40;
	v40 =	vadd.f32 v48, v46  }
0x197: {  	v46 =	vadd.s32 v6, v34;
	v47 =	vld [tilespmem:s2+$0xFFFFFEA0]  }
0x198: {  	v48 =	vld [tilespmem:s25+$0xFFFFFFD0];
	[tilespmem:v44+s19+$0x0] =	vst.idx.msk $0xffff, v40;
	v40 =	vadd.f32 v45, v43  }
0x199: {  	v43 =	vadd.s32 v10, v35;
	v44 =	vld [tilespmem:s2+$0xFFFFFEE0]  }
0x19a: {  	v42 =	vadd.f32 v42, v49;
	v45 =	vld [tilespmem:s25+$0x10];
	[tilespmem:v50+s19+$0x0] =	vst.idx.msk $0xffff, v40  }
0x19b: {  	v40 =	vadd.s32 v14, v36;
	v49 =	vld [tilespmem:s25+$0xF0]  }
0x19c: {  	[tilespmem:v46+s19+$0x0] =	vst.idx.msk $0xffff, v42;
	v42 =	vadd.f32 v47, v51;
	v46 =	vld [tilespmem:s2+$0x0]  }
0x19d: {  	v47 =	vld [tilespmem:s2+$0xFFFFFF20]  }
0x19e: {  	v41 =	vadd.s32 v32, v41;
	[tilespmem:v43+s19+$0x0] =	vst.idx.msk $0xffff, v42;
	v42 =	vadd.f32 v44, v48;
	v43 =	vld [tilespmem:s25+$0x50]  }
0x19f: {  	v44 =	vadd.s32 v18, v37;
	v48 =	vld [tilespmem:s2+$0xFFFFFF60]  }
0x1a0: {  	[tilespmem:v40+s19+$0x0] =	vst.idx.msk $0xffff, v42;
	v40 =	vld [tilespmem:s25+$0x90]  }
0x1a1: {  	v42 =	vadd.s32 v22, v39;
	v50 =	vld [tilespmem:s2+$0xFFFFFFA0];
	v46 =	vadd.f32 v46, v49  }
0x1a2: {  	v49 =	vld [tilespmem:s25+$0xFFFFFF10];
	v45 =	vadd.f32 v47, v45  }
0x1a3: {  	v51 =	vadd.s32 v26, v38;
	v47 =	vld [tilespmem:s2+$0xFFFFFE20];
	[tilespmem:v41+s19+$0x0] =	vst.idx.msk $0xffff, v46  }
0x1a4: {  	v41 =	vld [tilespmem:s25+$0xFFFFFF60];
	[tilespmem:v44+s19+$0x0] =	vst.idx.msk $0xffff, v45;
	v43 =	vadd.f32 v48, v43  }
0x1a5: {  	v44 =	vadd.s32 v2, v33;
	v45 =	vld [tilespmem:s2+$0xFFFFFE70]  }
0x1a6: {  	v46 =	vld [tilespmem:s25+$0xFFFFFFA0];
	[tilespmem:v42+s19+$0x0] =	vst.idx.msk $0xffff, v43;
	v40 =	vadd.f32 v50, v40  }
0x1a7: {  	v42 =	vadd.s32 v7, v34;
	v43 =	vld [tilespmem:s2+$0xFFFFFEB0]  }
0x1a8: {  	v47 =	vadd.f32 v47, v49;
	v48 =	vld [tilespmem:s25+$0xFFFFFFE0];
	[tilespmem:v51+s19+$0x0] =	vst.idx.msk $0xffff, v40  }
0x1a9: {  	v40 =	vadd.s32 v11, v35;
	v49 =	vld [tilespmem:s2+$0xFFFFFEF0]  }
0x1aa: {  	[tilespmem:v44+s19+$0x0] =	vst.idx.msk $0xffff, v47;
	v41 =	vadd.f32 v45, v41;
	v44 =	vld [tilespmem:s25+$0x20]  }
0x1ab: {  	v45 =	vadd.s32 v15, v36;
	v47 =	vld [tilespmem:s2+$0xFFFFFF30]  }
0x1ac: {  	[tilespmem:v42+s19+$0x0] =	vst.idx.msk $0xffff, v41;
	v41 =	vadd.f32 v43, v46;
	v42 =	vld [tilespmem:s25+$0x60]  }
0x1ad: {  	v43 =	vadd.s32 v19, v37;
	v46 =	vld [tilespmem:s2+$0xFFFFFF70]  }
0x1ae: {  	[tilespmem:v40+s19+$0x0] =	vst.idx.msk $0xffff, v41;
	v40 =	vadd.f32 v49, v48;
	v41 =	vld [tilespmem:s25+$0xA0]  }
0x1af: {  	v48 =	vadd.s32 v23, v39;
	v49 =	vld [tilespmem:s2+$0xFFFFFFB0]  }
0x1b0: {  	v50 =	vld [tilespmem:s25+$0xFFFFFF20];
	[tilespmem:v45+s19+$0x0] =	vst.idx.msk $0xffff, v40;
	v40 =	vadd.f32 v47, v44  }
0x1b1: {  	v45 =	vadd.s32 v27, v38;
	v44 =	vld [tilespmem:s2+$0xFFFFFE30]  }
0x1b2: {  	v47 =	vld [tilespmem:s25+$0xFFFFFF70];
	[tilespmem:v43+s19+$0x0] =	vst.idx.msk $0xffff, v40;
	v40 =	vadd.f32 v46, v42  }
0x1b3: {  	v42 =	vadd.s32 v3, v33;
	v43 =	vld [tilespmem:s2+$0xFFFFFE80]  }
0x1b4: {  	v46 =	vld [tilespmem:s25+$0xFFFFFFB0];
	[tilespmem:v48+s19+$0x0] =	vst.idx.msk $0xffff, v40;
	v40 =	vadd.f32 v49, v41  }
0x1b5: {  	v34 =	vadd.s32 v8, v34;
	v41 =	vld [tilespmem:s2+$0xFFFFFEC0]  }
0x1b6: {  	v44 =	vadd.f32 v44, v50;
	v48 =	vld [tilespmem:s25+$0xFFFFFFF0];
	[tilespmem:v45+s19+$0x0] =	vst.idx.msk $0xffff, v40  }
0x1b7: {  	v35 =	vadd.s32 v12, v35;
	v40 =	vld [tilespmem:s2+$0xFFFFFF00]  }
0x1b8: {  	[tilespmem:v42+s19+$0x0] =	vst.idx.msk $0xffff, v44;
	v42 =	vadd.f32 v43, v47;
	v43 =	vld [tilespmem:s25+$0x30]  }
0x1b9: {  	v36 =	vadd.s32 v16, v36;
	v44 =	vld [tilespmem:s2+$0xFFFFFF40]  }
0x1ba: {  	[tilespmem:v34+s19+$0x0] =	vst.idx.msk $0xffff, v42;
	v34 =	vadd.f32 v41, v46;
	v45 =	vld [tilespmem:s25+$0x70]  }
0x1bb: {  	v47 =	vadd.s32 v20, v37;
	v49 =	vld [tilespmem:s2+$0xFFFFFF80]  }
.Ltmp2:
0x1bc: {  	[tilespmem:v35+s19+$0x0] =	vst.idx.msk $0xffff, v34;
	v40 =	vadd.f32 v40, v48;
	v35 =	vld [tilespmem:s25+$0xB0];
	(pc) =	sbr.rel @p1 .LBB2_7-.Ltmp2, $4  }
0x1bd: {  	s4 =	sadd.s32 $0x7, s26;
	v39 =	vadd.s32 v24, v39;
	v37 =	vld [tilespmem:s2+$0xFFFFFFC0]  }
0x1be: {  	v41 =	vmov s4;
	v34 =	vld [tilespmem:s25+$0xFFFFFF30];
	[tilespmem:v36+s19+$0x0] =	vst.idx.msk $0xffff, v40;
	v40 =	vadd.f32 v44, v43  }
0x1bf: {  	v38 =	vadd.s32 v28, v38;
	v41 =	vshrl.u32 v41, $0x3;
	s25 =	sadd.s32 $0x200, s25;
	v36 =	vld [tilespmem:s2+$0xFFFFFE40]  }
0x1c0: {  	s26 =	sadd.s32 $0x8, s26;
	v46 =	vmov s31;
	v41 =	vshll.u32 v41, v1;
	s2 =	sadd.s32 $0x200, s2;
	v42 =	vld [tilespmem:s25+$0xC0];
	[tilespmem:v47+s19+$0x0] =	vst.idx.msk $0xffff, v40;
	v40 =	vadd.f32 v49, v45  }
0x1c1: {  	v44 =	vld [tilespmem:s25+$0xFFFFFF00];
	_ =	sdelay $0x4  }
0x1c2: {  	v43 =	vld [tilespmem:s2+$0xFFFFFFD0];
	v41 =	vbroadcast v41, $0x0;
	[tilespmem:$0x1FF80] =	vst v44  }
0x1c3: {  	v44 =	vld [tilespmem:s2+$0xFFFFFE10]  }
0x1c4: {  	v61 =	vadd.s32 v29, v41;
	_ =	sdelay $0x2  }
0x1c5: {  	v42 =	vadd.f32 v43, v42  }
0x1c6: {  	[tilespmem:$0x1FF90] =	vst v44  }
0x1c7: {  	s4 =	sadd.s32 $0x1, s31;
	v45 =	vld [tilespmem:s25+$0xFFFFFF40];
	[tilespmem:v61+s19+$0x0] =	vst.idx.msk $0xffff, v42  }
0x1c8: {  	v62 =	vmov s4;
	v44 =	vld [tilespmem:s25+$0xD0]  }
0x1c9: {  	v42 =	vshrl.u32 v62, $0x3;
	v53 =	vld [tilespmem:s2+$0xFFFFFFE0]  }
0x1ca: {  	v49 =	vld [tilespmem:s2+$0xFFFFFE50];
	v42 =	vshll.u32 v42, v1  }
0x1cb: {  	s21 =	sadd.s32 $0x2, s31;
	v56 =	vadd.s32 v30, v41;
	v50 =	vld [tilespmem:s25+$0xFFFFFF80];
	v48 =	vbroadcast v42, $0x0  }
0x1cc: {  	v63 =	vmov s21;
	v51 =	vld [tilespmem:s2+$0xFFFFFE90]  }
0x1cd: {  	v43 =	vshrl.u32 v63, $0x3;
	v52 =	vld [tilespmem:s25+$0xFFFFFFC0];
	v59 =	vadd.s32 v5, v48  }
0x1ce: {  	v54 =	vshll.u32 v43, v1;
	v55 =	vld [tilespmem:s2+$0xFFFFFED0];
	v53 =	vadd.f32 v53, v44  }
0x1cf: {  	v63 =	vbroadcast v54, $0x0;
	v54 =	vld [tilespmem:s25+$0x0];
	[tilespmem:$0x1FFA0] =	vst v41  }
0x1d0: {  	s21 =	sadd.s32 $0x3, s31;
	v49 =	vadd.f32 v49, v45;
	[tilespmem:v56+s19+$0x0] =	vst.idx.msk $0xffff, v53  }
0x1d1: {  	v57 =	vmov s21;
	v53 =	vld [tilespmem:s25+$0xE0]  }
0x1d2: {  	s26 =	sadd.s32 $0x4, s31;
	v57 =	vshrl.u32 v57, $0x3;
	v60 =	vadd.s32 v9, v63;
	[tilespmem:v59+s19+$0x0] =	vst.idx.msk $0xffff, v49;
	v49 =	vld [tilespmem:s2+$0xFFFFFFF0]  }
0x1d3: {  	v57 =	vshll.u32 v57, v1;
	v62 =	vmov s26;
	v58 =	vld [tilespmem:s2+$0xFFFFFF10]  }
0x1d4: {  	v47 =	vbroadcast v57, $0x0;
	v62 =	vshrl.u32 v62, $0x3;
	v41 =	vadd.s32 v31, v41;
	v61 =	vld [tilespmem:s25+$0x40]  }
0x1d5: {  	s10 =	sadd.s32 $0x5, s31;
	v42 =	vld [tilespmem:s2+$0xFFFFFF50];
	v43 =	vshll.u32 v62, v1;
	v50 =	vadd.f32 v51, v50  }
0x1d6: {  	s21 =	sadd.s32 $0x6, s31;
	v57 =	vld [tilespmem:s25+$0x80];
	v51 =	vadd.s32 v13, v47;
	v45 =	vbroadcast v43, $0x0;
	v43 =	vmov s10  }
0x1d7: {  	v62 =	vld [tilespmem:s2+$0xFFFFFF90];
	v44 =	vmov s21;
	[tilespmem:v60+s19+$0x0] =	vst.idx.msk $0xffff, v50;
	v56 =	vshrl.u32 v43, $0x3;
	v49 =	vadd.f32 v49, v53  }
0x1d8: {  	v56 =	vshll.u32 v56, v1;
	v59 =	vshrl.u32 v44, $0x3;
	v44 =	vld [tilespmem:s25+$0xFFFFFF90]  }
0x1d9: {  	v50 =	vadd.s32 v17, v45;
	v60 =	vld [tilespmem:s25+$0xFFFFFF50];
	v56 =	vbroadcast v56, $0x0;
	[tilespmem:v41+s19+$0x0] =	vst.idx.msk $0xffff, v49  }
0x1da: {  	v52 =	vadd.f32 v55, v52;
	v49 =	vld [tilespmem:s25+$0xF0]  }
0x1db: {  	v43 =	vadd.f32 v58, v54;
	v55 =	vld [tilespmem:s2+$0xFFFFFE60];
	v54 =	vadd.s32 v21, v56  }
0x1dc: {  	v59 =	vshll.u32 v59, v1;
	[tilespmem:v51+s19+$0x0] =	vst.idx.msk $0xffff, v52;
	v52 =	vld [tilespmem:s2+$0xFFFFFEA0]  }
0x1dd: {  	v58 =	vbroadcast v59, $0x0;
	v59 =	vld [tilespmem:s25+$0xFFFFFFD0]  }
0x1de: {  	[tilespmem:v50+s19+$0x0] =	vst.idx.msk $0xffff, v43;
	v50 =	vld [tilespmem:s2+$0xFFFFFEE0];
	v41 =	vadd.f32 v42, v61  }
0x1df: {  	v53 =	vld [tilespmem:s25+$0x10];
	[tilespmem:$0x1FFB0] =	vst v49  }
0x1e0: {  	v46 =	vshrl.u32 v46, $0x3;
	[tilespmem:v54+s19+$0x0] =	vst.idx.msk $0xffff, v41  }
0x1e1: {  	v46 =	vshll.u32 v46, v1;
	v42 =	vld [tilespmem:$0x1FF80]  }
0x1e2: {  	v46 =	vbroadcast v46, $0x0;
	v51 =	vadd.s32 v25, v58;
	v43 =	vld [tilespmem:$0x1FF90];
	_ =	sdelay $0x1  }
0x1e3: {  	v61 =	vadd.s32 v0, v46;
	v49 =	vld [tilespmem:s2+$0x0]  }
0x1e4: {  	v41 =	vadd.f32 v62, v57;
	v54 =	vld [tilespmem:s2+$0xFFFFFF20]  }
0x1e5: {  	v57 =	vadd.s32 v6, v48;
	v62 =	vld [tilespmem:s25+$0x50]  }
0x1e6: {  	[tilespmem:v51+s19+$0x0] =	vst.idx.msk $0xffff, v41;
	v41 =	vld [tilespmem:s2+$0xFFFFFF60];
	v42 =	vadd.f32 v43, v42  }
0x1e7: {  	v51 =	vadd.s32 v10, v63;
	v43 =	vld [tilespmem:s25+$0x90]  }
0x1e8: {  	[tilespmem:v61+s19+$0x0] =	vst.idx.msk $0xffff, v42;
	v42 =	vadd.f32 v55, v60;
	v55 =	vld [tilespmem:s2+$0xFFFFFFA0]  }
0x1e9: {  	v60 =	vadd.s32 v14, v47;
	v61 =	vld [tilespmem:s25+$0xFFFFFF10]  }
0x1ea: {  	[tilespmem:v57+s19+$0x0] =	vst.idx.msk $0xffff, v42;
	v42 =	vadd.f32 v52, v44;
	v44 =	vld [tilespmem:s2+$0xFFFFFE20]  }
0x1eb: {  	v52 =	vadd.s32 v18, v45;
	v57 =	vld [tilespmem:s25+$0xFFFFFF60]  }
0x1ec: {  	[tilespmem:v51+s19+$0x0] =	vst.idx.msk $0xffff, v42;
	v42 =	vadd.f32 v50, v59;
	v50 =	vld [tilespmem:s2+$0xFFFFFE70]  }
0x1ed: {  	v51 =	vadd.s32 v22, v56;
	v59 =	vld [tilespmem:s25+$0xFFFFFFA0]  }
0x1ee: {  	[tilespmem:v60+s19+$0x0] =	vst.idx.msk $0xffff, v42;
	v42 =	vadd.f32 v54, v53;
	v53 =	vld [tilespmem:s2+$0xFFFFFEB0]  }
0x1ef: {  	v54 =	vadd.s32 v26, v58;
	v60 =	vld [tilespmem:s25+$0xFFFFFFE0]  }
0x1f0: {  	v41 =	vadd.f32 v41, v62;
	[tilespmem:v52+s19+$0x0] =	vst.idx.msk $0xffff, v42;
	v42 =	vld [tilespmem:s2+$0xFFFFFEF0]  }
0x1f1: {  	v52 =	vadd.s32 v2, v46;
	v62 =	vld [tilespmem:s25+$0x20]  }
0x1f2: {  	[tilespmem:v51+s19+$0x0] =	vst.idx.msk $0xffff, v41;
	v41 =	vadd.f32 v55, v43;
	v43 =	vld [tilespmem:s2+$0xFFFFFF30]  }
0x1f3: {  	v51 =	vadd.s32 v7, v48;
	v55 =	vld [tilespmem:s25+$0x60]  }
0x1f4: {  	v44 =	vadd.f32 v44, v61;
	[tilespmem:v54+s19+$0x0] =	vst.idx.msk $0xffff, v41;
	v41 =	vld [tilespmem:s2+$0xFFFFFF70]  }
0x1f5: {  	v54 =	vadd.s32 v11, v63;
	v61 =	vld [tilespmem:s25+$0xA0]  }
0x1f6: {  	[tilespmem:v52+s19+$0x0] =	vst.idx.msk $0xffff, v44;
	v44 =	vadd.f32 v50, v57;
	v50 =	vld [tilespmem:s2+$0xFFFFFFB0]  }
0x1f7: {  	v52 =	vadd.s32 v15, v47;
	v57 =	vld [tilespmem:s25+$0xFFFFFF20]  }
0x1f8: {  	[tilespmem:v51+s19+$0x0] =	vst.idx.msk $0xffff, v44;
	v44 =	vadd.f32 v53, v59;
	v51 =	vld [tilespmem:s2+$0xFFFFFE30]  }
0x1f9: {  	v53 =	vadd.s32 v19, v45;
	v59 =	vld [tilespmem:s25+$0xFFFFFF70]  }
0x1fa: {  	v42 =	vadd.f32 v42, v60;
	[tilespmem:v54+s19+$0x0] =	vst.idx.msk $0xffff, v44;
	v44 =	vld [tilespmem:s2+$0xFFFFFE80]  }
0x1fb: {  	v54 =	vadd.s32 v23, v56;
	v60 =	vld [tilespmem:s25+$0xFFFFFFB0]  }
0x1fc: {  	[tilespmem:v52+s19+$0x0] =	vst.idx.msk $0xffff, v42;
	v42 =	vadd.f32 v43, v62;
	v43 =	vld [tilespmem:s2+$0xFFFFFEC0];
	v52 =	vadd.s32 v27, v58  }
0x1fd: {  	v62 =	vld [tilespmem:s25+$0xFFFFFFF0]  }
0x1fe: {  	v41 =	vadd.f32 v41, v55;
	[tilespmem:v53+s19+$0x0] =	vst.idx.msk $0xffff, v42;
	v42 =	vld [tilespmem:s2+$0xFFFFFF00];
	v53 =	vadd.s32 v3, v46  }
0x1ff: {  	[tilespmem:v39+s19+$0x0] =	vst.idx.msk $0xffff, v40;
	v61 =	vadd.f32 v50, v61;
	v55 =	vld [tilespmem:s25+$0x30]  }
0x200: {  	v35 =	vadd.f32 v37, v35;
	v50 =	vld [tilespmem:s2+$0xFFFFFF40];
	[tilespmem:v54+s19+$0x0] =	vst.idx.msk $0xffff, v41  }
0x201: {  	v57 =	vadd.f32 v51, v57;
	v54 =	vld [tilespmem:$0x1FFA0];
	[tilespmem:v52+s19+$0x0] =	vst.idx.msk $0xffff, v61  }
0x202: {  	v33 =	vadd.s32 v4, v33;
	v34 =	vadd.f32 v36, v34;
	[tilespmem:v38+s19+$0x0] =	vst.idx.msk $0xffff, v35;
	v36 =	vld [tilespmem:s25+$0xB0]  }
0x203: {  	v35 =	vadd.s32 v12, v63;
	v63 =	vld [tilespmem:s2+$0xFFFFFFC0];
	[tilespmem:v53+s19+$0x0] =	vst.idx.msk $0xffff, v57  }
0x204: {  	v61 =	vadd.s32 v16, v47;
	v38 =	vld [tilespmem:$0x1FFB0]  }
0x205: {  	v58 =	vadd.s32 v28, v58;
	v39 =	vld [tilespmem:s25+$0x70]  }
0x206: {  	v40 =	vadd.s32 v8, v48;
	v48 =	vld [tilespmem:s2+$0xFFFFFF80];
	v53 =	vadd.f32 v43, v60;
	v37 =	vadd.s32 v32, v54  }
0x207: {  	v51 =	vadd.s32 v20, v45;
	v57 =	vadd.f32 v42, v62;
	[tilespmem:v33+s19+$0x0] =	vst.idx.msk $0xffff, v34;
	v52 =	vld [tilespmem:s25+$0xFFFFFF30]  }
0x208: {  	v54 =	vadd.s32 v24, v56;
	v56 =	vld [tilespmem:s2+$0xFFFFFE40];
	[tilespmem:v35+s19+$0x0] =	vst.idx.msk $0xffff, v53;
	v62 =	vadd.f32 v63, v36  }
0x209: {  	[tilespmem:v61+s19+$0x0] =	vst.idx.msk $0xffff, v57;
	v38 =	vadd.f32 v49, v38  }
0x20a: {  	v60 =	vadd.s32 v4, v46;
	v49 =	vadd.f32 v44, v59;
	[tilespmem:v58+s19+$0x0] =	vst.idx.msk $0xffff, v62  }
0x20b: {  	v59 =	vadd.f32 v50, v55;
	[tilespmem:v37+s19+$0x0] =	vst.idx.msk $0xffff, v38  }
0x20c: {  	v61 =	vadd.f32 v48, v39;
	[tilespmem:v40+s19+$0x0] =	vst.idx.msk $0xffff, v49  }
0x20d: {  	[tilespmem:v51+s19+$0x0] =	vst.idx.msk $0xffff, v59;
	v63 =	vadd.f32 v56, v52  }
0x20e: {  	[tilespmem:v54+s19+$0x0] =	vst.idx.msk $0xffff, v61  }
0x20f: {  	s4 =	sadd.s32 s17, s12;
	s25 =	simm.s32 $0x12400;
	[tilespmem:v60+s19+$0x0] =	vst.idx.msk $0xffff, v63  }
0x210: {  	[hbm4b:s4+s3] =	stream.linear.scatter [tilespmem:s25], [sflag:$0xA], $0x80, $0x38;
	[tilespmem:$0x18A00] =	vst v63  }
0x211: {  	s26 =	simm.s32 $0x12488;
	s10 =	sadd.s32 $0x10, s4  }
0x212: {  	[hbm4b:s10+s3] =	stream.linear.scatter [tilespmem:s26], [sflag:$0xA], $0x80, $0x38;
	[tilespmem:$0x18A00] =	vst v63  }
0x213: {  	s21 =	simm.s32 $0x12510;
	s25 =	sadd.s32 $0x20, s4  }
0x214: {  	[hbm4b:s25+s3] =	stream.linear.scatter [tilespmem:s21], [sflag:$0xA], $0x80, $0x38;
	[tilespmem:$0x18A00] =	vst v63  }
0x215: {  	s26 =	simm.s32 $0x12598;
	s10 =	sadd.s32 $0x30, s4  }
0x216: {  	[hbm4b:s10+s3] =	stream.linear.scatter [tilespmem:s26], [sflag:$0xA], $0x80, $0x38;
	[tilespmem:$0x18A00] =	vst v63  }
0x217: {  	s21 =	simm.s32 $0x12620;
	s25 =	sadd.s32 $0x40, s4  }
0x218: {  	[hbm4b:s25+s3] =	stream.linear.scatter [tilespmem:s21], [sflag:$0xA], $0x80, $0x38;
	[tilespmem:$0x18A00] =	vst v63  }
0x219: {  	s31 =	simm.s32 $0x127B8;
	s26 =	simm.s32 $0x126A8;
	s10 =	sadd.s32 $0x50, s4  }
0x21a: {  	[hbm4b:s10+s3] =	stream.linear.scatter [tilespmem:s26], [sflag:$0xA], $0x80, $0x38;
	[tilespmem:$0x18A00] =	vst v63  }
0x21b: {  	s2 =	simm.s32 $0x440;
	s25 =	simm.s32 $0x12730;
	s26 =	sadd.s32 $0x60, s4  }
0x21c: {  	[hbm4b:s26+s3] =	stream.linear.scatter [tilespmem:s25], [sflag:$0xA], $0x80, $0x38;
	[tilespmem:$0x18A00] =	vst v63  }
0x21d: {  	s21 =	sadd.s32 $0x70, s4;
	s26 =	simm.s32 $0x2200;
	s25 =	sadd.s32 $0x200, s4  }
.LBB2_9:
0x21e: {  	[hbm4b:s21+s3] =	stream.linear.scatter [tilespmem:s31], [sflag:$0xA], $0x80, $0x38;
	[tilespmem:$0x18A00] =	vst v63  }
0x21f: {  	s4 =	smov.u32 s2;
	s2 =	smov.u32 s26  }
0x220: {  	s10 =	sadd.s32 $0x1100, s26;
	s2 =	sshra.s32 s2, $0x2;
	s21 =	sadd.s32 $0x12400, s4  }
0x221: {  	[hbm4b:s25+s3] =	stream.linear.scatter [tilespmem:s21], [sflag:$0xA], $0x80, $0x38;
	[tilespmem:$0x18A00] =	vst v63  }
0x222: {  	p1 =	sne.s32 s26, $0x7700;
	s26 =	sadd.s32 $0x10, s25;
	s21 =	sadd.s32 $0x12488, s4  }
0x223: {  	[hbm4b:s26+s3] =	stream.linear.scatter [tilespmem:s21], [sflag:$0xA], $0x80, $0x38;
	[tilespmem:$0x18A00] =	vst v63  }
0x224: {  	s21 =	sadd.s32 $0x12510, s4;
	s26 =	sadd.s32 $0x20, s25  }
0x225: {  	[hbm4b:s26+s3] =	stream.linear.scatter [tilespmem:s21], [sflag:$0xA], $0x80, $0x38;
	[tilespmem:$0x18A00] =	vst v63  }
0x226: {  	s21 =	sadd.s32 $0x12598, s4;
	s26 =	sadd.s32 $0x30, s25  }
0x227: {  	[hbm4b:s26+s3] =	stream.linear.scatter [tilespmem:s21], [sflag:$0xA], $0x80, $0x38;
	[tilespmem:$0x18A00] =	vst v63  }
0x228: {  	s21 =	sadd.s32 $0x12620, s4;
	s26 =	sadd.s32 $0x40, s25  }
0x229: {  	[hbm4b:s26+s3] =	stream.linear.scatter [tilespmem:s21], [sflag:$0xA], $0x80, $0x38;
	[tilespmem:$0x18A00] =	vst v63  }
.Ltmp3:
0x22a: {  	s21 =	sadd.s32 $0x126A8, s4;
	s26 =	sadd.s32 $0x50, s25;
	(pc) =	sbr.rel @p1 .LBB2_9-.Ltmp3, $4  }
0x22b: {  	[hbm4b:s26+s3] =	stream.linear.scatter [tilespmem:s21], [sflag:$0xA], $0x80, $0x38;
	[tilespmem:$0x18A00] =	vst v63  }
0x22c: {  	s31 =	sadd.s32 $0x127B8, s4;
	s21 =	sadd.s32 $0x12730, s4;
	s26 =	sadd.s32 $0x60, s25  }
0x22d: {  	[hbm4b:s26+s3] =	stream.linear.scatter [tilespmem:s21], [sflag:$0xA], $0x80, $0x38;
	[tilespmem:$0x18A00] =	vst v63  }
0x22e: {  	s21 =	sadd.s32 $0x70, s25;
	s25 =	sadd.s32 $0x200, s25;
	s26 =	smov.u32 s10  }
0x22f: {  	[hbm4b:s21+s3] =	stream.linear.scatter [tilespmem:s31], [sflag:$0xA], $0x80, $0x38;
	[tilespmem:$0x18A00] =	vst v63  }
0x230: {  	s4 =	sadd.s32 $0x12400, s2  }
0x231: {  	[hbm4b:s25+s3] =	stream.linear.scatter [tilespmem:s4], [sflag:$0xA], $0x80, $0x38;
	[tilespmem:$0x18A00] =	vst v63  }
0x232: {  	s26 =	sadd.s32 $0x12488, s2;
	s10 =	sadd.s32 $0x10, s25  }
0x233: {  	[hbm4b:s10+s3] =	stream.linear.scatter [tilespmem:s26], [sflag:$0xA], $0x80, $0x38;
	[tilespmem:$0x18A00] =	vst v63  }
0x234: {  	s21 =	sadd.s32 $0x12510, s2;
	s26 =	sadd.s32 $0x20, s25  }
0x235: {  	[hbm4b:s26+s3] =	stream.linear.scatter [tilespmem:s21], [sflag:$0xA], $0x80, $0x38;
	[tilespmem:$0x18A00] =	vst v63  }
0x236: {  	s21 =	sadd.s32 $0x12598, s2;
	s26 =	sadd.s32 $0x30, s25  }
0x237: {  	[hbm4b:s26+s3] =	stream.linear.scatter [tilespmem:s21], [sflag:$0xA], $0x80, $0x38;
	[tilespmem:$0x18A00] =	vst v63  }
0x238: {  	s21 =	sadd.s32 $0x12620, s2;
	s26 =	sadd.s32 $0x40, s25  }
0x239: {  	[hbm4b:s26+s3] =	stream.linear.scatter [tilespmem:s21], [sflag:$0xA], $0x80, $0x38;
	[tilespmem:$0x18A00] =	vst v63  }
0x23a: {  	s21 =	sadd.s32 $0x126A8, s2;
	s26 =	sadd.s32 $0x50, s25  }
0x23b: {  	[hbm4b:s26+s3] =	stream.linear.scatter [tilespmem:s21], [sflag:$0xA], $0x80, $0x38;
	[tilespmem:$0x18A00] =	vst v63  }
0x23c: {  	s21 =	sadd.s32 $0x12730, s2;
	s26 =	sadd.s32 $0x60, s25  }
0x23d: {  	[hbm4b:s26+s3] =	stream.linear.scatter [tilespmem:s21], [sflag:$0xA], $0x80, $0x38;
	[tilespmem:$0x18A00] =	vst v63  }
0x23e: {  	s25 =	sadd.s32 $0x70, s25;
	s21 =	sadd.s32 $0x127B8, s2  }
0x23f: {  	[hbm4b:s25+s3] =	stream.linear.scatter [tilespmem:s21], [sflag:$0xA], $0x80, $0x38;
	[tilespmem:$0x18A00] =	vst v63  }
0x240: {  	_ =	swait.ge [sflag:s20], $0x2000  }
0x241: {  	s4 =	simm.s32 @!p0 $0x0;
	[sflag:s20] =	ssyncset.done $0x0  }
0x242: {  	s10 =	simm.s32 @!p0 $0x8080;
	s2 =	sadd.s32 @!p0 s18, s13;
	[sflag:s20] =	ssyncadd.s32 $0xFFFFE000  }
0x243: {  	[tilespmem:s10], [sflag:$0x2] =	stream.linear.gather @!p0 [hbm4b:s2+s4], $0x80, $0x38;
	[tilespmem:$0x18A00] =	vst v63  }
0x244: {  	s2 =	simm.s32 @!p0 $0x9  }
0x245: {  	_ =	swait.ge @!p0 [sflag:s2], $0x2000  }
0x246: {  	[sflag:s2] =	ssyncset.done @!p0 $0x0  }
0x247: {  	[sflag:s2] =	ssyncadd.s32 @!p0 $0xFFFFE000;
	s2 =	simm.s32 @!p0 $0x1  }
0x248: {  	s26 =	simm.s32 $0x7;
	_ =	swait.ge @!p0 [sflag:s2], $0x80  }
0x249: {  	v33 =	vmov s26;
	s26 =	simm.s32 $0x0;
	s4 =	simm.s32 @!p0 $0x8000;
	[sflag:s2] =	ssyncset.done @!p0 $0x0  }
0x24a: {  	s10 =	simm.s32 @!p0 $0x8200;
	[sflag:s2] =	ssyncadd.s32 @!p0 $0xFFFFFF80;
	s2 =	simm.s32 @!p0 $0x80  }
0x24b: {  	v33 =	vshrl.u32 v33, $0x3;
	[tilespmem:s10], [sflag:$0x5] =	stream.indirect.gather @!p0 [hbm4b:s5+s2], $0x40, s4, s2, $0xb8;
	[tilespmem:$0x18A00] =	vst v63  }
0x24c: {  	v33 =	vshll.u32 v33, v1;
	v35 =	vld [tilespmem:s26+$0xC3C0]  }
0x24d: {  	v34 =	vbroadcast v33, $0x0;
	v36 =	vld [tilespmem:s26+$0x41C0]  }
0x24e: {  	v37 =	vld [tilespmem:s26+$0xC200]  }
0x24f: {  	v33 =	vadd.s32 v29, v34;
	v38 =	vld [tilespmem:s26+$0x4000]  }
0x250: {  	v39 =	vld [tilespmem:s26+$0xC240]  }
0x251: {  	v40 =	vld [tilespmem:s26+$0x4040]  }
0x252: {  	s21 =	simm.s32 $0x3;
	v41 =	vld [tilespmem:s26+$0xC280];
	v35 =	vadd.f32 v36, v35  }
0x253: {  	s25 =	simm.s32 $0x4;
	v48 =	vmov s21;
	v42 =	vld [tilespmem:s26+$0x4080]  }
0x254: {  	v53 =	vmov s25;
	v48 =	vshrl.u32 v48, $0x3;
	s4 =	simm.s32 $0x1;
	v43 =	vld [tilespmem:s26+$0xC2C0];
	[tilespmem:v33+s6+$0x0] =	vst.idx.msk $0xffff, v35  }
0x255: {  	v58 =	vshrl.u32 v53, $0x3;
	v48 =	vshll.u32 v48, v1;
	s10 =	simm.s32 $0x2;
	v56 =	vmov s4;
	v44 =	vld [tilespmem:s26+$0xC3D0]  }
0x256: {  	v59 =	vshll.u32 v58, v1;
	v57 =	vmov s10;
	v33 =	vshrl.u32 v56, $0x3;
	v45 =	vld [tilespmem:s26+$0x41D0]  }
0x257: {  	v48 =	vbroadcast v48, $0x0;
	v46 =	vld [tilespmem:s26+$0x40C0];
	v35 =	vshrl.u32 v57, $0x3;
	v33 =	vshll.u32 v33, v1  }
0x258: {  	v47 =	vadd.s32 v30, v34;
	v49 =	vld [tilespmem:s26+$0x4100];
	v35 =	vshll.u32 v35, v1;
	v36 =	vbroadcast v33, $0x0  }
0x259: {  	v52 =	vld [tilespmem:s26+$0xC340];
	v41 =	vadd.f32 v42, v41;
	v42 =	vadd.s32 v13, v48;
	v35 =	vbroadcast v35, $0x0  }
0x25a: {  	v39 =	vadd.f32 v40, v39;
	v40 =	vbroadcast v59, $0x0;
	v33 =	vld [tilespmem:s26+$0xC300];
	v50 =	vadd.s32 v5, v36  }
0x25b: {  	v54 =	vld [tilespmem:s26+$0x4140];
	v51 =	vadd.s32 v9, v35;
	v44 =	vadd.f32 v45, v44  }
0x25c: {  	v53 =	vld [tilespmem:s26+$0xC380];
	v43 =	vadd.f32 v46, v43;
	v63 =	vadd.s32 v17, v40  }
0x25d: {  	s21 =	simm.s32 $0x0;
	v45 =	vld [tilespmem:s26+$0x4180];
	[tilespmem:v47+s6+$0x0] =	vst.idx.msk $0xffff, v44  }
0x25e: {  	s4 =	simm.s32 $0x5;
	v56 =	vmov s21;
	[tilespmem:v42+s6+$0x0] =	vst.idx.msk $0xffff, v43;
	v44 =	vld [tilespmem:s26+$0xC3E0]  }
0x25f: {  	v60 =	vmov s4;
	v56 =	vshrl.u32 v56, $0x3;
	v33 =	vadd.f32 v49, v33;
	[tilespmem:v50+s6+$0x0] =	vst.idx.msk $0xffff, v39;
	v61 =	vld [tilespmem:s26+$0x41E0]  }
0x260: {  	v47 =	vshrl.u32 v60, $0x3;
	v60 =	vshll.u32 v56, v1;
	[tilespmem:v51+s6+$0x0] =	vst.idx.msk $0xffff, v41;
	v41 =	vld [tilespmem:s26+$0x40D0]  }
0x261: {  	v55 =	vadd.s32 v31, v34;
	v47 =	vshll.u32 v47, v1;
	[tilespmem:v63+s6+$0x0] =	vst.idx.msk $0xffff, v33;
	v33 =	vbroadcast v60, $0x0;
	v51 =	vld [tilespmem:s26+$0xC250]  }
0x262: {  	s10 =	simm.s32 $0x6;
	v46 =	vld [tilespmem:s26+$0x4050];
	v47 =	vbroadcast v47, $0x0  }
0x263: {  	v62 =	vmov s10;
	v57 =	vld [tilespmem:s26+$0xC290];
	v63 =	vadd.s32 v0, v33  }
0x264: {  	v50 =	vshrl.u32 v62, $0x3;
	v42 =	vld [tilespmem:s26+$0x4090];
	v43 =	vadd.s32 v21, v47;
	v39 =	vadd.f32 v61, v44  }
0x265: {  	v50 =	vshll.u32 v50, v1;
	v56 =	vld [tilespmem:s26+$0xC310]  }
0x266: {  	v37 =	vadd.f32 v38, v37;
	v49 =	vbroadcast v50, $0x0;
	v50 =	vld [tilespmem:s26+$0xC2D0];
	[tilespmem:v55+s6+$0x0] =	vst.idx.msk $0xffff, v39  }
0x267: {  	v62 =	vadd.f32 v54, v52;
	v52 =	vld [tilespmem:s26+$0xC3F0]  }
0x268: {  	v60 =	vadd.s32 v10, v35;
	[tilespmem:v63+s6+$0x0] =	vst.idx.msk $0xffff, v37;
	v55 =	vld [tilespmem:s26+$0x41F0]  }
0x269: {  	v61 =	vadd.s32 v25, v49;
	[tilespmem:v43+s6+$0x0] =	vst.idx.msk $0xffff, v62;
	v43 =	vld [tilespmem:s26+$0x4110]  }
0x26a: {  	v54 =	vld [tilespmem:s26+$0xC210]  }
0x26b: {  	v59 =	vadd.s32 v6, v36;
	v63 =	vadd.f32 v42, v57;
	v42 =	vld [tilespmem:s26+$0x4010]  }
0x26c: {  	v58 =	vadd.f32 v45, v53;
	v53 =	vld [tilespmem:s26+$0xC350]  }
0x26d: {  	v62 =	vadd.s32 v14, v48;
	v38 =	vld [tilespmem:s26+$0x4150];
	[tilespmem:v60+s6+$0x0] =	vst.idx.msk $0xffff, v63  }
0x26e: {  	v60 =	vadd.f32 v41, v50;
	[tilespmem:v61+s6+$0x0] =	vst.idx.msk $0xffff, v58;
	v61 =	vadd.f32 v46, v51;
	v50 =	vld [tilespmem:s26+$0xC2A0]  }
0x26f: {  	v44 =	vld [tilespmem:s26+$0xC390]  }
0x270: {  	v45 =	vadd.s32 v18, v40;
	v46 =	vld [tilespmem:s26+$0x4190];
	[tilespmem:v59+s6+$0x0] =	vst.idx.msk $0xffff, v61  }
0x271: {  	v57 =	vld [tilespmem:s26+$0xC260]  }
0x272: {  	v61 =	vadd.s32 v22, v47;
	v39 =	vld [tilespmem:s26+$0x4060]  }
0x273: {  	[tilespmem:v62+s6+$0x0] =	vst.idx.msk $0xffff, v60;
	v62 =	vadd.f32 v43, v56;
	v43 =	vld [tilespmem:s26+$0x40A0]  }
0x274: {  	v59 =	vadd.s32 v2, v33;
	v56 =	vld [tilespmem:s26+$0xC2E0]  }
0x275: {  	v58 =	vadd.f32 v38, v53;
	v38 =	vld [tilespmem:s26+$0x40E0];
	[tilespmem:v45+s6+$0x0] =	vst.idx.msk $0xffff, v62  }
0x276: {  	v63 =	vadd.s32 v26, v49;
	v53 =	vld [tilespmem:s26+$0xC320]  }
0x277: {  	v42 =	vadd.f32 v42, v54;
	v41 =	vld [tilespmem:s26+$0x4120];
	[tilespmem:v61+s6+$0x0] =	vst.idx.msk $0xffff, v58  }
0x278: {  	v62 =	vadd.s32 v11, v35;
	v60 =	vadd.f32 v46, v44;
	v46 =	vld [tilespmem:s26+$0xC360]  }
0x279: {  	v61 =	vadd.s32 v7, v36;
	[tilespmem:v59+s6+$0x0] =	vst.idx.msk $0xffff, v42;
	v37 =	vld [tilespmem:s26+$0x4160]  }
0x27a: {  	v39 =	vadd.f32 v39, v57;
	v57 =	vld [tilespmem:s26+$0xC220]  }
0x27b: {  	[tilespmem:v63+s6+$0x0] =	vst.idx.msk $0xffff, v60;
	v60 =	vadd.f32 v43, v50;
	v43 =	vld [tilespmem:s26+$0x4020]  }
0x27c: {  	v63 =	vadd.s32 v15, v48;
	v54 =	vld [tilespmem:s26+$0xC3A0]  }
0x27d: {  	v42 =	vld [tilespmem:s26+$0x41A0];
	[tilespmem:v62+s6+$0x0] =	vst.idx.msk $0xffff, v60  }
0x27e: {  	v38 =	vadd.f32 v38, v56;
	v56 =	vld [tilespmem:s26+$0xC2B0];
	[tilespmem:v61+s6+$0x0] =	vst.idx.msk $0xffff, v39;
	v61 =	vadd.s32 v19, v40  }
0x27f: {  	v50 =	vld [tilespmem:s26+$0xC270]  }
0x280: {  	v62 =	vadd.s32 v23, v47;
	v39 =	vld [tilespmem:s26+$0x4070]  }
0x281: {  	v34 =	vadd.s32 v32, v34;
	[tilespmem:v63+s6+$0x0] =	vst.idx.msk $0xffff, v38;
	v63 =	vadd.f32 v41, v53;
	v41 =	vld [tilespmem:s26+$0x40B0]  }
0x282: {  	v58 =	vadd.s32 v27, v49;
	v53 =	vld [tilespmem:s26+$0xC2F0]  }
0x283: {  	v37 =	vadd.f32 v37, v46;
	v38 =	vadd.s32 v3, v33;
	v44 =	vld [tilespmem:s26+$0x40F0];
	[tilespmem:v61+s6+$0x0] =	vst.idx.msk $0xffff, v63  }
0x284: {  	v59 =	vadd.f32 v55, v52;
	v36 =	vadd.s32 v8, v36;
	v52 =	vld [tilespmem:s26+$0xC330]  }
0x285: {  	v60 =	vadd.f32 v42, v54;
	[tilespmem:v62+s6+$0x0] =	vst.idx.msk $0xffff, v37;
	v61 =	vadd.s32 v12, v35;
	v62 =	vld [tilespmem:s26+$0x4130]  }
0x286: {  	[tilespmem:v34+s6+$0x0] =	vst.idx.msk $0xffff, v59;
	v54 =	vadd.s32 v16, v48;
	v55 =	vld [tilespmem:s26+$0xC370];
	v63 =	vadd.f32 v43, v57  }
0x287: {  	v40 =	vadd.s32 v20, v40;
	[tilespmem:v58+s6+$0x0] =	vst.idx.msk $0xffff, v60;
	v58 =	vld [tilespmem:s26+$0x4170];
	v57 =	vadd.f32 v39, v50  }
0x288: {  	v35 =	vld [tilespmem:s26+$0xC3B0];
	v59 =	vadd.f32 v41, v56;
	[tilespmem:v38+s6+$0x0] =	vst.idx.msk $0xffff, v63  }
0x289: {  	s25 =	simm.s32 $0xF;
	v39 =	vadd.s32 v24, v47;
	v60 =	vadd.f32 v44, v53;
	[tilespmem:v36+s6+$0x0] =	vst.idx.msk $0xffff, v57;
	v36 =	vld [tilespmem:s26+$0x41B0]  }
0x28a: {  	v34 =	vld [tilespmem:s26+$0xC230];
	[tilespmem:v61+s6+$0x0] =	vst.idx.msk $0xffff, v59;
	v61 =	vmov s25;
	v62 =	vadd.f32 v62, v52  }
0x28b: {  	s2 =	simm.s32 $0x8;
	v38 =	vadd.s32 v28, v49;
	v37 =	vld [tilespmem:s26+$0x4030];
	[tilespmem:v54+s6+$0x0] =	vst.idx.msk $0xffff, v60;
	s25 =	simm.s32 $0x200;
	v63 =	vshrl.u32 v61, $0x3  }
0x28c: {  	s31 =	simm.s32 $0x800;
	v46 =	vmov s2;
	s26 =	simm.s32 $0x10;
	v42 =	vld [tilespmem:s25+$0xC3C0];
	v41 =	vshll.u32 v63, v1;
	[tilespmem:v40+s6+$0x0] =	vst.idx.msk $0xffff, v62;
	v40 =	vadd.f32 v58, v55  }
.LBB2_11:
0x28d: {  	p1 =	slt.u32 s26, $0x78;
	v43 =	vshrl.u32 v46, $0x3;
	s4 =	sadd.s32 $0x1, s2;
	v44 =	vld [tilespmem:s25+$0x41C0];
	v41 =	vbroadcast v41, $0x0;
	v45 =	vadd.s32 v4, v33  }
0x28e: {  	v46 =	vld [tilespmem:s25+$0xC200];
	v33 =	vshll.u32 v43, v1;
	v43 =	vmov s4;
	[tilespmem:v39+s6+$0x0] =	vst.idx.msk $0xffff, v40;
	v35 =	vadd.f32 v36, v35  }
0x28f: {  	s4 =	sadd.s32 $0x2, s2;
	v36 =	vld [tilespmem:s25+$0x4000];
	v33 =	vbroadcast v33, $0x0;
	v39 =	vshrl.u32 v43, $0x3;
	v40 =	vadd.s32 v29, v41  }
0x290: {  	v47 =	vmov s4;
	v43 =	vld [tilespmem:s25+$0xC240];
	v39 =	vshll.u32 v39, v1;
	v37 =	vadd.f32 v37, v34;
	[tilespmem:v38+s6+$0x0] =	vst.idx.msk $0xffff, v35  }
0x291: {  	v35 =	vshrl.u32 v47, $0x3;
	v38 =	vadd.s32 v0, v33;
	v48 =	vld [tilespmem:s25+$0x4040];
	v34 =	vbroadcast v39, $0x0  }
0x292: {  	v35 =	vshll.u32 v35, v1;
	v39 =	vld [tilespmem:s25+$0xC280];
	v42 =	vadd.f32 v44, v42;
	[tilespmem:v45+s6+$0x0] =	vst.idx.msk $0xffff, v37  }
0x293: {  	s4 =	sadd.s32 $0x3, s2;
	v35 =	vbroadcast v35, $0x0;
	v37 =	vadd.s32 v5, v34;
	v44 =	vld [tilespmem:s25+$0x4080]  }
0x294: {  	v45 =	vmov s4;
	s4 =	sadd.s32 $0x4, s2;
	v36 =	vadd.f32 v36, v46;
	v46 =	vld [tilespmem:s25+$0xC2C0];
	[tilespmem:v40+s6+$0x0] =	vst.idx.msk $0xffff, v42  }
0x295: {  	v40 =	vadd.s32 v9, v35;
	v42 =	vshrl.u32 v45, $0x3;
	v45 =	vmov s4;
	v47 =	vld [tilespmem:s25+$0xC3D0]  }
0x296: {  	s4 =	sadd.s32 $0x5, s2;
	[tilespmem:v38+s6+$0x0] =	vst.idx.msk $0xffff, v36;
	v38 =	vadd.f32 v48, v43;
	v36 =	vshll.u32 v42, v1;
	v42 =	vshrl.u32 v45, $0x3;
	v43 =	vld [tilespmem:s25+$0x41D0]  }
0x297: {  	v48 =	vmov s4;
	s4 =	sadd.s32 $0x6, s2;
	s2 =	smov.u32 s26;
	v45 =	vld [tilespmem:s25+$0x40C0];
	v36 =	vbroadcast v36, $0x0;
	v42 =	vshll.u32 v42, v1  }
0x298: {  	v49 =	vadd.s32 v30, v41;
	[tilespmem:v37+s6+$0x0] =	vst.idx.msk $0xffff, v38;
	v38 =	vadd.f32 v44, v39;
	v44 =	vld [tilespmem:s25+$0xC300];
	v39 =	vmov s4  }
0x299: {  	v37 =	vbroadcast v42, $0x0;
	v42 =	vshrl.u32 v48, $0x3;
	v50 =	vadd.s32 v13, v36;
	v51 =	vld [tilespmem:s25+$0x4100]  }
0x29a: {  	[tilespmem:v40+s6+$0x0] =	vst.idx.msk $0xffff, v38;
	v40 =	vld [tilespmem:s25+$0xC340];
	v38 =	vshll.u32 v42, v1;
	v42 =	vshrl.u32 v39, $0x3  }
0x29b: {  	v48 =	vadd.s32 v17, v37;
	v52 =	vld [tilespmem:s25+$0x4140];
	v39 =	vbroadcast v38, $0x0;
	v43 =	vadd.f32 v43, v47  }
0x29c: {  	v38 =	vshll.u32 v42, v1;
	v45 =	vadd.f32 v45, v46;
	v46 =	vld [tilespmem:s25+$0xC380]  }
0x29d: {  	v38 =	vbroadcast v38, $0x0;
	v42 =	vadd.s32 v21, v39;
	v47 =	vld [tilespmem:s25+$0x4180];
	[tilespmem:v49+s6+$0x0] =	vst.idx.msk $0xffff, v43  }
0x29e: {  	[tilespmem:v50+s6+$0x0] =	vst.idx.msk $0xffff, v45;
	v43 =	vadd.f32 v51, v44;
	v44 =	vld [tilespmem:s25+$0xC3E0]  }
0x29f: {  	v45 =	vadd.s32 v25, v38;
	v49 =	vld [tilespmem:s25+$0x41E0]  }
0x2a0: {  	v50 =	vld [tilespmem:s25+$0xC250];
	[tilespmem:v48+s6+$0x0] =	vst.idx.msk $0xffff, v43;
	v40 =	vadd.f32 v52, v40  }
0x2a1: {  	v48 =	vadd.s32 v31, v41;
	v43 =	vld [tilespmem:s25+$0x4050]  }
0x2a2: {  	v51 =	vld [tilespmem:s25+$0xC290];
	[tilespmem:v42+s6+$0x0] =	vst.idx.msk $0xffff, v40;
	v40 =	vadd.f32 v47, v46  }
0x2a3: {  	v42 =	vadd.s32 v6, v34;
	v46 =	vld [tilespmem:s25+$0x4090]  }
0x2a4: {  	v47 =	vld [tilespmem:s25+$0xC2D0];
	[tilespmem:v45+s6+$0x0] =	vst.idx.msk $0xffff, v40;
	v40 =	vadd.f32 v49, v44  }
0x2a5: {  	v44 =	vadd.s32 v10, v35;
	v45 =	vld [tilespmem:s25+$0x40D0]  }
0x2a6: {  	v43 =	vadd.f32 v43, v50;
	v49 =	vld [tilespmem:s25+$0xC310];
	[tilespmem:v48+s6+$0x0] =	vst.idx.msk $0xffff, v40  }
0x2a7: {  	v40 =	vadd.s32 v14, v36;
	v48 =	vld [tilespmem:s25+$0xC3F0]  }
0x2a8: {  	[tilespmem:v42+s6+$0x0] =	vst.idx.msk $0xffff, v43;
	v42 =	vadd.f32 v46, v51;
	v43 =	vld [tilespmem:s25+$0x41F0]  }
0x2a9: {  	v46 =	vld [tilespmem:s25+$0x4110]  }
0x2aa: {  	v41 =	vadd.s32 v32, v41;
	[tilespmem:v44+s6+$0x0] =	vst.idx.msk $0xffff, v42;
	v42 =	vadd.f32 v45, v47;
	v44 =	vld [tilespmem:s25+$0xC350]  }
0x2ab: {  	v45 =	vadd.s32 v18, v37;
	v47 =	vld [tilespmem:s25+$0x4150]  }
0x2ac: {  	[tilespmem:v40+s6+$0x0] =	vst.idx.msk $0xffff, v42;
	v40 =	vld [tilespmem:s25+$0xC390]  }
0x2ad: {  	v42 =	vadd.s32 v22, v39;
	v50 =	vld [tilespmem:s25+$0x4190];
	v43 =	vadd.f32 v43, v48  }
0x2ae: {  	v48 =	vld [tilespmem:s25+$0xC210];
	v46 =	vadd.f32 v46, v49  }
0x2af: {  	v51 =	vadd.s32 v26, v38;
	v49 =	vld [tilespmem:s25+$0x4010];
	[tilespmem:v41+s6+$0x0] =	vst.idx.msk $0xffff, v43  }
0x2b0: {  	v41 =	vld [tilespmem:s25+$0xC260];
	[tilespmem:v45+s6+$0x0] =	vst.idx.msk $0xffff, v46;
	v43 =	vadd.f32 v47, v44  }
0x2b1: {  	v44 =	vadd.s32 v2, v33;
	v45 =	vld [tilespmem:s25+$0x4060]  }
0x2b2: {  	v46 =	vld [tilespmem:s25+$0xC2A0];
	[tilespmem:v42+s6+$0x0] =	vst.idx.msk $0xffff, v43;
	v40 =	vadd.f32 v50, v40  }
0x2b3: {  	v42 =	vadd.s32 v7, v34;
	v43 =	vld [tilespmem:s25+$0x40A0]  }
0x2b4: {  	v47 =	vadd.f32 v49, v48;
	v48 =	vld [tilespmem:s25+$0xC2E0];
	[tilespmem:v51+s6+$0x0] =	vst.idx.msk $0xffff, v40  }
0x2b5: {  	v40 =	vadd.s32 v11, v35;
	v49 =	vld [tilespmem:s25+$0x40E0]  }
0x2b6: {  	[tilespmem:v44+s6+$0x0] =	vst.idx.msk $0xffff, v47;
	v41 =	vadd.f32 v45, v41;
	v44 =	vld [tilespmem:s25+$0xC320]  }
0x2b7: {  	v45 =	vadd.s32 v15, v36;
	v47 =	vld [tilespmem:s25+$0x4120]  }
0x2b8: {  	[tilespmem:v42+s6+$0x0] =	vst.idx.msk $0xffff, v41;
	v41 =	vadd.f32 v43, v46;
	v42 =	vld [tilespmem:s25+$0xC360]  }
0x2b9: {  	v43 =	vadd.s32 v19, v37;
	v46 =	vld [tilespmem:s25+$0x4160]  }
0x2ba: {  	[tilespmem:v40+s6+$0x0] =	vst.idx.msk $0xffff, v41;
	v40 =	vadd.f32 v49, v48;
	v41 =	vld [tilespmem:s25+$0xC3A0]  }
0x2bb: {  	v48 =	vadd.s32 v23, v39;
	v49 =	vld [tilespmem:s25+$0x41A0]  }
0x2bc: {  	v50 =	vld [tilespmem:s25+$0xC220];
	[tilespmem:v45+s6+$0x0] =	vst.idx.msk $0xffff, v40;
	v40 =	vadd.f32 v47, v44  }
0x2bd: {  	v45 =	vadd.s32 v27, v38;
	v44 =	vld [tilespmem:s25+$0x4020]  }
0x2be: {  	v47 =	vld [tilespmem:s25+$0xC270];
	[tilespmem:v43+s6+$0x0] =	vst.idx.msk $0xffff, v40;
	v40 =	vadd.f32 v46, v42  }
0x2bf: {  	v42 =	vadd.s32 v3, v33;
	v43 =	vld [tilespmem:s25+$0x4070]  }
0x2c0: {  	v46 =	vld [tilespmem:s25+$0xC2B0];
	[tilespmem:v48+s6+$0x0] =	vst.idx.msk $0xffff, v40;
	v40 =	vadd.f32 v49, v41  }
0x2c1: {  	v34 =	vadd.s32 v8, v34;
	v41 =	vld [tilespmem:s25+$0x40B0]  }
0x2c2: {  	v44 =	vadd.f32 v44, v50;
	v48 =	vld [tilespmem:s25+$0xC2F0];
	[tilespmem:v45+s6+$0x0] =	vst.idx.msk $0xffff, v40  }
0x2c3: {  	v35 =	vadd.s32 v12, v35;
	v40 =	vld [tilespmem:s25+$0x40F0]  }
0x2c4: {  	[tilespmem:v42+s6+$0x0] =	vst.idx.msk $0xffff, v44;
	v42 =	vadd.f32 v43, v47;
	v43 =	vld [tilespmem:s25+$0xC330]  }
0x2c5: {  	v44 =	vadd.s32 v16, v36;
	v45 =	vld [tilespmem:s25+$0x4130]  }
0x2c6: {  	[tilespmem:v34+s6+$0x0] =	vst.idx.msk $0xffff, v42;
	v34 =	vadd.f32 v41, v46;
	v47 =	vld [tilespmem:s25+$0xC370]  }
0x2c7: {  	v49 =	vadd.s32 v20, v37;
	v50 =	vld [tilespmem:s25+$0x4170]  }
.Ltmp4:
0x2c8: {  	[tilespmem:v35+s6+$0x0] =	vst.idx.msk $0xffff, v34;
	v37 =	vadd.f32 v40, v48;
	v35 =	vld [tilespmem:s25+$0xC3B0];
	(pc) =	sbr.rel @p1 .LBB2_11-.Ltmp4, $4  }
0x2c9: {  	s4 =	sadd.s32 $0x7, s26;
	v39 =	vadd.s32 v24, v39;
	v36 =	vld [tilespmem:s25+$0x41B0]  }
0x2ca: {  	s31 =	sadd.s32 $0x800, s31;
	v40 =	vmov s4;
	v34 =	vld [tilespmem:s25+$0xC230];
	[tilespmem:v44+s6+$0x0] =	vst.idx.msk $0xffff, v37;
	v43 =	vadd.f32 v45, v43  }
0x2cb: {  	v38 =	vadd.s32 v28, v38;
	v40 =	vshrl.u32 v40, $0x3;
	v37 =	vld [tilespmem:s25+$0x4030];
	s25 =	sshra.s32 s31, $0x2  }
0x2cc: {  	s26 =	sadd.s32 $0x8, s26;
	v46 =	vmov s2;
	v41 =	vshll.u32 v40, v1;
	v42 =	vld [tilespmem:s25+$0xC3C0];
	[tilespmem:v49+s6+$0x0] =	vst.idx.msk $0xffff, v43;
	v40 =	vadd.f32 v50, v47  }
0x2cd: {  	v44 =	vld [tilespmem:s25+$0xC200];
	_ =	sdelay $0x4  }
0x2ce: {  	v43 =	vld [tilespmem:s25+$0x41C0];
	v41 =	vbroadcast v41, $0x0;
	[tilespmem:$0x1FF40] =	vst v44  }
0x2cf: {  	v44 =	vld [tilespmem:s25+$0x4000]  }
0x2d0: {  	v61 =	vadd.s32 v29, v41;
	_ =	sdelay $0x2  }
0x2d1: {  	v42 =	vadd.f32 v43, v42  }
0x2d2: {  	[tilespmem:$0x1FF50] =	vst v44  }
0x2d3: {  	s4 =	sadd.s32 $0x1, s2;
	v45 =	vld [tilespmem:s25+$0xC240];
	[tilespmem:v61+s6+$0x0] =	vst.idx.msk $0xffff, v42  }
0x2d4: {  	v62 =	vmov s4;
	v44 =	vld [tilespmem:s25+$0xC3D0]  }
0x2d5: {  	v42 =	vshrl.u32 v62, $0x3;
	v53 =	vld [tilespmem:s25+$0x41D0]  }
0x2d6: {  	v49 =	vld [tilespmem:s25+$0x4040];
	v42 =	vshll.u32 v42, v1  }
0x2d7: {  	s10 =	sadd.s32 $0x2, s2;
	v56 =	vadd.s32 v30, v41;
	v50 =	vld [tilespmem:s25+$0xC280];
	v48 =	vbroadcast v42, $0x0  }
0x2d8: {  	v63 =	vmov s10;
	v51 =	vld [tilespmem:s25+$0x4080]  }
0x2d9: {  	v43 =	vshrl.u32 v63, $0x3;
	v52 =	vld [tilespmem:s25+$0xC2C0];
	v59 =	vadd.s32 v5, v48  }
0x2da: {  	v54 =	vshll.u32 v43, v1;
	v55 =	vld [tilespmem:s25+$0x40C0];
	v53 =	vadd.f32 v53, v44  }
0x2db: {  	v63 =	vbroadcast v54, $0x0;
	v54 =	vld [tilespmem:s25+$0xC300];
	[tilespmem:$0x1FF60] =	vst v41  }
0x2dc: {  	s21 =	sadd.s32 $0x3, s2;
	v49 =	vadd.f32 v49, v45;
	[tilespmem:v56+s6+$0x0] =	vst.idx.msk $0xffff, v53  }
0x2dd: {  	v57 =	vmov s21;
	v53 =	vld [tilespmem:s25+$0xC3E0]  }
0x2de: {  	s26 =	sadd.s32 $0x4, s2;
	v57 =	vshrl.u32 v57, $0x3;
	v60 =	vadd.s32 v9, v63;
	[tilespmem:v59+s6+$0x0] =	vst.idx.msk $0xffff, v49;
	v49 =	vld [tilespmem:s25+$0x41E0]  }
0x2df: {  	v57 =	vshll.u32 v57, v1;
	v62 =	vmov s26;
	v58 =	vld [tilespmem:s25+$0x4100]  }
0x2e0: {  	v47 =	vbroadcast v57, $0x0;
	v62 =	vshrl.u32 v62, $0x3;
	v41 =	vadd.s32 v31, v41;
	v61 =	vld [tilespmem:s25+$0xC340]  }
0x2e1: {  	s10 =	sadd.s32 $0x5, s2;
	v42 =	vld [tilespmem:s25+$0x4140];
	v43 =	vshll.u32 v62, v1;
	v50 =	vadd.f32 v51, v50  }
0x2e2: {  	s21 =	sadd.s32 $0x6, s2;
	v57 =	vld [tilespmem:s25+$0xC380];
	v51 =	vadd.s32 v13, v47;
	v45 =	vbroadcast v43, $0x0;
	v43 =	vmov s10  }
0x2e3: {  	v62 =	vld [tilespmem:s25+$0x4180];
	v44 =	vmov s21;
	[tilespmem:v60+s6+$0x0] =	vst.idx.msk $0xffff, v50;
	v56 =	vshrl.u32 v43, $0x3;
	v49 =	vadd.f32 v49, v53  }
0x2e4: {  	v56 =	vshll.u32 v56, v1;
	v59 =	vshrl.u32 v44, $0x3;
	v44 =	vld [tilespmem:s25+$0xC290]  }
0x2e5: {  	v50 =	vadd.s32 v17, v45;
	v60 =	vld [tilespmem:s25+$0xC250];
	v56 =	vbroadcast v56, $0x0;
	[tilespmem:v41+s6+$0x0] =	vst.idx.msk $0xffff, v49  }
0x2e6: {  	v52 =	vadd.f32 v55, v52;
	v49 =	vld [tilespmem:s25+$0xC3F0]  }
0x2e7: {  	v43 =	vadd.f32 v58, v54;
	v55 =	vld [tilespmem:s25+$0x4050];
	v54 =	vadd.s32 v21, v56  }
0x2e8: {  	v59 =	vshll.u32 v59, v1;
	[tilespmem:v51+s6+$0x0] =	vst.idx.msk $0xffff, v52;
	v52 =	vld [tilespmem:s25+$0x4090]  }
0x2e9: {  	v58 =	vbroadcast v59, $0x0;
	v59 =	vld [tilespmem:s25+$0xC2D0]  }
0x2ea: {  	[tilespmem:v50+s6+$0x0] =	vst.idx.msk $0xffff, v43;
	v50 =	vld [tilespmem:s25+$0x40D0];
	v41 =	vadd.f32 v42, v61  }
0x2eb: {  	v53 =	vld [tilespmem:s25+$0xC310];
	[tilespmem:$0x1FF70] =	vst v49  }
0x2ec: {  	v46 =	vshrl.u32 v46, $0x3;
	[tilespmem:v54+s6+$0x0] =	vst.idx.msk $0xffff, v41  }
0x2ed: {  	v46 =	vshll.u32 v46, v1;
	v42 =	vld [tilespmem:$0x1FF40]  }
0x2ee: {  	v46 =	vbroadcast v46, $0x0;
	v51 =	vadd.s32 v25, v58;
	v43 =	vld [tilespmem:$0x1FF50];
	_ =	sdelay $0x1  }
0x2ef: {  	v61 =	vadd.s32 v0, v46;
	v49 =	vld [tilespmem:s25+$0x41F0]  }
0x2f0: {  	v41 =	vadd.f32 v62, v57;
	v54 =	vld [tilespmem:s25+$0x4110]  }
0x2f1: {  	v57 =	vadd.s32 v6, v48;
	v62 =	vld [tilespmem:s25+$0xC350]  }
0x2f2: {  	[tilespmem:v51+s6+$0x0] =	vst.idx.msk $0xffff, v41;
	v41 =	vld [tilespmem:s25+$0x4150];
	v42 =	vadd.f32 v43, v42  }
0x2f3: {  	v51 =	vadd.s32 v10, v63;
	v43 =	vld [tilespmem:s25+$0xC390]  }
0x2f4: {  	[tilespmem:v61+s6+$0x0] =	vst.idx.msk $0xffff, v42;
	v42 =	vadd.f32 v55, v60;
	v55 =	vld [tilespmem:s25+$0x4190]  }
0x2f5: {  	v60 =	vadd.s32 v14, v47;
	v61 =	vld [tilespmem:s25+$0xC210]  }
0x2f6: {  	[tilespmem:v57+s6+$0x0] =	vst.idx.msk $0xffff, v42;
	v42 =	vadd.f32 v52, v44;
	v44 =	vld [tilespmem:s25+$0x4010]  }
0x2f7: {  	v52 =	vadd.s32 v18, v45;
	v57 =	vld [tilespmem:s25+$0xC260]  }
0x2f8: {  	[tilespmem:v51+s6+$0x0] =	vst.idx.msk $0xffff, v42;
	v42 =	vadd.f32 v50, v59;
	v50 =	vld [tilespmem:s25+$0x4060]  }
0x2f9: {  	v51 =	vadd.s32 v22, v56;
	v59 =	vld [tilespmem:s25+$0xC2A0]  }
0x2fa: {  	[tilespmem:v60+s6+$0x0] =	vst.idx.msk $0xffff, v42;
	v42 =	vadd.f32 v54, v53;
	v53 =	vld [tilespmem:s25+$0x40A0]  }
0x2fb: {  	v54 =	vadd.s32 v26, v58;
	v60 =	vld [tilespmem:s25+$0xC2E0]  }
0x2fc: {  	v41 =	vadd.f32 v41, v62;
	[tilespmem:v52+s6+$0x0] =	vst.idx.msk $0xffff, v42;
	v42 =	vld [tilespmem:s25+$0x40E0]  }
0x2fd: {  	v52 =	vadd.s32 v2, v46;
	v62 =	vld [tilespmem:s25+$0xC320]  }
0x2fe: {  	[tilespmem:v51+s6+$0x0] =	vst.idx.msk $0xffff, v41;
	v41 =	vadd.f32 v55, v43;
	v43 =	vld [tilespmem:s25+$0x4120]  }
0x2ff: {  	v51 =	vadd.s32 v7, v48;
	v55 =	vld [tilespmem:s25+$0xC360]  }
0x300: {  	v44 =	vadd.f32 v44, v61;
	[tilespmem:v54+s6+$0x0] =	vst.idx.msk $0xffff, v41;
	v41 =	vld [tilespmem:s25+$0x4160]  }
0x301: {  	v54 =	vadd.s32 v11, v63;
	v61 =	vld [tilespmem:s25+$0xC3A0]  }
0x302: {  	[tilespmem:v52+s6+$0x0] =	vst.idx.msk $0xffff, v44;
	v44 =	vadd.f32 v50, v57;
	v50 =	vld [tilespmem:s25+$0x41A0]  }
0x303: {  	v52 =	vadd.s32 v15, v47;
	v57 =	vld [tilespmem:s25+$0xC220]  }
0x304: {  	[tilespmem:v51+s6+$0x0] =	vst.idx.msk $0xffff, v44;
	v44 =	vadd.f32 v53, v59;
	v51 =	vld [tilespmem:s25+$0x4020]  }
0x305: {  	v53 =	vadd.s32 v19, v45;
	v59 =	vld [tilespmem:s25+$0xC270]  }
0x306: {  	v42 =	vadd.f32 v42, v60;
	[tilespmem:v54+s6+$0x0] =	vst.idx.msk $0xffff, v44;
	v44 =	vld [tilespmem:s25+$0x4070]  }
0x307: {  	v54 =	vadd.s32 v23, v56;
	v60 =	vld [tilespmem:s25+$0xC2B0]  }
0x308: {  	[tilespmem:v52+s6+$0x0] =	vst.idx.msk $0xffff, v42;
	v42 =	vadd.f32 v43, v62;
	v43 =	vld [tilespmem:s25+$0x40B0];
	v52 =	vadd.s32 v27, v58  }
0x309: {  	v62 =	vld [tilespmem:s25+$0xC2F0]  }
0x30a: {  	v41 =	vadd.f32 v41, v55;
	[tilespmem:v53+s6+$0x0] =	vst.idx.msk $0xffff, v42;
	v42 =	vld [tilespmem:s25+$0x40F0];
	v53 =	vadd.s32 v3, v46  }
0x30b: {  	[tilespmem:v39+s6+$0x0] =	vst.idx.msk $0xffff, v40;
	v61 =	vadd.f32 v50, v61;
	v55 =	vld [tilespmem:s25+$0xC330]  }
0x30c: {  	v35 =	vadd.f32 v36, v35;
	v50 =	vld [tilespmem:s25+$0x4130];
	[tilespmem:v54+s6+$0x0] =	vst.idx.msk $0xffff, v41  }
0x30d: {  	v57 =	vadd.f32 v51, v57;
	v54 =	vld [tilespmem:$0x1FF60];
	[tilespmem:v52+s6+$0x0] =	vst.idx.msk $0xffff, v61  }
0x30e: {  	v33 =	vadd.s32 v4, v33;
	v34 =	vadd.f32 v37, v34;
	[tilespmem:v38+s6+$0x0] =	vst.idx.msk $0xffff, v35;
	v37 =	vld [tilespmem:s25+$0xC3B0]  }
0x30f: {  	v35 =	vadd.s32 v12, v63;
	v63 =	vld [tilespmem:s25+$0x41B0];
	[tilespmem:v53+s6+$0x0] =	vst.idx.msk $0xffff, v57  }
0x310: {  	v61 =	vadd.s32 v16, v47;
	v38 =	vld [tilespmem:$0x1FF70]  }
0x311: {  	v58 =	vadd.s32 v28, v58;
	v39 =	vld [tilespmem:s25+$0xC370]  }
0x312: {  	v40 =	vadd.s32 v8, v48;
	v48 =	vld [tilespmem:s25+$0x4170];
	v53 =	vadd.f32 v43, v60;
	v36 =	vadd.s32 v32, v54  }
0x313: {  	v51 =	vadd.s32 v20, v45;
	v57 =	vadd.f32 v42, v62;
	[tilespmem:v33+s6+$0x0] =	vst.idx.msk $0xffff, v34;
	v52 =	vld [tilespmem:s25+$0xC230]  }
0x314: {  	v54 =	vadd.s32 v24, v56;
	v56 =	vld [tilespmem:s25+$0x4030];
	[tilespmem:v35+s6+$0x0] =	vst.idx.msk $0xffff, v53;
	v62 =	vadd.f32 v63, v37  }
0x315: {  	[tilespmem:v61+s6+$0x0] =	vst.idx.msk $0xffff, v57;
	v38 =	vadd.f32 v49, v38  }
0x316: {  	v60 =	vadd.s32 v4, v46;
	v49 =	vadd.f32 v44, v59;
	[tilespmem:v58+s6+$0x0] =	vst.idx.msk $0xffff, v62  }
0x317: {  	v59 =	vadd.f32 v50, v55;
	[tilespmem:v36+s6+$0x0] =	vst.idx.msk $0xffff, v38  }
0x318: {  	v61 =	vadd.f32 v48, v39;
	[tilespmem:v40+s6+$0x0] =	vst.idx.msk $0xffff, v49  }
0x319: {  	[tilespmem:v51+s6+$0x0] =	vst.idx.msk $0xffff, v59;
	v63 =	vadd.f32 v56, v52  }
0x31a: {  	[tilespmem:v54+s6+$0x0] =	vst.idx.msk $0xffff, v61  }
0x31b: {  	s4 =	sadd.s32 s17, s14;
	s26 =	simm.s32 $0x14600;
	[tilespmem:v60+s6+$0x0] =	vst.idx.msk $0xffff, v63  }
0x31c: {  	[hbm4b:s4+s3] =	stream.linear.scatter [tilespmem:s26], [sflag:$0xB], $0x80, $0x38;
	[tilespmem:$0x18A00] =	vst v63  }
0x31d: {  	s10 =	simm.s32 $0x14688;
	s21 =	sadd.s32 $0x10, s4  }
0x31e: {  	[hbm4b:s21+s3] =	stream.linear.scatter [tilespmem:s10], [sflag:$0xB], $0x80, $0x38;
	[tilespmem:$0x18A00] =	vst v63  }
0x31f: {  	s25 =	simm.s32 $0x14710;
	s26 =	sadd.s32 $0x20, s4  }
0x320: {  	[hbm4b:s26+s3] =	stream.linear.scatter [tilespmem:s25], [sflag:$0xB], $0x80, $0x38;
	[tilespmem:$0x18A00] =	vst v63  }
0x321: {  	s10 =	simm.s32 $0x14798;
	s21 =	sadd.s32 $0x30, s4  }
0x322: {  	[hbm4b:s21+s3] =	stream.linear.scatter [tilespmem:s10], [sflag:$0xB], $0x80, $0x38;
	[tilespmem:$0x18A00] =	vst v63  }
0x323: {  	s25 =	simm.s32 $0x14820;
	s26 =	sadd.s32 $0x40, s4  }
0x324: {  	[hbm4b:s26+s3] =	stream.linear.scatter [tilespmem:s25], [sflag:$0xB], $0x80, $0x38;
	[tilespmem:$0x18A00] =	vst v63  }
0x325: {  	s31 =	simm.s32 $0x149B8;
	s10 =	simm.s32 $0x148A8;
	s21 =	sadd.s32 $0x50, s4  }
0x326: {  	[hbm4b:s21+s3] =	stream.linear.scatter [tilespmem:s10], [sflag:$0xB], $0x80, $0x38;
	[tilespmem:$0x18A00] =	vst v63  }
0x327: {  	s2 =	simm.s32 $0x440;
	s25 =	simm.s32 $0x14930;
	s26 =	sadd.s32 $0x60, s4  }
0x328: {  	[hbm4b:s26+s3] =	stream.linear.scatter [tilespmem:s25], [sflag:$0xB], $0x80, $0x38;
	[tilespmem:$0x18A00] =	vst v63  }
0x329: {  	s21 =	sadd.s32 $0x70, s4;
	s26 =	simm.s32 $0x2200;
	s25 =	sadd.s32 $0x200, s4  }
.LBB2_13:
0x32a: {  	[hbm4b:s21+s3] =	stream.linear.scatter [tilespmem:s31], [sflag:$0xB], $0x80, $0x38;
	[tilespmem:$0x18A00] =	vst v63  }
0x32b: {  	s4 =	smov.u32 s2;
	s2 =	smov.u32 s26  }
0x32c: {  	s10 =	sadd.s32 $0x1100, s26;
	s2 =	sshra.s32 s2, $0x2;
	s21 =	sadd.s32 $0x14600, s4  }
0x32d: {  	[hbm4b:s25+s3] =	stream.linear.scatter [tilespmem:s21], [sflag:$0xB], $0x80, $0x38;
	[tilespmem:$0x18A00] =	vst v63  }
0x32e: {  	p1 =	sne.s32 s26, $0x7700;
	s26 =	sadd.s32 $0x10, s25;
	s21 =	sadd.s32 $0x14688, s4  }
0x32f: {  	[hbm4b:s26+s3] =	stream.linear.scatter [tilespmem:s21], [sflag:$0xB], $0x80, $0x38;
	[tilespmem:$0x18A00] =	vst v63  }
0x330: {  	s21 =	sadd.s32 $0x14710, s4;
	s26 =	sadd.s32 $0x20, s25  }
0x331: {  	[hbm4b:s26+s3] =	stream.linear.scatter [tilespmem:s21], [sflag:$0xB], $0x80, $0x38;
	[tilespmem:$0x18A00] =	vst v63  }
0x332: {  	s21 =	sadd.s32 $0x14798, s4;
	s26 =	sadd.s32 $0x30, s25  }
0x333: {  	[hbm4b:s26+s3] =	stream.linear.scatter [tilespmem:s21], [sflag:$0xB], $0x80, $0x38;
	[tilespmem:$0x18A00] =	vst v63  }
0x334: {  	s21 =	sadd.s32 $0x14820, s4;
	s26 =	sadd.s32 $0x40, s25  }
0x335: {  	[hbm4b:s26+s3] =	stream.linear.scatter [tilespmem:s21], [sflag:$0xB], $0x80, $0x38;
	[tilespmem:$0x18A00] =	vst v63  }
.Ltmp5:
0x336: {  	s21 =	sadd.s32 $0x148A8, s4;
	s26 =	sadd.s32 $0x50, s25;
	(pc) =	sbr.rel @p1 .LBB2_13-.Ltmp5, $4  }
0x337: {  	[hbm4b:s26+s3] =	stream.linear.scatter [tilespmem:s21], [sflag:$0xB], $0x80, $0x38;
	[tilespmem:$0x18A00] =	vst v63  }
0x338: {  	s31 =	sadd.s32 $0x149B8, s4;
	s21 =	sadd.s32 $0x14930, s4;
	s26 =	sadd.s32 $0x60, s25  }
0x339: {  	[hbm4b:s26+s3] =	stream.linear.scatter [tilespmem:s21], [sflag:$0xB], $0x80, $0x38;
	[tilespmem:$0x18A00] =	vst v63  }
0x33a: {  	s21 =	sadd.s32 $0x70, s25;
	s25 =	sadd.s32 $0x200, s25;
	s26 =	smov.u32 s10  }
0x33b: {  	[hbm4b:s21+s3] =	stream.linear.scatter [tilespmem:s31], [sflag:$0xB], $0x80, $0x38;
	[tilespmem:$0x18A00] =	vst v63  }
0x33c: {  	s4 =	sadd.s32 $0x14600, s2  }
0x33d: {  	[hbm4b:s25+s3] =	stream.linear.scatter [tilespmem:s4], [sflag:$0xB], $0x80, $0x38;
	[tilespmem:$0x18A00] =	vst v63  }
0x33e: {  	s21 =	sadd.s32 $0x14688, s2;
	s10 =	sadd.s32 $0x10, s25  }
0x33f: {  	[hbm4b:s10+s3] =	stream.linear.scatter [tilespmem:s21], [sflag:$0xB], $0x80, $0x38;
	[tilespmem:$0x18A00] =	vst v63  }
0x340: {  	s26 =	sadd.s32 $0x14710, s2;
	s31 =	sadd.s32 $0x20, s25  }
0x341: {  	[hbm4b:s31+s3] =	stream.linear.scatter [tilespmem:s26], [sflag:$0xB], $0x80, $0x38;
	[tilespmem:$0x18A00] =	vst v63  }
0x342: {  	s10 =	sadd.s32 $0x14798, s2;
	s21 =	sadd.s32 $0x30, s25  }
0x343: {  	[hbm4b:s21+s3] =	stream.linear.scatter [tilespmem:s10], [sflag:$0xB], $0x80, $0x38;
	[tilespmem:$0x18A00] =	vst v63  }
0x344: {  	s26 =	sadd.s32 $0x14820, s2;
	s31 =	sadd.s32 $0x40, s25  }
0x345: {  	[hbm4b:s31+s3] =	stream.linear.scatter [tilespmem:s26], [sflag:$0xB], $0x80, $0x38;
	[tilespmem:$0x18A00] =	vst v63  }
0x346: {  	s10 =	sadd.s32 $0x148A8, s2;
	s21 =	sadd.s32 $0x50, s25  }
0x347: {  	[hbm4b:s21+s3] =	stream.linear.scatter [tilespmem:s10], [sflag:$0xB], $0x80, $0x38;
	[tilespmem:$0x18A00] =	vst v63  }
0x348: {  	s26 =	sadd.s32 $0x14930, s2;
	s31 =	sadd.s32 $0x60, s25  }
0x349: {  	[hbm4b:s31+s3] =	stream.linear.scatter [tilespmem:s26], [sflag:$0xB], $0x80, $0x38;
	[tilespmem:$0x18A00] =	vst v63  }
0x34a: {  	s10 =	sadd.s32 $0x149B8, s2;
	s21 =	sadd.s32 $0x70, s25  }
0x34b: {  	[hbm4b:s21+s3] =	stream.linear.scatter [tilespmem:s10], [sflag:$0xB], $0x80, $0x38;
	[tilespmem:$0x18A00] =	vst v63  }
0x34c: {  	_ =	swait.ge [sflag:s7], $0x2000  }
0x34d: {  	s4 =	simm.s32 @!p0 $0x0;
	[sflag:s7] =	ssyncset.done $0x0  }
0x34e: {  	s2 =	sadd.s32 @!p0 s18, s15;
	s10 =	simm.s32 @!p0 $0x8100;
	[sflag:s7] =	ssyncadd.s32 $0xFFFFE000  }
0x34f: {  	[tilespmem:s10], [sflag:$0x3] =	stream.linear.gather @!p0 [hbm4b:s2+s4], $0x80, $0x38;
	[tilespmem:$0x18A00] =	vst v63  }
0x350: {  	s2 =	simm.s32 @!p0 $0xA  }
0x351: {  	_ =	swait.ge @!p0 [sflag:s2], $0x2000  }
0x352: {  	[sflag:s2] =	ssyncset.done @!p0 $0x0  }
0x353: {  	[sflag:s2] =	ssyncadd.s32 @!p0 $0xFFFFE000;
	s2 =	simm.s32 @!p0 $0x2  }
0x354: {  	s25 =	simm.s32 $0x7;
	_ =	swait.ge @!p0 [sflag:s2], $0x80  }
0x355: {  	v33 =	vmov s25;
	s25 =	simm.s32 $0x0;
	s4 =	simm.s32 @!p0 $0x8080;
	[sflag:s2] =	ssyncset.done @!p0 $0x0  }
0x356: {  	s10 =	simm.s32 @!p0 $0xA200;
	[sflag:s2] =	ssyncadd.s32 @!p0 $0xFFFFFF80;
	s2 =	simm.s32 @!p0 $0x80  }
0x357: {  	v33 =	vshrl.u32 v33, $0x3;
	[tilespmem:s10], [sflag:$0x6] =	stream.indirect.gather @!p0 [hbm4b:s5+s2], $0x40, s4, s2, $0xb8;
	[tilespmem:$0x18A00] =	vst v63  }
0x358: {  	v33 =	vshll.u32 v33, v1;
	v35 =	vld [tilespmem:s25+$0xE3C0]  }
0x359: {  	v34 =	vbroadcast v33, $0x0;
	v36 =	vld [tilespmem:s25+$0x61C0]  }
0x35a: {  	v37 =	vld [tilespmem:s25+$0xE200]  }
0x35b: {  	v33 =	vadd.s32 v29, v34;
	v38 =	vld [tilespmem:s25+$0x6000]  }
0x35c: {  	v39 =	vld [tilespmem:s25+$0xE240]  }
0x35d: {  	v40 =	vld [tilespmem:s25+$0x6040]  }
0x35e: {  	s26 =	simm.s32 $0x1;
	v41 =	vld [tilespmem:s25+$0xE280];
	v35 =	vadd.f32 v36, v35  }
0x35f: {  	s31 =	simm.s32 $0x2;
	v56 =	vmov s26;
	s4 =	simm.s32 $0x3;
	v42 =	vld [tilespmem:s25+$0x6080]  }
0x360: {  	v57 =	vmov s31;
	s10 =	simm.s32 $0x4;
	v43 =	vld [tilespmem:s25+$0xE2C0];
	v48 =	vmov s4;
	[tilespmem:v33+s8+$0x0] =	vst.idx.msk $0xffff, v35  }
0x361: {  	v47 =	vadd.s32 v30, v34;
	v53 =	vmov s10;
	v48 =	vshrl.u32 v48, $0x3;
	v44 =	vld [tilespmem:s25+$0xE3D0]  }
0x362: {  	v58 =	vshrl.u32 v53, $0x3;
	v48 =	vshll.u32 v48, v1;
	v33 =	vshrl.u32 v56, $0x3;
	v45 =	vld [tilespmem:s25+$0x61D0]  }
0x363: {  	v46 =	vld [tilespmem:s25+$0x60C0];
	v48 =	vbroadcast v48, $0x0;
	v35 =	vshrl.u32 v57, $0x3;
	v33 =	vshll.u32 v33, v1  }
0x364: {  	v49 =	vld [tilespmem:s25+$0x6100];
	v59 =	vshll.u32 v58, v1;
	v35 =	vshll.u32 v35, v1;
	v36 =	vbroadcast v33, $0x0  }
0x365: {  	v52 =	vld [tilespmem:s25+$0xE340];
	v41 =	vadd.f32 v42, v41;
	v42 =	vadd.s32 v13, v48;
	v35 =	vbroadcast v35, $0x0  }
0x366: {  	v39 =	vadd.f32 v40, v39;
	v40 =	vbroadcast v59, $0x0;
	v33 =	vld [tilespmem:s25+$0xE300];
	v50 =	vadd.s32 v5, v36  }
0x367: {  	v54 =	vld [tilespmem:s25+$0x6140];
	v51 =	vadd.s32 v9, v35;
	v44 =	vadd.f32 v45, v44  }
0x368: {  	v53 =	vld [tilespmem:s25+$0xE380];
	v43 =	vadd.f32 v46, v43;
	v63 =	vadd.s32 v17, v40  }
0x369: {  	s26 =	simm.s32 $0x0;
	v45 =	vld [tilespmem:s25+$0x6180];
	[tilespmem:v47+s8+$0x0] =	vst.idx.msk $0xffff, v44  }
0x36a: {  	s18 =	simm.s32 $0x5;
	v56 =	vmov s26;
	[tilespmem:v42+s8+$0x0] =	vst.idx.msk $0xffff, v43;
	v44 =	vld [tilespmem:s25+$0xE3E0]  }
0x36b: {  	v60 =	vmov s18;
	v56 =	vshrl.u32 v56, $0x3;
	v33 =	vadd.f32 v49, v33;
	[tilespmem:v50+s8+$0x0] =	vst.idx.msk $0xffff, v39;
	v61 =	vld [tilespmem:s25+$0x61E0]  }
0x36c: {  	v47 =	vshrl.u32 v60, $0x3;
	v60 =	vshll.u32 v56, v1;
	[tilespmem:v51+s8+$0x0] =	vst.idx.msk $0xffff, v41;
	v41 =	vld [tilespmem:s25+$0x60D0]  }
0x36d: {  	v55 =	vadd.s32 v31, v34;
	v47 =	vshll.u32 v47, v1;
	[tilespmem:v63+s8+$0x0] =	vst.idx.msk $0xffff, v33;
	v33 =	vbroadcast v60, $0x0;
	v51 =	vld [tilespmem:s25+$0xE250]  }
0x36e: {  	s21 =	simm.s32 $0x6;
	v46 =	vld [tilespmem:s25+$0x6050];
	v47 =	vbroadcast v47, $0x0  }
0x36f: {  	v62 =	vmov s21;
	v57 =	vld [tilespmem:s25+$0xE290];
	v63 =	vadd.s32 v0, v33  }
0x370: {  	v50 =	vshrl.u32 v62, $0x3;
	v42 =	vld [tilespmem:s25+$0x6090];
	v43 =	vadd.s32 v21, v47;
	v39 =	vadd.f32 v61, v44  }
0x371: {  	v50 =	vshll.u32 v50, v1;
	v56 =	vld [tilespmem:s25+$0xE310]  }
0x372: {  	v37 =	vadd.f32 v38, v37;
	v49 =	vbroadcast v50, $0x0;
	v50 =	vld [tilespmem:s25+$0xE2D0];
	[tilespmem:v55+s8+$0x0] =	vst.idx.msk $0xffff, v39  }
0x373: {  	v62 =	vadd.f32 v54, v52;
	v52 =	vld [tilespmem:s25+$0xE3F0]  }
0x374: {  	v60 =	vadd.s32 v10, v35;
	[tilespmem:v63+s8+$0x0] =	vst.idx.msk $0xffff, v37;
	v55 =	vld [tilespmem:s25+$0x61F0]  }
0x375: {  	v61 =	vadd.s32 v25, v49;
	[tilespmem:v43+s8+$0x0] =	vst.idx.msk $0xffff, v62;
	v43 =	vld [tilespmem:s25+$0x6110]  }
0x376: {  	v54 =	vld [tilespmem:s25+$0xE210]  }
0x377: {  	v59 =	vadd.s32 v6, v36;
	v63 =	vadd.f32 v42, v57;
	v42 =	vld [tilespmem:s25+$0x6010]  }
0x378: {  	v58 =	vadd.f32 v45, v53;
	v53 =	vld [tilespmem:s25+$0xE350]  }
0x379: {  	v62 =	vadd.s32 v14, v48;
	v38 =	vld [tilespmem:s25+$0x6150];
	[tilespmem:v60+s8+$0x0] =	vst.idx.msk $0xffff, v63  }
0x37a: {  	v60 =	vadd.f32 v41, v50;
	[tilespmem:v61+s8+$0x0] =	vst.idx.msk $0xffff, v58;
	v61 =	vadd.f32 v46, v51;
	v50 =	vld [tilespmem:s25+$0xE2A0]  }
0x37b: {  	v44 =	vld [tilespmem:s25+$0xE390]  }
0x37c: {  	v45 =	vadd.s32 v18, v40;
	v46 =	vld [tilespmem:s25+$0x6190];
	[tilespmem:v59+s8+$0x0] =	vst.idx.msk $0xffff, v61  }
0x37d: {  	v57 =	vld [tilespmem:s25+$0xE260]  }
0x37e: {  	v61 =	vadd.s32 v22, v47;
	v39 =	vld [tilespmem:s25+$0x6060]  }
0x37f: {  	[tilespmem:v62+s8+$0x0] =	vst.idx.msk $0xffff, v60;
	v62 =	vadd.f32 v43, v56;
	v43 =	vld [tilespmem:s25+$0x60A0]  }
0x380: {  	v59 =	vadd.s32 v2, v33;
	v56 =	vld [tilespmem:s25+$0xE2E0]  }
0x381: {  	v58 =	vadd.f32 v38, v53;
	v38 =	vld [tilespmem:s25+$0x60E0];
	[tilespmem:v45+s8+$0x0] =	vst.idx.msk $0xffff, v62  }
0x382: {  	v63 =	vadd.s32 v26, v49;
	v53 =	vld [tilespmem:s25+$0xE320]  }
0x383: {  	v42 =	vadd.f32 v42, v54;
	v41 =	vld [tilespmem:s25+$0x6120];
	[tilespmem:v61+s8+$0x0] =	vst.idx.msk $0xffff, v58  }
0x384: {  	v62 =	vadd.s32 v11, v35;
	v60 =	vadd.f32 v46, v44;
	v46 =	vld [tilespmem:s25+$0xE360]  }
0x385: {  	v61 =	vadd.s32 v7, v36;
	[tilespmem:v59+s8+$0x0] =	vst.idx.msk $0xffff, v42;
	v37 =	vld [tilespmem:s25+$0x6160]  }
0x386: {  	v39 =	vadd.f32 v39, v57;
	v57 =	vld [tilespmem:s25+$0xE220]  }
0x387: {  	[tilespmem:v63+s8+$0x0] =	vst.idx.msk $0xffff, v60;
	v60 =	vadd.f32 v43, v50;
	v43 =	vld [tilespmem:s25+$0x6020]  }
0x388: {  	v63 =	vadd.s32 v15, v48;
	v54 =	vld [tilespmem:s25+$0xE3A0]  }
0x389: {  	v42 =	vld [tilespmem:s25+$0x61A0];
	[tilespmem:v62+s8+$0x0] =	vst.idx.msk $0xffff, v60  }
0x38a: {  	v38 =	vadd.f32 v38, v56;
	v56 =	vld [tilespmem:s25+$0xE2B0];
	[tilespmem:v61+s8+$0x0] =	vst.idx.msk $0xffff, v39;
	v61 =	vadd.s32 v19, v40  }
0x38b: {  	v50 =	vld [tilespmem:s25+$0xE270]  }
0x38c: {  	v62 =	vadd.s32 v23, v47;
	v39 =	vld [tilespmem:s25+$0x6070]  }
0x38d: {  	v34 =	vadd.s32 v32, v34;
	[tilespmem:v63+s8+$0x0] =	vst.idx.msk $0xffff, v38;
	v63 =	vadd.f32 v41, v53;
	v41 =	vld [tilespmem:s25+$0x60B0]  }
0x38e: {  	v58 =	vadd.s32 v27, v49;
	v53 =	vld [tilespmem:s25+$0xE2F0]  }
0x38f: {  	v37 =	vadd.f32 v37, v46;
	v38 =	vadd.s32 v3, v33;
	v44 =	vld [tilespmem:s25+$0x60F0];
	[tilespmem:v61+s8+$0x0] =	vst.idx.msk $0xffff, v63  }
0x390: {  	v59 =	vadd.f32 v55, v52;
	v36 =	vadd.s32 v8, v36;
	v52 =	vld [tilespmem:s25+$0xE330]  }
0x391: {  	v60 =	vadd.f32 v42, v54;
	[tilespmem:v62+s8+$0x0] =	vst.idx.msk $0xffff, v37;
	v61 =	vadd.s32 v12, v35;
	v62 =	vld [tilespmem:s25+$0x6130]  }
0x392: {  	[tilespmem:v34+s8+$0x0] =	vst.idx.msk $0xffff, v59;
	v54 =	vadd.s32 v16, v48;
	v55 =	vld [tilespmem:s25+$0xE370];
	v63 =	vadd.f32 v43, v57  }
0x393: {  	v40 =	vadd.s32 v20, v40;
	[tilespmem:v58+s8+$0x0] =	vst.idx.msk $0xffff, v60;
	v58 =	vld [tilespmem:s25+$0x6170];
	v57 =	vadd.f32 v39, v50  }
0x394: {  	v35 =	vld [tilespmem:s25+$0xE3B0];
	v59 =	vadd.f32 v41, v56;
	[tilespmem:v38+s8+$0x0] =	vst.idx.msk $0xffff, v63  }
0x395: {  	s31 =	simm.s32 $0xF;
	v39 =	vadd.s32 v24, v47;
	v60 =	vadd.f32 v44, v53;
	[tilespmem:v36+s8+$0x0] =	vst.idx.msk $0xffff, v57;
	v36 =	vld [tilespmem:s25+$0x61B0]  }
0x396: {  	v34 =	vld [tilespmem:s25+$0xE230];
	[tilespmem:v61+s8+$0x0] =	vst.idx.msk $0xffff, v59;
	v61 =	vmov s31;
	v62 =	vadd.f32 v62, v52  }
0x397: {  	s18 =	simm.s32 $0x200;
	s2 =	simm.s32 $0x8;
	v38 =	vadd.s32 v28, v49;
	v37 =	vld [tilespmem:s25+$0x6030];
	[tilespmem:v54+s8+$0x0] =	vst.idx.msk $0xffff, v60;
	v63 =	vshrl.u32 v61, $0x3  }
0x398: {  	s26 =	simm.s32 $0x10;
	v46 =	vmov s2;
	v42 =	vld [tilespmem:s18+$0xE3C0];
	s25 =	simm.s32 $0x800;
	v41 =	vshll.u32 v63, v1;
	[tilespmem:v40+s8+$0x0] =	vst.idx.msk $0xffff, v62;
	v40 =	vadd.f32 v58, v55  }
.LBB2_15:
0x399: {  	p0 =	slt.u32 s26, $0x78;
	v43 =	vshrl.u32 v46, $0x3;
	s4 =	sadd.s32 $0x1, s2;
	v44 =	vld [tilespmem:s18+$0x61C0];
	v41 =	vbroadcast v41, $0x0;
	v45 =	vadd.s32 v4, v33  }
0x39a: {  	v46 =	vld [tilespmem:s18+$0xE200];
	v33 =	vshll.u32 v43, v1;
	v43 =	vmov s4;
	[tilespmem:v39+s8+$0x0] =	vst.idx.msk $0xffff, v40;
	v35 =	vadd.f32 v36, v35  }
0x39b: {  	s4 =	sadd.s32 $0x2, s2;
	v36 =	vld [tilespmem:s18+$0x6000];
	v33 =	vbroadcast v33, $0x0;
	v39 =	vshrl.u32 v43, $0x3;
	v40 =	vadd.s32 v29, v41  }
0x39c: {  	v47 =	vmov s4;
	v43 =	vld [tilespmem:s18+$0xE240];
	v39 =	vshll.u32 v39, v1;
	v37 =	vadd.f32 v37, v34;
	[tilespmem:v38+s8+$0x0] =	vst.idx.msk $0xffff, v35  }
0x39d: {  	v35 =	vshrl.u32 v47, $0x3;
	v38 =	vadd.s32 v0, v33;
	v48 =	vld [tilespmem:s18+$0x6040];
	v34 =	vbroadcast v39, $0x0  }
0x39e: {  	v35 =	vshll.u32 v35, v1;
	v39 =	vld [tilespmem:s18+$0xE280];
	v42 =	vadd.f32 v44, v42;
	[tilespmem:v45+s8+$0x0] =	vst.idx.msk $0xffff, v37  }
0x39f: {  	s4 =	sadd.s32 $0x3, s2;
	v35 =	vbroadcast v35, $0x0;
	v37 =	vadd.s32 v5, v34;
	v44 =	vld [tilespmem:s18+$0x6080]  }
0x3a0: {  	v45 =	vmov s4;
	s4 =	sadd.s32 $0x4, s2;
	v36 =	vadd.f32 v36, v46;
	v46 =	vld [tilespmem:s18+$0xE2C0];
	[tilespmem:v40+s8+$0x0] =	vst.idx.msk $0xffff, v42  }
0x3a1: {  	v40 =	vadd.s32 v9, v35;
	v42 =	vshrl.u32 v45, $0x3;
	v45 =	vmov s4;
	v47 =	vld [tilespmem:s18+$0xE3D0]  }
0x3a2: {  	s4 =	sadd.s32 $0x5, s2;
	[tilespmem:v38+s8+$0x0] =	vst.idx.msk $0xffff, v36;
	v38 =	vadd.f32 v48, v43;
	v36 =	vshll.u32 v42, v1;
	v42 =	vshrl.u32 v45, $0x3;
	v43 =	vld [tilespmem:s18+$0x61D0]  }
0x3a3: {  	v48 =	vmov s4;
	s4 =	sadd.s32 $0x6, s2;
	s2 =	smov.u32 s26;
	v45 =	vld [tilespmem:s18+$0x60C0];
	v36 =	vbroadcast v36, $0x0;
	v42 =	vshll.u32 v42, v1  }
0x3a4: {  	v49 =	vadd.s32 v30, v41;
	[tilespmem:v37+s8+$0x0] =	vst.idx.msk $0xffff, v38;
	v38 =	vadd.f32 v44, v39;
	v44 =	vld [tilespmem:s18+$0xE300];
	v39 =	vmov s4  }
0x3a5: {  	v37 =	vbroadcast v42, $0x0;
	v42 =	vshrl.u32 v48, $0x3;
	v50 =	vadd.s32 v13, v36;
	v51 =	vld [tilespmem:s18+$0x6100]  }
0x3a6: {  	[tilespmem:v40+s8+$0x0] =	vst.idx.msk $0xffff, v38;
	v40 =	vld [tilespmem:s18+$0xE340];
	v38 =	vshll.u32 v42, v1;
	v42 =	vshrl.u32 v39, $0x3  }
0x3a7: {  	v48 =	vadd.s32 v17, v37;
	v52 =	vld [tilespmem:s18+$0x6140];
	v39 =	vbroadcast v38, $0x0;
	v43 =	vadd.f32 v43, v47  }
0x3a8: {  	v38 =	vshll.u32 v42, v1;
	v45 =	vadd.f32 v45, v46;
	v46 =	vld [tilespmem:s18+$0xE380]  }
0x3a9: {  	v38 =	vbroadcast v38, $0x0;
	v42 =	vadd.s32 v21, v39;
	v47 =	vld [tilespmem:s18+$0x6180];
	[tilespmem:v49+s8+$0x0] =	vst.idx.msk $0xffff, v43  }
0x3aa: {  	[tilespmem:v50+s8+$0x0] =	vst.idx.msk $0xffff, v45;
	v43 =	vadd.f32 v51, v44;
	v44 =	vld [tilespmem:s18+$0xE3E0]  }
0x3ab: {  	v45 =	vadd.s32 v25, v38;
	v49 =	vld [tilespmem:s18+$0x61E0]  }
0x3ac: {  	v50 =	vld [tilespmem:s18+$0xE250];
	[tilespmem:v48+s8+$0x0] =	vst.idx.msk $0xffff, v43;
	v40 =	vadd.f32 v52, v40  }
0x3ad: {  	v48 =	vadd.s32 v31, v41;
	v43 =	vld [tilespmem:s18+$0x6050]  }
0x3ae: {  	v51 =	vld [tilespmem:s18+$0xE290];
	[tilespmem:v42+s8+$0x0] =	vst.idx.msk $0xffff, v40;
	v40 =	vadd.f32 v47, v46  }
0x3af: {  	v42 =	vadd.s32 v6, v34;
	v46 =	vld [tilespmem:s18+$0x6090]  }
0x3b0: {  	v47 =	vld [tilespmem:s18+$0xE2D0];
	[tilespmem:v45+s8+$0x0] =	vst.idx.msk $0xffff, v40;
	v40 =	vadd.f32 v49, v44  }
0x3b1: {  	v44 =	vadd.s32 v10, v35;
	v45 =	vld [tilespmem:s18+$0x60D0]  }
0x3b2: {  	v43 =	vadd.f32 v43, v50;
	v49 =	vld [tilespmem:s18+$0xE310];
	[tilespmem:v48+s8+$0x0] =	vst.idx.msk $0xffff, v40  }
0x3b3: {  	v40 =	vadd.s32 v14, v36;
	v48 =	vld [tilespmem:s18+$0xE3F0]  }
0x3b4: {  	[tilespmem:v42+s8+$0x0] =	vst.idx.msk $0xffff, v43;
	v42 =	vadd.f32 v46, v51;
	v43 =	vld [tilespmem:s18+$0x61F0]  }
0x3b5: {  	v46 =	vld [tilespmem:s18+$0x6110]  }
0x3b6: {  	v41 =	vadd.s32 v32, v41;
	[tilespmem:v44+s8+$0x0] =	vst.idx.msk $0xffff, v42;
	v42 =	vadd.f32 v45, v47;
	v44 =	vld [tilespmem:s18+$0xE350]  }
0x3b7: {  	v45 =	vadd.s32 v18, v37;
	v47 =	vld [tilespmem:s18+$0x6150]  }
0x3b8: {  	[tilespmem:v40+s8+$0x0] =	vst.idx.msk $0xffff, v42;
	v40 =	vld [tilespmem:s18+$0xE390]  }
0x3b9: {  	v42 =	vadd.s32 v22, v39;
	v50 =	vld [tilespmem:s18+$0x6190];
	v43 =	vadd.f32 v43, v48  }
0x3ba: {  	v48 =	vld [tilespmem:s18+$0xE210];
	v46 =	vadd.f32 v46, v49  }
0x3bb: {  	v51 =	vadd.s32 v26, v38;
	v49 =	vld [tilespmem:s18+$0x6010];
	[tilespmem:v41+s8+$0x0] =	vst.idx.msk $0xffff, v43  }
0x3bc: {  	v41 =	vld [tilespmem:s18+$0xE260];
	[tilespmem:v45+s8+$0x0] =	vst.idx.msk $0xffff, v46;
	v43 =	vadd.f32 v47, v44  }
0x3bd: {  	v44 =	vadd.s32 v2, v33;
	v45 =	vld [tilespmem:s18+$0x6060]  }
0x3be: {  	v46 =	vld [tilespmem:s18+$0xE2A0];
	[tilespmem:v42+s8+$0x0] =	vst.idx.msk $0xffff, v43;
	v40 =	vadd.f32 v50, v40  }
0x3bf: {  	v42 =	vadd.s32 v7, v34;
	v43 =	vld [tilespmem:s18+$0x60A0]  }
0x3c0: {  	v47 =	vadd.f32 v49, v48;
	v48 =	vld [tilespmem:s18+$0xE2E0];
	[tilespmem:v51+s8+$0x0] =	vst.idx.msk $0xffff, v40  }
0x3c1: {  	v40 =	vadd.s32 v11, v35;
	v49 =	vld [tilespmem:s18+$0x60E0]  }
0x3c2: {  	[tilespmem:v44+s8+$0x0] =	vst.idx.msk $0xffff, v47;
	v41 =	vadd.f32 v45, v41;
	v44 =	vld [tilespmem:s18+$0xE320]  }
0x3c3: {  	v45 =	vadd.s32 v15, v36;
	v47 =	vld [tilespmem:s18+$0x6120]  }
0x3c4: {  	[tilespmem:v42+s8+$0x0] =	vst.idx.msk $0xffff, v41;
	v41 =	vadd.f32 v43, v46;
	v42 =	vld [tilespmem:s18+$0xE360]  }
0x3c5: {  	v43 =	vadd.s32 v19, v37;
	v46 =	vld [tilespmem:s18+$0x6160]  }
0x3c6: {  	[tilespmem:v40+s8+$0x0] =	vst.idx.msk $0xffff, v41;
	v40 =	vadd.f32 v49, v48;
	v41 =	vld [tilespmem:s18+$0xE3A0]  }
0x3c7: {  	v48 =	vadd.s32 v23, v39;
	v49 =	vld [tilespmem:s18+$0x61A0]  }
0x3c8: {  	v50 =	vld [tilespmem:s18+$0xE220];
	[tilespmem:v45+s8+$0x0] =	vst.idx.msk $0xffff, v40;
	v40 =	vadd.f32 v47, v44  }
0x3c9: {  	v45 =	vadd.s32 v27, v38;
	v44 =	vld [tilespmem:s18+$0x6020]  }
0x3ca: {  	v47 =	vld [tilespmem:s18+$0xE270];
	[tilespmem:v43+s8+$0x0] =	vst.idx.msk $0xffff, v40;
	v40 =	vadd.f32 v46, v42  }
0x3cb: {  	v42 =	vadd.s32 v3, v33;
	v43 =	vld [tilespmem:s18+$0x6070]  }
0x3cc: {  	v46 =	vld [tilespmem:s18+$0xE2B0];
	[tilespmem:v48+s8+$0x0] =	vst.idx.msk $0xffff, v40;
	v40 =	vadd.f32 v49, v41  }
0x3cd: {  	v34 =	vadd.s32 v8, v34;
	v41 =	vld [tilespmem:s18+$0x60B0]  }
0x3ce: {  	v44 =	vadd.f32 v44, v50;
	v48 =	vld [tilespmem:s18+$0xE2F0];
	[tilespmem:v45+s8+$0x0] =	vst.idx.msk $0xffff, v40  }
0x3cf: {  	v35 =	vadd.s32 v12, v35;
	v40 =	vld [tilespmem:s18+$0x60F0]  }
0x3d0: {  	[tilespmem:v42+s8+$0x0] =	vst.idx.msk $0xffff, v44;
	v42 =	vadd.f32 v43, v47;
	v43 =	vld [tilespmem:s18+$0xE330]  }
0x3d1: {  	v44 =	vadd.s32 v16, v36;
	v45 =	vld [tilespmem:s18+$0x6130]  }
0x3d2: {  	[tilespmem:v34+s8+$0x0] =	vst.idx.msk $0xffff, v42;
	v34 =	vadd.f32 v41, v46;
	v47 =	vld [tilespmem:s18+$0xE370]  }
0x3d3: {  	v49 =	vadd.s32 v20, v37;
	v50 =	vld [tilespmem:s18+$0x6170]  }
.Ltmp6:
0x3d4: {  	[tilespmem:v35+s8+$0x0] =	vst.idx.msk $0xffff, v34;
	v37 =	vadd.f32 v40, v48;
	v35 =	vld [tilespmem:s18+$0xE3B0];
	(pc) =	sbr.rel @p0 .LBB2_15-.Ltmp6, $4  }
0x3d5: {  	s4 =	sadd.s32 $0x7, s26;
	v39 =	vadd.s32 v24, v39;
	v36 =	vld [tilespmem:s18+$0x61B0]  }
0x3d6: {  	s25 =	sadd.s32 $0x800, s25;
	v40 =	vmov s4;
	v34 =	vld [tilespmem:s18+$0xE230];
	[tilespmem:v44+s8+$0x0] =	vst.idx.msk $0xffff, v37;
	v43 =	vadd.f32 v45, v43  }
0x3d7: {  	v38 =	vadd.s32 v28, v38;
	v40 =	vshrl.u32 v40, $0x3;
	v37 =	vld [tilespmem:s18+$0x6030];
	s18 =	sshra.s32 s25, $0x2  }
0x3d8: {  	s26 =	sadd.s32 $0x8, s26;
	v46 =	vmov s2;
	v41 =	vshll.u32 v40, v1;
	v42 =	vld [tilespmem:s18+$0xE3C0];
	[tilespmem:v49+s8+$0x0] =	vst.idx.msk $0xffff, v43;
	v40 =	vadd.f32 v50, v47  }
0x3d9: {  	v44 =	vld [tilespmem:s18+$0xE200];
	_ =	sdelay $0x4  }
0x3da: {  	v43 =	vld [tilespmem:s18+$0x61C0];
	v41 =	vbroadcast v41, $0x0;
	[tilespmem:$0x1FF00] =	vst v44  }
0x3db: {  	v44 =	vld [tilespmem:s18+$0x6000]  }
0x3dc: {  	v61 =	vadd.s32 v29, v41;
	_ =	sdelay $0x2  }
0x3dd: {  	v42 =	vadd.f32 v43, v42  }
0x3de: {  	[tilespmem:$0x1FF10] =	vst v44  }
0x3df: {  	s4 =	sadd.s32 $0x1, s2;
	v45 =	vld [tilespmem:s18+$0xE240];
	[tilespmem:v61+s8+$0x0] =	vst.idx.msk $0xffff, v42  }
0x3e0: {  	v62 =	vmov s4;
	v44 =	vld [tilespmem:s18+$0xE3D0]  }
0x3e1: {  	v42 =	vshrl.u32 v62, $0x3;
	v53 =	vld [tilespmem:s18+$0x61D0]  }
0x3e2: {  	v49 =	vld [tilespmem:s18+$0x6040];
	v42 =	vshll.u32 v42, v1  }
0x3e3: {  	s10 =	sadd.s32 $0x2, s2;
	v56 =	vadd.s32 v30, v41;
	v50 =	vld [tilespmem:s18+$0xE280];
	v48 =	vbroadcast v42, $0x0  }
0x3e4: {  	v63 =	vmov s10;
	v51 =	vld [tilespmem:s18+$0x6080]  }
0x3e5: {  	v43 =	vshrl.u32 v63, $0x3;
	v52 =	vld [tilespmem:s18+$0xE2C0];
	v59 =	vadd.s32 v5, v48  }
0x3e6: {  	v54 =	vshll.u32 v43, v1;
	v55 =	vld [tilespmem:s18+$0x60C0];
	v53 =	vadd.f32 v53, v44  }
0x3e7: {  	v63 =	vbroadcast v54, $0x0;
	v54 =	vld [tilespmem:s18+$0xE300];
	[tilespmem:$0x1FF20] =	vst v41  }
0x3e8: {  	s25 =	sadd.s32 $0x3, s2;
	v49 =	vadd.f32 v49, v45;
	[tilespmem:v56+s8+$0x0] =	vst.idx.msk $0xffff, v53  }
0x3e9: {  	v57 =	vmov s25;
	v53 =	vld [tilespmem:s18+$0xE3E0]  }
0x3ea: {  	s26 =	sadd.s32 $0x4, s2;
	v57 =	vshrl.u32 v57, $0x3;
	v60 =	vadd.s32 v9, v63;
	[tilespmem:v59+s8+$0x0] =	vst.idx.msk $0xffff, v49;
	v49 =	vld [tilespmem:s18+$0x61E0]  }
0x3eb: {  	v57 =	vshll.u32 v57, v1;
	v62 =	vmov s26;
	v58 =	vld [tilespmem:s18+$0x6100]  }
0x3ec: {  	v47 =	vbroadcast v57, $0x0;
	v62 =	vshrl.u32 v62, $0x3;
	v41 =	vadd.s32 v31, v41;
	v61 =	vld [tilespmem:s18+$0xE340]  }
0x3ed: {  	s31 =	sadd.s32 $0x5, s2;
	v42 =	vld [tilespmem:s18+$0x6140];
	v43 =	vshll.u32 v62, v1;
	v50 =	vadd.f32 v51, v50  }
0x3ee: {  	s4 =	sadd.s32 $0x6, s2;
	v57 =	vld [tilespmem:s18+$0xE380];
	v51 =	vadd.s32 v13, v47;
	v45 =	vbroadcast v43, $0x0;
	v43 =	vmov s31  }
0x3ef: {  	v62 =	vld [tilespmem:s18+$0x6180];
	v44 =	vmov s4;
	[tilespmem:v60+s8+$0x0] =	vst.idx.msk $0xffff, v50;
	v56 =	vshrl.u32 v43, $0x3;
	v49 =	vadd.f32 v49, v53  }
0x3f0: {  	v56 =	vshll.u32 v56, v1;
	v59 =	vshrl.u32 v44, $0x3;
	v44 =	vld [tilespmem:s18+$0xE290]  }
0x3f1: {  	v50 =	vadd.s32 v17, v45;
	v60 =	vld [tilespmem:s18+$0xE250];
	v56 =	vbroadcast v56, $0x0;
	[tilespmem:v41+s8+$0x0] =	vst.idx.msk $0xffff, v49  }
0x3f2: {  	v52 =	vadd.f32 v55, v52;
	v49 =	vld [tilespmem:s18+$0xE3F0]  }
0x3f3: {  	v43 =	vadd.f32 v58, v54;
	v55 =	vld [tilespmem:s18+$0x6050];
	v54 =	vadd.s32 v21, v56  }
0x3f4: {  	v59 =	vshll.u32 v59, v1;
	[tilespmem:v51+s8+$0x0] =	vst.idx.msk $0xffff, v52;
	v52 =	vld [tilespmem:s18+$0x6090]  }
0x3f5: {  	v58 =	vbroadcast v59, $0x0;
	v59 =	vld [tilespmem:s18+$0xE2D0]  }
0x3f6: {  	[tilespmem:v50+s8+$0x0] =	vst.idx.msk $0xffff, v43;
	v50 =	vld [tilespmem:s18+$0x60D0];
	v41 =	vadd.f32 v42, v61  }
0x3f7: {  	v53 =	vld [tilespmem:s18+$0xE310];
	[tilespmem:$0x1FF30] =	vst v49  }
0x3f8: {  	v46 =	vshrl.u32 v46, $0x3;
	[tilespmem:v54+s8+$0x0] =	vst.idx.msk $0xffff, v41  }
0x3f9: {  	v46 =	vshll.u32 v46, v1;
	v42 =	vld [tilespmem:$0x1FF00]  }
0x3fa: {  	v46 =	vbroadcast v46, $0x0;
	v51 =	vadd.s32 v25, v58;
	v43 =	vld [tilespmem:$0x1FF10];
	_ =	sdelay $0x1  }
0x3fb: {  	v61 =	vadd.s32 v0, v46;
	v49 =	vld [tilespmem:s18+$0x61F0]  }
0x3fc: {  	v41 =	vadd.f32 v62, v57;
	v54 =	vld [tilespmem:s18+$0x6110]  }
0x3fd: {  	v57 =	vadd.s32 v6, v48;
	v62 =	vld [tilespmem:s18+$0xE350]  }
0x3fe: {  	[tilespmem:v51+s8+$0x0] =	vst.idx.msk $0xffff, v41;
	v41 =	vld [tilespmem:s18+$0x6150];
	v42 =	vadd.f32 v43, v42  }
0x3ff: {  	v51 =	vadd.s32 v10, v63;
	v43 =	vld [tilespmem:s18+$0xE390]  }
0x400: {  	[tilespmem:v61+s8+$0x0] =	vst.idx.msk $0xffff, v42;
	v42 =	vadd.f32 v55, v60;
	v55 =	vld [tilespmem:s18+$0x6190]  }
0x401: {  	v60 =	vadd.s32 v14, v47;
	v61 =	vld [tilespmem:s18+$0xE210]  }
0x402: {  	[tilespmem:v57+s8+$0x0] =	vst.idx.msk $0xffff, v42;
	v42 =	vadd.f32 v52, v44;
	v44 =	vld [tilespmem:s18+$0x6010]  }
0x403: {  	v52 =	vadd.s32 v18, v45;
	v57 =	vld [tilespmem:s18+$0xE260]  }
0x404: {  	[tilespmem:v51+s8+$0x0] =	vst.idx.msk $0xffff, v42;
	v42 =	vadd.f32 v50, v59;
	v50 =	vld [tilespmem:s18+$0x6060]  }
0x405: {  	v51 =	vadd.s32 v22, v56;
	v59 =	vld [tilespmem:s18+$0xE2A0]  }
0x406: {  	[tilespmem:v60+s8+$0x0] =	vst.idx.msk $0xffff, v42;
	v42 =	vadd.f32 v54, v53;
	v53 =	vld [tilespmem:s18+$0x60A0]  }
0x407: {  	v54 =	vadd.s32 v26, v58;
	v60 =	vld [tilespmem:s18+$0xE2E0]  }
0x408: {  	v41 =	vadd.f32 v41, v62;
	[tilespmem:v52+s8+$0x0] =	vst.idx.msk $0xffff, v42;
	v42 =	vld [tilespmem:s18+$0x60E0]  }
0x409: {  	v52 =	vadd.s32 v2, v46;
	v62 =	vld [tilespmem:s18+$0xE320]  }
0x40a: {  	[tilespmem:v51+s8+$0x0] =	vst.idx.msk $0xffff, v41;
	v41 =	vadd.f32 v55, v43;
	v43 =	vld [tilespmem:s18+$0x6120]  }
0x40b: {  	v51 =	vadd.s32 v7, v48;
	v55 =	vld [tilespmem:s18+$0xE360]  }
0x40c: {  	v44 =	vadd.f32 v44, v61;
	[tilespmem:v54+s8+$0x0] =	vst.idx.msk $0xffff, v41;
	v41 =	vld [tilespmem:s18+$0x6160]  }
0x40d: {  	v54 =	vadd.s32 v11, v63;
	v61 =	vld [tilespmem:s18+$0xE3A0]  }
0x40e: {  	[tilespmem:v52+s8+$0x0] =	vst.idx.msk $0xffff, v44;
	v44 =	vadd.f32 v50, v57;
	v50 =	vld [tilespmem:s18+$0x61A0]  }
0x40f: {  	v52 =	vadd.s32 v15, v47;
	v57 =	vld [tilespmem:s18+$0xE220]  }
0x410: {  	[tilespmem:v51+s8+$0x0] =	vst.idx.msk $0xffff, v44;
	v44 =	vadd.f32 v53, v59;
	v51 =	vld [tilespmem:s18+$0x6020]  }
0x411: {  	v53 =	vadd.s32 v19, v45;
	v59 =	vld [tilespmem:s18+$0xE270]  }
0x412: {  	v42 =	vadd.f32 v42, v60;
	[tilespmem:v54+s8+$0x0] =	vst.idx.msk $0xffff, v44;
	v44 =	vld [tilespmem:s18+$0x6070]  }
0x413: {  	v54 =	vadd.s32 v23, v56;
	v60 =	vld [tilespmem:s18+$0xE2B0]  }
0x414: {  	[tilespmem:v52+s8+$0x0] =	vst.idx.msk $0xffff, v42;
	v42 =	vadd.f32 v43, v62;
	v43 =	vld [tilespmem:s18+$0x60B0];
	v52 =	vadd.s32 v27, v58  }
0x415: {  	v62 =	vld [tilespmem:s18+$0xE2F0]  }
0x416: {  	v41 =	vadd.f32 v41, v55;
	[tilespmem:v53+s8+$0x0] =	vst.idx.msk $0xffff, v42;
	v42 =	vld [tilespmem:s18+$0x60F0];
	v53 =	vadd.s32 v3, v46  }
0x417: {  	[tilespmem:v39+s8+$0x0] =	vst.idx.msk $0xffff, v40;
	v61 =	vadd.f32 v50, v61;
	v55 =	vld [tilespmem:s18+$0xE330]  }
0x418: {  	v35 =	vadd.f32 v36, v35;
	v50 =	vld [tilespmem:s18+$0x6130];
	[tilespmem:v54+s8+$0x0] =	vst.idx.msk $0xffff, v41  }
0x419: {  	v57 =	vadd.f32 v51, v57;
	v54 =	vld [tilespmem:$0x1FF20];
	[tilespmem:v52+s8+$0x0] =	vst.idx.msk $0xffff, v61  }
0x41a: {  	v33 =	vadd.s32 v4, v33;
	v34 =	vadd.f32 v37, v34;
	[tilespmem:v38+s8+$0x0] =	vst.idx.msk $0xffff, v35;
	v37 =	vld [tilespmem:s18+$0xE3B0]  }
0x41b: {  	v35 =	vadd.s32 v12, v63;
	v63 =	vld [tilespmem:s18+$0x61B0];
	[tilespmem:v53+s8+$0x0] =	vst.idx.msk $0xffff, v57  }
0x41c: {  	v61 =	vadd.s32 v16, v47;
	v38 =	vld [tilespmem:$0x1FF30]  }
0x41d: {  	v58 =	vadd.s32 v28, v58;
	v39 =	vld [tilespmem:s18+$0xE370]  }
0x41e: {  	v40 =	vadd.s32 v8, v48;
	v48 =	vld [tilespmem:s18+$0x6170];
	v53 =	vadd.f32 v43, v60;
	v36 =	vadd.s32 v32, v54  }
0x41f: {  	v51 =	vadd.s32 v20, v45;
	v57 =	vadd.f32 v42, v62;
	[tilespmem:v33+s8+$0x0] =	vst.idx.msk $0xffff, v34;
	v52 =	vld [tilespmem:s18+$0xE230]  }
0x420: {  	v54 =	vadd.s32 v24, v56;
	v56 =	vld [tilespmem:s18+$0x6030];
	[tilespmem:v35+s8+$0x0] =	vst.idx.msk $0xffff, v53;
	v62 =	vadd.f32 v63, v37  }
0x421: {  	[tilespmem:v61+s8+$0x0] =	vst.idx.msk $0xffff, v57;
	v38 =	vadd.f32 v49, v38  }
0x422: {  	v60 =	vadd.s32 v4, v46;
	v49 =	vadd.f32 v44, v59;
	[tilespmem:v58+s8+$0x0] =	vst.idx.msk $0xffff, v62  }
0x423: {  	v59 =	vadd.f32 v50, v55;
	[tilespmem:v36+s8+$0x0] =	vst.idx.msk $0xffff, v38  }
0x424: {  	v61 =	vadd.f32 v48, v39;
	[tilespmem:v40+s8+$0x0] =	vst.idx.msk $0xffff, v49  }
0x425: {  	[tilespmem:v51+s8+$0x0] =	vst.idx.msk $0xffff, v59;
	v63 =	vadd.f32 v56, v52  }
0x426: {  	[tilespmem:v54+s8+$0x0] =	vst.idx.msk $0xffff, v61  }
0x427: {  	s10 =	simm.s32 $0x16800;
	s4 =	sadd.s32 s17, s16;
	[tilespmem:v60+s8+$0x0] =	vst.idx.msk $0xffff, v63  }
0x428: {  	[hbm4b:s4+s3] =	stream.linear.scatter [tilespmem:s10], [sflag:$0xC], $0x80, $0x38;
	[tilespmem:$0x18A00] =	vst v63  }
0x429: {  	s17 =	simm.s32 $0x16888;
	s18 =	sadd.s32 $0x10, s4  }
0x42a: {  	[hbm4b:s18+s3] =	stream.linear.scatter [tilespmem:s17], [sflag:$0xC], $0x80, $0x38;
	[tilespmem:$0x18A00] =	vst v63  }
0x42b: {  	s21 =	simm.s32 $0x16910;
	s2 =	simm.s32 $0x440;
	s25 =	sadd.s32 $0x20, s4  }
0x42c: {  	[hbm4b:s25+s3] =	stream.linear.scatter [tilespmem:s21], [sflag:$0xC], $0x80, $0x38;
	[tilespmem:$0x18A00] =	vst v63  }
0x42d: {  	s26 =	simm.s32 $0x16998;
	s31 =	sadd.s32 $0x30, s4;
	s17 =	simm.s32 $0x16A20  }
0x42e: {  	[hbm4b:s31+s3] =	stream.linear.scatter [tilespmem:s26], [sflag:$0xC], $0x80, $0x38;
	[tilespmem:$0x18A00] =	vst v63  }
0x42f: {  	s18 =	sadd.s32 $0x40, s4;
	s21 =	simm.s32 $0x16AA8;
	s25 =	sadd.s32 $0x50, s4  }
0x430: {  	[hbm4b:s18+s3] =	stream.linear.scatter [tilespmem:s17], [sflag:$0xC], $0x80, $0x38;
	[tilespmem:$0x18A00] =	vst v63  }
0x431: {  	s26 =	simm.s32 $0x16B30;
	s31 =	sadd.s32 $0x60, s4;
	s18 =	simm.s32 $0x2200  }
0x432: {  	[hbm4b:s25+s3] =	stream.linear.scatter [tilespmem:s21], [sflag:$0xC], $0x80, $0x38;
	[tilespmem:$0x18A00] =	vst v63  }
0x433: {  	s17 =	sadd.s32 $0x200, s4;
	s25 =	simm.s32 $0x16BB8;
	s21 =	sadd.s32 $0x70, s4  }
0x434: {  	[hbm4b:s31+s3] =	stream.linear.scatter [tilespmem:s26], [sflag:$0xC], $0x80, $0x38;
	[tilespmem:$0x18A00] =	vst v63  }
.LBB2_17:
0x435: {  	[hbm4b:s21+s3] =	stream.linear.scatter [tilespmem:s25], [sflag:$0xC], $0x80, $0x38;
	[tilespmem:$0x18A00] =	vst v63  }
0x436: {  	s4 =	smov.u32 s2;
	s2 =	smov.u32 s18  }
0x437: {  	s10 =	sadd.s32 $0x1100, s18;
	s2 =	sshra.s32 s2, $0x2;
	s21 =	sadd.s32 $0x16800, s4  }
0x438: {  	[hbm4b:s17+s3] =	stream.linear.scatter [tilespmem:s21], [sflag:$0xC], $0x80, $0x38;
	[tilespmem:$0x18A00] =	vst v63  }
0x439: {  	p0 =	sne.s32 s18, $0x7700;
	s18 =	sadd.s32 $0x16888, s4;
	s21 =	sadd.s32 $0x10, s17  }
0x43a: {  	[hbm4b:s21+s3] =	stream.linear.scatter [tilespmem:s18], [sflag:$0xC], $0x80, $0x38;
	[tilespmem:$0x18A00] =	vst v63  }
0x43b: {  	s18 =	sadd.s32 $0x16910, s4;
	s21 =	sadd.s32 $0x20, s17  }
0x43c: {  	[hbm4b:s21+s3] =	stream.linear.scatter [tilespmem:s18], [sflag:$0xC], $0x80, $0x38;
	[tilespmem:$0x18A00] =	vst v63  }
0x43d: {  	s18 =	sadd.s32 $0x16998, s4;
	s21 =	sadd.s32 $0x30, s17  }
0x43e: {  	[hbm4b:s21+s3] =	stream.linear.scatter [tilespmem:s18], [sflag:$0xC], $0x80, $0x38;
	[tilespmem:$0x18A00] =	vst v63  }
0x43f: {  	s18 =	sadd.s32 $0x16A20, s4;
	s21 =	sadd.s32 $0x40, s17  }
0x440: {  	[hbm4b:s21+s3] =	stream.linear.scatter [tilespmem:s18], [sflag:$0xC], $0x80, $0x38;
	[tilespmem:$0x18A00] =	vst v63  }
.Ltmp7:
0x441: {  	s18 =	sadd.s32 $0x16AA8, s4;
	s21 =	sadd.s32 $0x50, s17;
	(pc) =	sbr.rel @p0 .LBB2_17-.Ltmp7, $4  }
0x442: {  	[hbm4b:s21+s3] =	stream.linear.scatter [tilespmem:s18], [sflag:$0xC], $0x80, $0x38;
	[tilespmem:$0x18A00] =	vst v63  }
0x443: {  	s25 =	sadd.s32 $0x16BB8, s4;
	s18 =	sadd.s32 $0x16B30, s4;
	s21 =	sadd.s32 $0x60, s17  }
0x444: {  	[hbm4b:s21+s3] =	stream.linear.scatter [tilespmem:s18], [sflag:$0xC], $0x80, $0x38;
	[tilespmem:$0x18A00] =	vst v63  }
0x445: {  	s21 =	sadd.s32 $0x70, s17;
	s17 =	sadd.s32 $0x200, s17;
	s18 =	smov.u32 s10  }
0x446: {  	[hbm4b:s21+s3] =	stream.linear.scatter [tilespmem:s25], [sflag:$0xC], $0x80, $0x38;
	[tilespmem:$0x18A00] =	vst v63  }
0x447: {  	s4 =	sadd.s32 $0x16800, s2  }
0x448: {  	[hbm4b:s17+s3] =	stream.linear.scatter [tilespmem:s4], [sflag:$0xC], $0x80, $0x38;
	[tilespmem:$0x18A00] =	vst v63  }
0x449: {  	s31 =	sadd.s32 $0x16888, s2;
	s10 =	sadd.s32 $0x10, s17  }
0x44a: {  	[hbm4b:s10+s3] =	stream.linear.scatter [tilespmem:s31], [sflag:$0xC], $0x80, $0x38;
	[tilespmem:$0x18A00] =	vst v63  }
0x44b: {  	s18 =	sadd.s32 $0x20, s17;
	s10 =	sadd.s32 $0x16910, s2  }
0x44c: {  	[hbm4b:s18+s3] =	stream.linear.scatter [tilespmem:s10], [sflag:$0xC], $0x80, $0x38;
	[tilespmem:$0x18A00] =	vst v63  }
0x44d: {  	s21 =	sadd.s32 $0x16998, s2;
	s25 =	sadd.s32 $0x30, s17  }
0x44e: {  	[hbm4b:s25+s3] =	stream.linear.scatter [tilespmem:s21], [sflag:$0xC], $0x80, $0x38;
	[tilespmem:$0x18A00] =	vst v63  }
0x44f: {  	s26 =	sadd.s32 $0x16A20, s2;
	s9 =	sadd.s32 $0x1, s9;
	s31 =	sadd.s32 $0x40, s17  }
0x450: {  	[hbm4b:s31+s3] =	stream.linear.scatter [tilespmem:s26], [sflag:$0xC], $0x80, $0x38;
	[tilespmem:$0x18A00] =	vst v63  }
0x451: {  	p0 =	sne.s32 s9, $0x80;
	s10 =	sadd.s32 $0x16AA8, s2;
	s18 =	sadd.s32 $0x50, s17  }
0x452: {  	[hbm4b:s18+s3] =	stream.linear.scatter [tilespmem:s10], [sflag:$0xC], $0x80, $0x38;
	[tilespmem:$0x18A00] =	vst v63  }
.Ltmp8:
0x453: {  	_ = 	snop;
	(pc) =	sbr.rel @p0 .LBB2_2-.Ltmp8, $4  }
0x454: {  	s21 =	sadd.s32 $0x16B30, s2;
	s25 =	sadd.s32 $0x60, s17  }
0x455: {  	[hbm4b:s25+s3] =	stream.linear.scatter [tilespmem:s21], [sflag:$0xC], $0x80, $0x38;
	[tilespmem:$0x18A00] =	vst v63  }
0x456: {  	s26 =	sadd.s32 $0x16BB8, s2;
	s31 =	sadd.s32 $0x70, s17  }
0x457: {  	[hbm4b:s31+s3] =	stream.linear.scatter [tilespmem:s26], [sflag:$0xC], $0x80, $0x38;
	[tilespmem:$0x18A00] =	vst v63  }
0x458: {  	s2 =	simm.s32 $0x9  }
0x459: {  	_ =	swait.ge [sflag:s2], $0x2000  }
0x45a: {  	[sflag:s2] =	ssyncset.done $0x0  }
0x45b: {  	s25 =	simm.s32 $0xA;
	[sflag:s2] =	ssyncadd.s32 $0xFFFFE000  }
0x45c: {  	_ =	swait.ge [sflag:s25], $0x2000  }
0x45d: {  	[sflag:s25] =	ssyncset.done $0x0  }
0x45e: {  	s26 =	simm.s32 $0xB;
	[sflag:s25] =	ssyncadd.s32 $0xFFFFE000  }
0x45f: {  	_ =	swait.ge [sflag:s26], $0x2000  }
0x460: {  	[sflag:s26] =	ssyncset.done $0x0  }
0x461: {  	[sflag:s26] =	ssyncadd.s32 $0xFFFFE000  }
0x462: {  	_ =	swait.ge [sflag:s22], $0x2000  }
0x463: {  	s4 =	rddreg [dreg:$0xa]  }
0x464: {  	s31 =	rddreg [dreg:$0x9];
	s4 =	sadd.s32 $0x1, s4  }
0x465: {  	p0 =	sne.s32 s4, s31  }
.Ltmp9:
0x466: {  	_ = 	snop;
	(pc) =	sbr.rel @p0 .LBB2_1-.Ltmp9, $3  }
0x467: {  	_ =	sdelay $0x1  }
0x468: {  	[sflag:s22] =	ssyncset.done $0x0  }
0x469: {  	[sflag:s22] =	ssyncadd.s32 $0xFFFFE000  }
0x46a: {  	_ =	sfence.sel $0x180000  }
0x46b: {  	[bflag:$0x0] =	sbarrier.arrive $0xFFFF  }
0x46c: {  	_ =	strace $0x90000047  }
0x46d: {  	s0 =	stileid.u32;
	[bflag:$0x2] =	sbarrier.arrive $0xFFFF  }
0x46e: {  	p0 =	sne.s32 s0, $0x0;
	s0 =	rddreg [dreg:$0x2]  }
0x46f: {  	s0 =	sadd.s32 @!p0 $0x100000, s0  }
0x470: {  	[sflag:s0] =	ssyncadd.tile.s32 @!p0 $0x1;
	_ =	shalt  }
.Lfunc_end2:
_tile_overlayer_lowered:
.L_overlay_start_2:
0x471: {  	(tag) =	ssettag $0x2  }
0x472: {  	s0 =	rddreg [dreg:$0x0];
	s2 =	stileid.u32  }
0x473: {  	s1 =	rddreg [dreg:$0x1];
	p0 =	sne.s32 s2, $0x0  }
0x474: {  	s3 =	rddreg [dreg:$0x2];
	[bflag:$0x3] =	sbarrier.arrive $0xFFFF;
	s2 =	simm.s32 @!p0 $0x1C0D  }
0x475: {  	[timem:s3], [sflag:s2] =	dma.local @!p0 [hbm:s0], s1  }
0x476: {  	s0 =	simm.s32 @!p0 $0xD  }
0x477: {  	_ =	swait.ge @!p0 [sflag:s0], s1  }
0x478: {  	s1 =	ssub.s32 @!p0 $0x0, s1;
	[sflag:s0] =	ssyncset.done @!p0 $0x0  }
0x479: {  	[sflag:s0] =	ssyncadd.s32 @!p0 s1  }
0x47a: {  	[bflag:$0x3] =	sbarrier.arrive $0xFFFF  }
0x47b: {  	_ =	shalt  }

</sc_bundles>
